<compile_context>
chip_gen: v7x
topology: tpu7x:2x2x1
jax: 0.10.2.dev20260603
libtpu: 0.0.44.dev20260713+nightly
codegen_flags: <defaults>
</compile_context>

<pallas_src>
import functools

import jax
import jax.numpy as jnp
from jax import lax
from jax.experimental import pallas as pl
from jax.experimental.pallas import tpu as pltpu
from jax.experimental.pallas import tpu_sc as plsc

NUM_CORES = 2
NUM_SUBCORES = 16
NL = 16
NW = NUM_CORES * NUM_SUBCORES

B = 1024
L = 200
E = 64
V = 1000000

VCH = 384
VMAIN = 999936
NCH1 = VMAIN // VCH
TAILV = 128

BCH = 128
LCH = 8


def _t_common(ib, ob, ncols, iota):
    def ub_body(ub, carry):
        u0 = ub * NL

        def s_body(s, carry2):
            uvec = u0 + ((iota + s) & (NL - 1))
            jvec = lax.shift_right_logical(uvec, 1)
            pvec = (uvec & 1) << 6
            for e0 in range(0, E, NL):
                evec = iota + e0
                v = plsc.load_gather(ib, [evec, uvec])
                plsc.store_scatter(ob, [jvec, pvec + evec], v)
            return carry2

        lax.fori_loop(0, NL, s_body, 0, unroll=4)
        return carry

    lax.fori_loop(0, ncols // NL, ub_body, 0)


def _body1(tt_hbm, tail_hbm, scr_hbm, ib0, ib1, ob0, ob1, sg0, sg1, so0, so1):
    wid = lax.axis_index("s") * NUM_CORES + lax.axis_index("c")
    iota = lax.iota(jnp.int32, NL)
    ibs, obs, sgs, sos = (ib0, ib1), (ob0, ob1), (sg0, sg1), (so0, so1)

    nch = (NCH1 - wid + NW - 1) // NW

    def in_start(c, slot):
        v0 = pl.multiple_of(c * VCH, 128)
        pltpu.async_copy(tt_hbm.at[slice(None), pl.ds(v0, VCH)],
                         ibs[slot], sgs[slot])

    def in_wait(c, slot):
        v0 = pl.multiple_of(c * VCH, 128)
        pltpu.make_async_copy(
            tt_hbm.at[slice(None), pl.ds(v0, VCH)],
            ibs[slot], sgs[slot]).wait()

    def out_start(c, slot):
        r0 = pl.multiple_of(c * (VCH // 2), 8)
        pltpu.async_copy(obs[slot],
                         scr_hbm.at[pl.ds(r0, VCH // 2)], sos[slot])

    def out_wait(c, slot):
        r0 = pl.multiple_of(c * (VCH // 2), 8)
        pltpu.make_async_copy(
            obs[slot],
            scr_hbm.at[pl.ds(r0, VCH // 2)], sos[slot]).wait()

    in_start(wid, 0)

    def step(i, slot):
        c = wid + i * NW

        @pl.when(i + 1 < nch)
        def _():
            in_start(c + NW, 1 - slot)

        in_wait(c, slot)

        @pl.when(i >= 2)
        def _():
            out_wait(c - 2 * NW, slot)

        _t_common(ibs[slot], obs[slot], VCH, iota)
        out_start(c, slot)

    def pair_body(p, carry):
        i0 = 2 * p

        @pl.when(i0 < nch)
        def _():
            step(i0, 0)

        @pl.when(i0 + 1 < nch)
        def _():
            step(i0 + 1, 1)

        return carry

    lax.fori_loop(0, (NCH1 // NW + 2) // 2, pair_body, 0)
    out_wait(wid, 0)
    out_wait(wid, 1)

    @pl.when(wid == NW - 1)
    def _():
        pltpu.sync_copy(tail_hbm, ibs[0].at[slice(None), pl.ds(0, TAILV)])
        _t_common(ibs[0], obs[0], TAILV, iota)
        pltpu.sync_copy(
            obs[0].at[pl.ds(TAILV // 4, TAILV // 4)],
            scr_hbm.at[pl.ds(VMAIN // 2, TAILV // 4)])


def _body2(xt_hbm, scr_hbm, out_hbm, idxr, idx2, rows0, rows1, out_u,
           sg0, sg1, so):
    wid = lax.axis_index("s") * NUM_CORES + lax.axis_index("c")
    bc = wid % 8
    lr = wid // 8
    b0 = pl.multiple_of(bc * BCH, 128)
    iota = lax.iota(jnp.int32, NL)
    rows = (rows0, rows1)
    sgs = (sg0, sg1)

    def stage_chunk(l0):
        pltpu.sync_copy(xt_hbm.at[pl.ds(pl.multiple_of(l0, 8), LCH),
                                  pl.ds(b0, BCH)], idxr)
        def lrow(j, carry):
            for bq in range(BCH // NL):
                vv = idxr[j, pl.ds(bq * NL, NL)]
                idx2[j, pl.ds(bq * NL, NL)] = lax.shift_right_logical(vv, 1)
            return carry
        lax.fori_loop(0, LCH, lrow, 0)

    def gather_start(j, slot):
        pltpu.async_copy(scr_hbm.at[idx2.at[j]], rows[slot], sgs[slot])

    def gather_wait(j, slot):
        pltpu.make_async_copy(scr_hbm.at[idx2.at[j]], rows[slot], sgs[slot]).wait()

    def transpose_l(lp, slot):
        lspl = jnp.full((NL,), 0, jnp.int32) + lp

        def bq_body(bq, carry):
            bvec = iota + bq * NL
            par = lax.shift_left(idxr[lp, pl.ds(bq * NL, NL)] & 1, 6)

            def s_body(s, carry2):
                diag = (iota + s) & (NL - 1)
                for e0 in range(0, E, NL):
                    ev = par + diag + e0
                    v = plsc.load_gather(rows[slot], [bvec, ev])
                    plsc.store_scatter(out_u, [diag + e0, lspl, bvec], v)
                return carry2

            lax.fori_loop(0, NL, s_body, 0, unroll=4)
            return carry

        lax.fori_loop(0, BCH // NL, bq_body, 0)

    def chunk_body(k, carry):
        l0 = (lr + 4 * k) * LCH
        stage_chunk(l0)
        gather_start(0, 0)

        def lp_body(lp, carry2):
            l2 = 2 * lp
            gather_wait(l2, 0)
            gather_start(l2 + 1, 1)
            transpose_l(l2, 0)

            @pl.when(lp < LCH // 2 - 1)
            def _():
                gather_start(l2 + 2, 0)

            gather_wait(l2 + 1, 1)
            transpose_l(l2 + 1, 1)
            return carry2

        lax.fori_loop(0, LCH // 2, lp_body, 0)
        pltpu.sync_copy(
            out_u,
            out_hbm.at[slice(None), pl.ds(pl.multiple_of(l0, 8), LCH),
                       pl.ds(b0, BCH)])
        return carry

    nchunk = jnp.where(lr == 0, 7, 6)
    lax.fori_loop(0, nchunk, chunk_body, 0)


@functools.partial(jax.jit, static_argnames=())
def kernel(x, table):
    xt = x.T
    tt = table.T
    tail = lax.slice(tt, (0, V - TAILV), (E, V))
    mesh = plsc.VectorSubcoreMesh(
        core_axis_name="c", subcore_axis_name="s",
        num_cores=NUM_CORES, num_subcores=NUM_SUBCORES)
    cp = pltpu.CompilerParams(use_tc_tiling_on_sc=True, needs_layout_passes=False)

    k1 = pl.kernel(
        _body1,
        out_type=jax.ShapeDtypeStruct((V // 2, 128), jnp.float32),
        mesh=mesh,
        scratch_types=[
            pltpu.VMEM((E, VCH), jnp.float32),
            pltpu.VMEM((E, VCH), jnp.float32),
            pltpu.VMEM((VCH // 2, 128), jnp.float32),
            pltpu.VMEM((VCH // 2, 128), jnp.float32),
            pltpu.SemaphoreType.DMA,
            pltpu.SemaphoreType.DMA,
            pltpu.SemaphoreType.DMA,
            pltpu.SemaphoreType.DMA,
        ],
        compiler_params=cp,
    )
    scr = k1(tt, tail)

    k2 = pl.kernel(
        _body2,
        out_type=jax.ShapeDtypeStruct((E, L, B), jnp.float32),
        mesh=mesh,
        scratch_types=[
            pltpu.VMEM((LCH, BCH), jnp.int32),
            pltpu.VMEM((LCH, BCH), jnp.int32),
            pltpu.VMEM((BCH, 128), jnp.float32),
            pltpu.VMEM((BCH, 128), jnp.float32),
            pltpu.VMEM((E, LCH, BCH), jnp.float32),
            pltpu.SemaphoreType.DMA,
            pltpu.SemaphoreType.DMA,
            pltpu.SemaphoreType.DMA,
        ],
        compiler_params=cp,
    )
    outT = k2(xt, scr)
    return outT.transpose(2, 0, 1)

# --- scband reference (transcript-rebuilt; emitter-appended) ---
"""Pipeline reference for scband-encoder-labels-37881611550886 (READ-ONLY COPY).

The authoritative reference and input builder live on the scoring server;
editing this copy changes nothing except your own understanding.
"""

import jax, jax.numpy as jnp
import numpy as np

NUM_CLASSES = 1000000
EMBED_SIZE = 64
BATCH = 1024
SEQ = 200

def setup_inputs(seed: int = 0) -> dict:
    key = jax.random.key(seed)
    k1, k2 = jax.random.split(key)
    x = jax.random.randint(k1, (BATCH, SEQ), 0, NUM_CLASSES, dtype=jnp.int64) if jax.config.read('jax_enable_x64') else jax.random.randint(k1, (BATCH, SEQ), 0, NUM_CLASSES, dtype=jnp.int32)
    table = jax.random.normal(k2, (NUM_CLASSES, EMBED_SIZE), dtype=jnp.float32) * 0.02
    return {"x": x, "table": table}

def reference(x, table):
    # Embedding lookup (mask_zero affects downstream masking only, not values).
    embeddings = jnp.take(table, x, axis=0)  # [B, L, E]
    # Dropout treated as identity (deterministic evaluation).
    embeddings = jnp.transpose(embeddings, (0, 2, 1))  # [B, E, L]
    return embeddings

if __name__ == "__main__":
    import jax
    _d = setup_inputs()
    print(jax.jit(kernel)(*tuple(_d.values())))

</pallas_src>

<mosaic_0001>
#map = affine_map<(d0, d1) -> (0, 0)>
module attributes {stable_mosaic.version = 14 : i64} {
  func.func @_body1(%arg0: i32, %arg1: i32, %arg2: memref<64x1000000xf32, #tpu.memory_space<hbm>>, %arg3: memref<64x128xf32, #tpu.memory_space<hbm>>, %arg4: memref<500000x128xf32, #tpu.memory_space<hbm>>, %arg5: memref<64x384xf32, #tpu.memory_space<vmem>>, %arg6: memref<64x384xf32, #tpu.memory_space<vmem>>, %arg7: memref<192x128xf32, #tpu.memory_space<vmem>>, %arg8: memref<192x128xf32, #tpu.memory_space<vmem>>, %arg9: memref<!tpu.dma_semaphore, #tpu.memory_space<semaphore_mem>>, %arg10: memref<!tpu.dma_semaphore, #tpu.memory_space<semaphore_mem>>, %arg11: memref<!tpu.dma_semaphore, #tpu.memory_space<semaphore_mem>>, %arg12: memref<!tpu.dma_semaphore, #tpu.memory_space<semaphore_mem>>) attributes {dimension_semantics = [#tpu.dimension_semantics<core_parallel>, #tpu.dimension_semantics<subcore_parallel>], iteration_bounds = array<i64: 2, 16>, scalar_prefetch = 0 : i64, scratch_operands = 8 : i64, tpu.core_type = #tpu.core_type<sc_vector_subcore>, window_params = [{transform_indices = #map}, {transform_indices = #map}, {transform_indices = #map}]} {
    %mul3A = arith.constant 2 : i32
    %mul3A_0 = arith.muli %arg1, %mul3A : i32
    %add3A = arith.addi %mul3A_0, %arg0 : i32
    %iota3A = tpu.iota {dimensions = array<i32: 0>} : vector<16xi32>
    %sub3A = arith.constant 2604 : i32
    %sub3A_1 = arith.subi %sub3A, %add3A : i32
    %add3A_2 = arith.constant 32 : i32
    %add3A_3 = arith.addi %sub3A_1, %add3A_2 : i32
    %sub3A_4 = arith.constant 1 : i32
    %sub3A_5 = arith.subi %add3A_3, %sub3A_4 : i32
    %jit3A = arith.constant 32 : i32
    %div3A = arith.divsi %sub3A_5, %jit3A : i32
    %sign3A = arith.constant 0 : i32
    %sign3A_6 = arith.cmpi sgt, %sub3A_5, %sign3A : i32
    %sign3A_7 = arith.extui %sign3A_6 : i1 to i32
    %sign3A_8 = arith.constant 0 : i32
    %sign3A_9 = arith.cmpi slt, %sub3A_5, %sign3A_8 : i32
    %sign3A_10 = arith.extui %sign3A_9 : i1 to i32
    %sign3A_11 = arith.subi %sign3A_7, %sign3A_10 : i32
    %sign3A_12 = arith.constant 0 : i32
    %sign3A_13 = arith.cmpi sgt, %jit3A, %sign3A_12 : i32
    %sign3A_14 = arith.extui %sign3A_13 : i1 to i32
    %sign3A_15 = arith.constant 0 : i32
    %sign3A_16 = arith.cmpi slt, %jit3A, %sign3A_15 : i32
    %sign3A_17 = arith.extui %sign3A_16 : i1 to i32
    %sign3A_18 = arith.subi %sign3A_14, %sign3A_17 : i32
    %ne3A = arith.cmpi ne, %sign3A_11, %sign3A_18 : i32
    %rem3A = arith.remsi %sub3A_5, %jit3A : i32
    %ne3A_19 = arith.constant 0 : i32
    %ne3A_20 = arith.cmpi ne, %rem3A, %ne3A_19 : i32
    %and3A = arith.andi %ne3A, %ne3A_20 : i1
    %sub3A_21 = arith.constant 1 : i32
    %sub3A_22 = arith.subi %div3A, %sub3A_21 : i32
    %select_n3A = arith.select %and3A, %sub3A_22, %div3A : i32
    %mul3A_23 = arith.constant 384 : i32
    %mul3A_24 = arith.muli %add3A, %mul3A_23 : i32
    %multiple_of3A = tpu.assume_multiple %mul3A_24, 128 : i32
    %dma_start3A = arith.constant 0 : i32
    %dma_start3A_25 = tpu.memref_slice %arg2[%dma_start3A, %multiple_of3A] : memref<64x1000000xf32, #tpu.memory_space<hbm>> -> memref<64x384xf32, #tpu.memory_space<hbm>>
    %dma_start3A_26 = arith.constant 0 : i32
    %dma_start3A_27 = tpu.memref_slice %arg2[%dma_start3A_26, %multiple_of3A] : memref<64x1000000xf32, #tpu.memory_space<hbm>> -> memref<64x384xf32, #tpu.memory_space<hbm>>
    tpu.enqueue_dma source(%dma_start3A_27 : memref<64x384xf32, #tpu.memory_space<hbm>>) target(%arg5 : memref<64x384xf32, #tpu.memory_space<vmem>>) target_semaphore(%arg9 : memref<!tpu.dma_semaphore, #tpu.memory_space<semaphore_mem>>)
    %scan3A = arith.constant 0 : i32
    %scan3A_28 = arith.constant 0 : i32
    %scan3A_29 = arith.constant 41 : i32
    %scan3A_30 = arith.addi %scan3A_28, %scan3A_29 : i32
    %scan3A_31 = arith.constant 1 : i32
    scf.for %scan3A_48 = %scan3A_28 to %scan3A_30 step %scan3A_31  : i32 {
      %mul3A_49 = arith.constant 2 : i32
      %mul3A_50 = arith.muli %mul3A_49, %scan3A_48 : i32
      %lt3A = arith.cmpi slt, %mul3A_50, %select_n3A : i32
      %convert_element_type3A_51 = arith.extui %lt3A : i1 to i32
      %cond3A_52 = arith.constant 0 : i32
      %cond3A_53 = arith.cmpi ne, %convert_element_type3A_51, %cond3A_52 : i32
      scf.if %cond3A_53 {
        %mul3A_60 = arith.constant 32 : i32
        %mul3A_61 = arith.muli %mul3A_50, %mul3A_60 : i32
        %add3A_62 = arith.addi %add3A, %mul3A_61 : i32
        %add3A_63 = arith.constant 1 : i32
        %add3A_64 = arith.addi %mul3A_50, %add3A_63 : i32
        %lt3A_65 = arith.cmpi slt, %add3A_64, %select_n3A : i32
        %convert_element_type3A_66 = arith.extui %lt3A_65 : i1 to i32
        %cond3A_67 = arith.constant 0 : i32
        %cond3A_68 = arith.cmpi ne, %convert_element_type3A_66, %cond3A_67 : i32
        scf.if %cond3A_68 {
          %add3A_93 = arith.constant 32 : i32
          %add3A_94 = arith.addi %add3A_62, %add3A_93 : i32
          %mul3A_95 = arith.constant 384 : i32
          %mul3A_96 = arith.muli %add3A_94, %mul3A_95 : i32
          %multiple_of3A_97 = tpu.assume_multiple %mul3A_96, 128 : i32
          %dma_start3A_98 = arith.constant 0 : i32
          %dma_start3A_99 = tpu.memref_slice %arg2[%dma_start3A_98, %multiple_of3A_97] : memref<64x1000000xf32, #tpu.memory_space<hbm>> -> memref<64x384xf32, #tpu.memory_space<hbm>>
          %dma_start3A_100 = arith.constant 0 : i32
          %dma_start3A_101 = tpu.memref_slice %arg2[%dma_start3A_100, %multiple_of3A_97] : memref<64x1000000xf32, #tpu.memory_space<hbm>> -> memref<64x384xf32, #tpu.memory_space<hbm>>
          tpu.enqueue_dma source(%dma_start3A_101 : memref<64x384xf32, #tpu.memory_space<hbm>>) target(%arg6 : memref<64x384xf32, #tpu.memory_space<vmem>>) target_semaphore(%arg10 : memref<!tpu.dma_semaphore, #tpu.memory_space<semaphore_mem>>)
        } else {
        }
        %mul3A_69 = arith.constant 384 : i32
        %mul3A_70 = arith.muli %add3A_62, %mul3A_69 : i32
        %multiple_of3A_71 = tpu.assume_multiple %mul3A_70, 128 : i32
        %dma_wait3A_72 = arith.constant 0 : i32
        %dma_wait3A_73 = tpu.memref_slice %arg2[%dma_wait3A_72, %multiple_of3A_71] : memref<64x1000000xf32, #tpu.memory_space<hbm>> -> memref<64x384xf32, #tpu.memory_space<hbm>>
        %dma_wait3A_74 = arith.constant 0 : i32
        %dma_wait3A_75 = tpu.memref_slice %arg2[%dma_wait3A_74, %multiple_of3A_71] : memref<64x1000000xf32, #tpu.memory_space<hbm>> -> memref<64x384xf32, #tpu.memory_space<hbm>>
        tpu.wait_dma2 semaphore(%arg9 : memref<!tpu.dma_semaphore, #tpu.memory_space<semaphore_mem>>) src(%dma_wait3A_75 : memref<64x384xf32, #tpu.memory_space<hbm>>) dst(%arg5 : memref<64x384xf32, #tpu.memory_space<vmem>>)
        %ge3A = arith.constant 2 : i32
        %ge3A_76 = arith.cmpi sge, %mul3A_50, %ge3A : i32
        %convert_element_type3A_77 = arith.extui %ge3A_76 : i1 to i32
        %cond3A_78 = arith.constant 0 : i32
        %cond3A_79 = arith.cmpi ne, %convert_element_type3A_77, %cond3A_78 : i32
        scf.if %cond3A_79 {
          %sub3A_93 = arith.constant 64 : i32
          %sub3A_94 = arith.subi %add3A_62, %sub3A_93 : i32
          %mul3A_95 = arith.constant 192 : i32
          %mul3A_96 = arith.muli %sub3A_94, %mul3A_95 : i32
          %multiple_of3A_97 = tpu.assume_multiple %mul3A_96, 8 : i32
          %dma_wait3A_98 = arith.constant 0 : i32
          %dma_wait3A_99 = tpu.memref_slice %arg4[%multiple_of3A_97, %dma_wait3A_98] : memref<500000x128xf32, #tpu.memory_space<hbm>> -> memref<192x128xf32, #tpu.memory_space<hbm>>
          %dma_wait3A_100 = arith.constant 0 : i32
          %dma_wait3A_101 = tpu.memref_slice %arg4[%multiple_of3A_97, %dma_wait3A_100] : memref<500000x128xf32, #tpu.memory_space<hbm>> -> memref<192x128xf32, #tpu.memory_space<hbm>>
          tpu.wait_dma2 semaphore(%arg11 : memref<!tpu.dma_semaphore, #tpu.memory_space<semaphore_mem>>) src(%arg7 : memref<192x128xf32, #tpu.memory_space<vmem>>) dst(%dma_wait3A_101 : memref<192x128xf32, #tpu.memory_space<hbm>>)
        } else {
        }
        %scan3A_80 = arith.constant 0 : i32
        %scan3A_81 = arith.constant 0 : i32
        %scan3A_82 = arith.constant 24 : i32
        %scan3A_83 = arith.addi %scan3A_81, %scan3A_82 : i32
        %scan3A_84 = arith.constant 1 : i32
        scf.for %scan3A_93 = %scan3A_81 to %scan3A_83 step %scan3A_84  : i32 {
          %mul3A_94 = arith.constant 16 : i32
          %mul3A_95 = arith.muli %scan3A_93, %mul3A_94 : i32
          %scan3A_96 = arith.constant 0 : i32
          %scan3A_97 = arith.constant 0 : i32
          %scan3A_98 = arith.constant 16 : i32
          %scan3A_99 = arith.addi %scan3A_97, %scan3A_98 : i32
          %scan3A_100 = arith.constant 4 : i32
          scf.for %scan3A_102 = %scan3A_97 to %scan3A_99 step %scan3A_100  : i32 {
            %add3A_103 = vector.broadcast %scan3A_102 : i32 to vector<16xi32>
            %add3A_104 = arith.addi %iota3A, %add3A_103 : vector<16xi32>
            %and3A_105 = arith.constant 15 : i32
            %and3A_106 = vector.broadcast %and3A_105 : i32 to vector<16xi32>
            %and3A_107 = arith.andi %add3A_104, %and3A_106 : vector<16xi32>
            %add3A_108 = vector.broadcast %mul3A_95 : i32 to vector<16xi32>
            %add3A_109 = arith.addi %add3A_108, %and3A_107 : vector<16xi32>
            %shift_right_logical3A = arith.constant 1 : i32
            %shift_right_logical3A_110 = vector.broadcast %shift_right_logical3A : i32 to vector<16xi32>
            %shift_right_logical3A_111 = arith.shrui %add3A_109, %shift_right_logical3A_110 : vector<16xi32>
            %and3A_112 = arith.constant 1 : i32
            %and3A_113 = vector.broadcast %and3A_112 : i32 to vector<16xi32>
            %and3A_114 = arith.andi %add3A_109, %and3A_113 : vector<16xi32>
            %shift_left3A = arith.constant 6 : i32
            %shift_left3A_115 = vector.broadcast %shift_left3A : i32 to vector<16xi32>
            %shift_left3A_116 = arith.shli %and3A_114, %shift_left3A_115 : vector<16xi32>
            %add3A_117 = arith.constant 0 : i32
            %add3A_118 = vector.broadcast %add3A_117 : i32 to vector<16xi32>
            %add3A_119 = arith.addi %iota3A, %add3A_118 : vector<16xi32>
            %gather3A = tpu.vector_load_idx %arg5[%add3A_119, %add3A_109] : memref<64x384xf32, #tpu.memory_space<vmem>>[vector<16xi32>, vector<16xi32>], vector<16xf32>,
            %add3A_120 = arith.addi %shift_left3A_116, %add3A_119 : vector<16xi32>
            tpu.vector_store_idx %arg7[%shift_right_logical3A_111, %add3A_120], %gather3A : memref<192x128xf32, #tpu.memory_space<vmem>>[vector<16xi32>, vector<16xi32>], vector<16xf32>,
            %add3A_121 = arith.constant 16 : i32
            %add3A_122 = vector.broadcast %add3A_121 : i32 to vector<16xi32>
            %add3A_123 = arith.addi %iota3A, %add3A_122 : vector<16xi32>
            %gather3A_124 = tpu.vector_load_idx %arg5[%add3A_123, %add3A_109] : memref<64x384xf32, #tpu.memory_space<vmem>>[vector<16xi32>, vector<16xi32>], vector<16xf32>,
            %add3A_125 = arith.addi %shift_left3A_116, %add3A_123 : vector<16xi32>
            tpu.vector_store_idx %arg7[%shift_right_logical3A_111, %add3A_125], %gather3A_124 : memref<192x128xf32, #tpu.memory_space<vmem>>[vector<16xi32>, vector<16xi32>], vector<16xf32>,
            %add3A_126 = arith.constant 32 : i32
            %add3A_127 = vector.broadcast %add3A_126 : i32 to vector<16xi32>
            %add3A_128 = arith.addi %iota3A, %add3A_127 : vector<16xi32>
            %gather3A_129 = tpu.vector_load_idx %arg5[%add3A_128, %add3A_109] : memref<64x384xf32, #tpu.memory_space<vmem>>[vector<16xi32>, vector<16xi32>], vector<16xf32>,
            %add3A_130 = arith.addi %shift_left3A_116, %add3A_128 : vector<16xi32>
            tpu.vector_store_idx %arg7[%shift_right_logical3A_111, %add3A_130], %gather3A_129 : memref<192x128xf32, #tpu.memory_space<vmem>>[vector<16xi32>, vector<16xi32>], vector<16xf32>,
            %add3A_131 = arith.constant 48 : i32
            %add3A_132 = vector.broadcast %add3A_131 : i32 to vector<16xi32>
            %add3A_133 = arith.addi %iota3A, %add3A_132 : vector<16xi32>
            %gather3A_134 = tpu.vector_load_idx %arg5[%add3A_133, %add3A_109] : memref<64x384xf32, #tpu.memory_space<vmem>>[vector<16xi32>, vector<16xi32>], vector<16xf32>,
            %add3A_135 = arith.addi %shift_left3A_116, %add3A_133 : vector<16xi32>
            tpu.vector_store_idx %arg7[%shift_right_logical3A_111, %add3A_135], %gather3A_134 : memref<192x128xf32, #tpu.memory_space<vmem>>[vector<16xi32>, vector<16xi32>], vector<16xf32>,
            %scan3A_136 = arith.constant 1 : i32
            %scan3A_137 = arith.addi %scan3A_102, %scan3A_136 : i32
            %add3A_138 = vector.broadcast %scan3A_137 : i32 to vector<16xi32>
            %add3A_139 = arith.addi %iota3A, %add3A_138 : vector<16xi32>
            %and3A_140 = arith.constant 15 : i32
            %and3A_141 = vector.broadcast %and3A_140 : i32 to vector<16xi32>
            %and3A_142 = arith.andi %add3A_139, %and3A_141 : vector<16xi32>
            %add3A_143 = vector.broadcast %mul3A_95 : i32 to vector<16xi32>
            %add3A_144 = arith.addi %add3A_143, %and3A_142 : vector<16xi32>
            %shift_right_logical3A_145 = arith.constant 1 : i32
            %shift_right_logical3A_146 = vector.broadcast %shift_right_logical3A_145 : i32 to vector<16xi32>
            %shift_right_logical3A_147 = arith.shrui %add3A_144, %shift_right_logical3A_146 : vector<16xi32>
            %and3A_148 = arith.constant 1 : i32
            %and3A_149 = vector.broadcast %and3A_148 : i32 to vector<16xi32>
            %and3A_150 = arith.andi %add3A_144, %and3A_149 : vector<16xi32>
            %shift_left3A_151 = arith.constant 6 : i32
            %shift_left3A_152 = vector.broadcast %shift_left3A_151 : i32 to vector<16xi32>
            %shift_left3A_153 = arith.shli %and3A_150, %shift_left3A_152 : vector<16xi32>
            %add3A_154 = arith.constant 0 : i32
            %add3A_155 = vector.broadcast %add3A_154 : i32 to vector<16xi32>
            %add3A_156 = arith.addi %iota3A, %add3A_155 : vector<16xi32>
            %gather3A_157 = tpu.vector_load_idx %arg5[%add3A_156, %add3A_144] : memref<64x384xf32, #tpu.memory_space<vmem>>[vector<16xi32>, vector<16xi32>], vector<16xf32>,
            %add3A_158 = arith.addi %shift_left3A_153, %add3A_156 : vector<16xi32>
            tpu.vector_store_idx %arg7[%shift_right_logical3A_147, %add3A_158], %gather3A_157 : memref<192x128xf32, #tpu.memory_space<vmem>>[vector<16xi32>, vector<16xi32>], vector<16xf32>,
            %add3A_159 = arith.constant 16 : i32
            %add3A_160 = vector.broadcast %add3A_159 : i32 to vector<16xi32>
            %add3A_161 = arith.addi %iota3A, %add3A_160 : vector<16xi32>
            %gather3A_162 = tpu.vector_load_idx %arg5[%add3A_161, %add3A_144] : memref<64x384xf32, #tpu.memory_space<vmem>>[vector<16xi32>, vector<16xi32>], vector<16xf32>,
            %add3A_163 = arith.addi %shift_left3A_153, %add3A_161 : vector<16xi32>
            tpu.vector_store_idx %arg7[%shift_right_logical3A_147, %add3A_163], %gather3A_162 : memref<192x128xf32, #tpu.memory_space<vmem>>[vector<16xi32>, vector<16xi32>], vector<16xf32>,
            %add3A_164 = arith.constant 32 : i32
            %add3A_165 = vector.broadcast %add3A_164 : i32 to vector<16xi32>
            %add3A_166 = arith.addi %iota3A, %add3A_165 : vector<16xi32>
            %gather3A_167 = tpu.vector_load_idx %arg5[%add3A_166, %add3A_144] : memref<64x384xf32, #tpu.memory_space<vmem>>[vector<16xi32>, vector<16xi32>], vector<16xf32>,
            %add3A_168 = arith.addi %shift_left3A_153, %add3A_166 : vector<16xi32>
            tpu.vector_store_idx %arg7[%shift_right_logical3A_147, %add3A_168], %gather3A_167 : memref<192x128xf32, #tpu.memory_space<vmem>>[vector<16xi32>, vector<16xi32>], vector<16xf32>,
            %add3A_169 = arith.constant 48 : i32
            %add3A_170 = vector.broadcast %add3A_169 : i32 to vector<16xi32>
            %add3A_171 = arith.addi %iota3A, %add3A_170 : vector<16xi32>
            %gather3A_172 = tpu.vector_load_idx %arg5[%add3A_171, %add3A_144] : memref<64x384xf32, #tpu.memory_space<vmem>>[vector<16xi32>, vector<16xi32>], vector<16xf32>,
            %add3A_173 = arith.addi %shift_left3A_153, %add3A_171 : vector<16xi32>
            tpu.vector_store_idx %arg7[%shift_right_logical3A_147, %add3A_173], %gather3A_172 : memref<192x128xf32, #tpu.memory_space<vmem>>[vector<16xi32>, vector<16xi32>], vector<16xf32>,
            %scan3A_174 = arith.constant 2 : i32
            %scan3A_175 = arith.addi %scan3A_102, %scan3A_174 : i32
            %add3A_176 = vector.broadcast %scan3A_175 : i32 to vector<16xi32>
            %add3A_177 = arith.addi %iota3A, %add3A_176 : vector<16xi32>
            %and3A_178 = arith.constant 15 : i32
            %and3A_179 = vector.broadcast %and3A_178 : i32 to vector<16xi32>
            %and3A_180 = arith.andi %add3A_177, %and3A_179 : vector<16xi32>
            %add3A_181 = vector.broadcast %mul3A_95 : i32 to vector<16xi32>
            %add3A_182 = arith.addi %add3A_181, %and3A_180 : vector<16xi32>
            %shift_right_logical3A_183 = arith.constant 1 : i32
            %shift_right_logical3A_184 = vector.broadcast %shift_right_logical3A_183 : i32 to vector<16xi32>
            %shift_right_logical3A_185 = arith.shrui %add3A_182, %shift_right_logical3A_184 : vector<16xi32>
            %and3A_186 = arith.constant 1 : i32
            %and3A_187 = vector.broadcast %and3A_186 : i32 to vector<16xi32>
            %and3A_188 = arith.andi %add3A_182, %and3A_187 : vector<16xi32>
            %shift_left3A_189 = arith.constant 6 : i32
            %shift_left3A_190 = vector.broadcast %shift_left3A_189 : i32 to vector<16xi32>
            %shift_left3A_191 = arith.shli %and3A_188, %shift_left3A_190 : vector<16xi32>
            %add3A_192 = arith.constant 0 : i32
            %add3A_193 = vector.broadcast %add3A_192 : i32 to vector<16xi32>
            %add3A_194 = arith.addi %iota3A, %add3A_193 : vector<16xi32>
            %gather3A_195 = tpu.vector_load_idx %arg5[%add3A_194, %add3A_182] : memref<64x384xf32, #tpu.memory_space<vmem>>[vector<16xi32>, vector<16xi32>], vector<16xf32>,
            %add3A_196 = arith.addi %shift_left3A_191, %add3A_194 : vector<16xi32>
            tpu.vector_store_idx %arg7[%shift_right_logical3A_185, %add3A_196], %gather3A_195 : memref<192x128xf32, #tpu.memory_space<vmem>>[vector<16xi32>, vector<16xi32>], vector<16xf32>,
            %add3A_197 = arith.constant 16 : i32
            %add3A_198 = vector.broadcast %add3A_197 : i32 to vector<16xi32>
            %add3A_199 = arith.addi %iota3A, %add3A_198 : vector<16xi32>
            %gather3A_200 = tpu.vector_load_idx %arg5[%add3A_199, %add3A_182] : memref<64x384xf32, #tpu.memory_space<vmem>>[vector<16xi32>, vector<16xi32>], vector<16xf32>,
            %add3A_201 = arith.addi %shift_left3A_191, %add3A_199 : vector<16xi32>
            tpu.vector_store_idx %arg7[%shift_right_logical3A_185, %add3A_201], %gather3A_200 : memref<192x128xf32, #tpu.memory_space<vmem>>[vector<16xi32>, vector<16xi32>], vector<16xf32>,
            %add3A_202 = arith.constant 32 : i32
            %add3A_203 = vector.broadcast %add3A_202 : i32 to vector<16xi32>
            %add3A_204 = arith.addi %iota3A, %add3A_203 : vector<16xi32>
            %gather3A_205 = tpu.vector_load_idx %arg5[%add3A_204, %add3A_182] : memref<64x384xf32, #tpu.memory_space<vmem>>[vector<16xi32>, vector<16xi32>], vector<16xf32>,
            %add3A_206 = arith.addi %shift_left3A_191, %add3A_204 : vector<16xi32>
            tpu.vector_store_idx %arg7[%shift_right_logical3A_185, %add3A_206], %gather3A_205 : memref<192x128xf32, #tpu.memory_space<vmem>>[vector<16xi32>, vector<16xi32>], vector<16xf32>,
            %add3A_207 = arith.constant 48 : i32
            %add3A_208 = vector.broadcast %add3A_207 : i32 to vector<16xi32>
            %add3A_209 = arith.addi %iota3A, %add3A_208 : vector<16xi32>
            %gather3A_210 = tpu.vector_load_idx %arg5[%add3A_209, %add3A_182] : memref<64x384xf32, #tpu.memory_space<vmem>>[vector<16xi32>, vector<16xi32>], vector<16xf32>,
            %add3A_211 = arith.addi %shift_left3A_191, %add3A_209 : vector<16xi32>
            tpu.vector_store_idx %arg7[%shift_right_logical3A_185, %add3A_211], %gather3A_210 : memref<192x128xf32, #tpu.memory_space<vmem>>[vector<16xi32>, vector<16xi32>], vector<16xf32>,
            %scan3A_212 = arith.constant 3 : i32
            %scan3A_213 = arith.addi %scan3A_102, %scan3A_212 : i32
            %add3A_214 = vector.broadcast %scan3A_213 : i32 to vector<16xi32>
            %add3A_215 = arith.addi %iota3A, %add3A_214 : vector<16xi32>
            %and3A_216 = arith.constant 15 : i32
            %and3A_217 = vector.broadcast %and3A_216 : i32 to vector<16xi32>
            %and3A_218 = arith.andi %add3A_215, %and3A_217 : vector<16xi32>
            %add3A_219 = vector.broadcast %mul3A_95 : i32 to vector<16xi32>
            %add3A_220 = arith.addi %add3A_219, %and3A_218 : vector<16xi32>
            %shift_right_logical3A_221 = arith.constant 1 : i32
            %shift_right_logical3A_222 = vector.broadcast %shift_right_logical3A_221 : i32 to vector<16xi32>
            %shift_right_logical3A_223 = arith.shrui %add3A_220, %shift_right_logical3A_222 : vector<16xi32>
            %and3A_224 = arith.constant 1 : i32
            %and3A_225 = vector.broadcast %and3A_224 : i32 to vector<16xi32>
            %and3A_226 = arith.andi %add3A_220, %and3A_225 : vector<16xi32>
            %shift_left3A_227 = arith.constant 6 : i32
            %shift_left3A_228 = vector.broadcast %shift_left3A_227 : i32 to vector<16xi32>
            %shift_left3A_229 = arith.shli %and3A_226, %shift_left3A_228 : vector<16xi32>
            %add3A_230 = arith.constant 0 : i32
            %add3A_231 = vector.broadcast %add3A_230 : i32 to vector<16xi32>
            %add3A_232 = arith.addi %iota3A, %add3A_231 : vector<16xi32>
            %gather3A_233 = tpu.vector_load_idx %arg5[%add3A_232, %add3A_220] : memref<64x384xf32, #tpu.memory_space<vmem>>[vector<16xi32>, vector<16xi32>], vector<16xf32>,
            %add3A_234 = arith.addi %shift_left3A_229, %add3A_232 : vector<16xi32>
            tpu.vector_store_idx %arg7[%shift_right_logical3A_223, %add3A_234], %gather3A_233 : memref<192x128xf32, #tpu.memory_space<vmem>>[vector<16xi32>, vector<16xi32>], vector<16xf32>,
            %add3A_235 = arith.constant 16 : i32
            %add3A_236 = vector.broadcast %add3A_235 : i32 to vector<16xi32>
            %add3A_237 = arith.addi %iota3A, %add3A_236 : vector<16xi32>
            %gather3A_238 = tpu.vector_load_idx %arg5[%add3A_237, %add3A_220] : memref<64x384xf32, #tpu.memory_space<vmem>>[vector<16xi32>, vector<16xi32>], vector<16xf32>,
            %add3A_239 = arith.addi %shift_left3A_229, %add3A_237 : vector<16xi32>
            tpu.vector_store_idx %arg7[%shift_right_logical3A_223, %add3A_239], %gather3A_238 : memref<192x128xf32, #tpu.memory_space<vmem>>[vector<16xi32>, vector<16xi32>], vector<16xf32>,
            %add3A_240 = arith.constant 32 : i32
            %add3A_241 = vector.broadcast %add3A_240 : i32 to vector<16xi32>
            %add3A_242 = arith.addi %iota3A, %add3A_241 : vector<16xi32>
            %gather3A_243 = tpu.vector_load_idx %arg5[%add3A_242, %add3A_220] : memref<64x384xf32, #tpu.memory_space<vmem>>[vector<16xi32>, vector<16xi32>], vector<16xf32>,
            %add3A_244 = arith.addi %shift_left3A_229, %add3A_242 : vector<16xi32>
            tpu.vector_store_idx %arg7[%shift_right_logical3A_223, %add3A_244], %gather3A_243 : memref<192x128xf32, #tpu.memory_space<vmem>>[vector<16xi32>, vector<16xi32>], vector<16xf32>,
            %add3A_245 = arith.constant 48 : i32
            %add3A_246 = vector.broadcast %add3A_245 : i32 to vector<16xi32>
            %add3A_247 = arith.addi %iota3A, %add3A_246 : vector<16xi32>
            %gather3A_248 = tpu.vector_load_idx %arg5[%add3A_247, %add3A_220] : memref<64x384xf32, #tpu.memory_space<vmem>>[vector<16xi32>, vector<16xi32>], vector<16xf32>,
            %add3A_249 = arith.addi %shift_left3A_229, %add3A_247 : vector<16xi32>
            tpu.vector_store_idx %arg7[%shift_right_logical3A_223, %add3A_249], %gather3A_248 : memref<192x128xf32, #tpu.memory_space<vmem>>[vector<16xi32>, vector<16xi32>], vector<16xf32>,
          }
          %scan3A_101 = arith.constant 16 : i32
        }
        %scan3A_85 = arith.constant 24 : i32
        %mul3A_86 = arith.constant 192 : i32
        %mul3A_87 = arith.muli %add3A_62, %mul3A_86 : i32
        %multiple_of3A_88 = tpu.assume_multiple %mul3A_87, 8 : i32
        %dma_start3A_89 = arith.constant 0 : i32
        %dma_start3A_90 = tpu.memref_slice %arg4[%multiple_of3A_88, %dma_start3A_89] : memref<500000x128xf32, #tpu.memory_space<hbm>> -> memref<192x128xf32, #tpu.memory_space<hbm>>
        %dma_start3A_91 = arith.constant 0 : i32
        %dma_start3A_92 = tpu.memref_slice %arg4[%multiple_of3A_88, %dma_start3A_91] : memref<500000x128xf32, #tpu.memory_space<hbm>> -> memref<192x128xf32, #tpu.memory_space<hbm>>
        tpu.enqueue_dma source(%arg7 : memref<192x128xf32, #tpu.memory_space<vmem>>) target(%dma_start3A_92 : memref<192x128xf32, #tpu.memory_space<hbm>>) target_semaphore(%arg11 : memref<!tpu.dma_semaphore, #tpu.memory_space<semaphore_mem>>)
      } else {
      }
      %add3A_54 = arith.constant 1 : i32
      %add3A_55 = arith.addi %mul3A_50, %add3A_54 : i32
      %lt3A_56 = arith.cmpi slt, %add3A_55, %select_n3A : i32
      %convert_element_type3A_57 = arith.extui %lt3A_56 : i1 to i32
      %cond3A_58 = arith.constant 0 : i32
      %cond3A_59 = arith.cmpi ne, %convert_element_type3A_57, %cond3A_58 : i32
      scf.if %cond3A_59 {
        %add3A_60 = arith.constant 1 : i32
        %add3A_61 = arith.addi %mul3A_50, %add3A_60 : i32
        %mul3A_62 = arith.constant 32 : i32
        %mul3A_63 = arith.muli %add3A_61, %mul3A_62 : i32
        %add3A_64 = arith.addi %add3A, %mul3A_63 : i32
        %add3A_65 = arith.constant 1 : i32
        %add3A_66 = arith.addi %add3A_61, %add3A_65 : i32
        %lt3A_67 = arith.cmpi slt, %add3A_66, %select_n3A : i32
        %convert_element_type3A_68 = arith.extui %lt3A_67 : i1 to i32
        %cond3A_69 = arith.constant 0 : i32
        %cond3A_70 = arith.cmpi ne, %convert_element_type3A_68, %cond3A_69 : i32
        scf.if %cond3A_70 {
          %add3A_95 = arith.constant 32 : i32
          %add3A_96 = arith.addi %add3A_64, %add3A_95 : i32
          %mul3A_97 = arith.constant 384 : i32
          %mul3A_98 = arith.muli %add3A_96, %mul3A_97 : i32
          %multiple_of3A_99 = tpu.assume_multiple %mul3A_98, 128 : i32
          %dma_start3A_100 = arith.constant 0 : i32
          %dma_start3A_101 = tpu.memref_slice %arg2[%dma_start3A_100, %multiple_of3A_99] : memref<64x1000000xf32, #tpu.memory_space<hbm>> -> memref<64x384xf32, #tpu.memory_space<hbm>>
          %dma_start3A_102 = arith.constant 0 : i32
          %dma_start3A_103 = tpu.memref_slice %arg2[%dma_start3A_102, %multiple_of3A_99] : memref<64x1000000xf32, #tpu.memory_space<hbm>> -> memref<64x384xf32, #tpu.memory_space<hbm>>
          tpu.enqueue_dma source(%dma_start3A_103 : memref<64x384xf32, #tpu.memory_space<hbm>>) target(%arg5 : memref<64x384xf32, #tpu.memory_space<vmem>>) target_semaphore(%arg9 : memref<!tpu.dma_semaphore, #tpu.memory_space<semaphore_mem>>)
        } else {
        }
        %mul3A_71 = arith.constant 384 : i32
        %mul3A_72 = arith.muli %add3A_64, %mul3A_71 : i32
        %multiple_of3A_73 = tpu.assume_multiple %mul3A_72, 128 : i32
        %dma_wait3A_74 = arith.constant 0 : i32
        %dma_wait3A_75 = tpu.memref_slice %arg2[%dma_wait3A_74, %multiple_of3A_73] : memref<64x1000000xf32, #tpu.memory_space<hbm>> -> memref<64x384xf32, #tpu.memory_space<hbm>>
        %dma_wait3A_76 = arith.constant 0 : i32
        %dma_wait3A_77 = tpu.memref_slice %arg2[%dma_wait3A_76, %multiple_of3A_73] : memref<64x1000000xf32, #tpu.memory_space<hbm>> -> memref<64x384xf32, #tpu.memory_space<hbm>>
        tpu.wait_dma2 semaphore(%arg10 : memref<!tpu.dma_semaphore, #tpu.memory_space<semaphore_mem>>) src(%dma_wait3A_77 : memref<64x384xf32, #tpu.memory_space<hbm>>) dst(%arg6 : memref<64x384xf32, #tpu.memory_space<vmem>>)
        %ge3A = arith.constant 2 : i32
        %ge3A_78 = arith.cmpi sge, %add3A_61, %ge3A : i32
        %convert_element_type3A_79 = arith.extui %ge3A_78 : i1 to i32
        %cond3A_80 = arith.constant 0 : i32
        %cond3A_81 = arith.cmpi ne, %convert_element_type3A_79, %cond3A_80 : i32
        scf.if %cond3A_81 {
          %sub3A_95 = arith.constant 64 : i32
          %sub3A_96 = arith.subi %add3A_64, %sub3A_95 : i32
          %mul3A_97 = arith.constant 192 : i32
          %mul3A_98 = arith.muli %sub3A_96, %mul3A_97 : i32
          %multiple_of3A_99 = tpu.assume_multiple %mul3A_98, 8 : i32
          %dma_wait3A_100 = arith.constant 0 : i32
          %dma_wait3A_101 = tpu.memref_slice %arg4[%multiple_of3A_99, %dma_wait3A_100] : memref<500000x128xf32, #tpu.memory_space<hbm>> -> memref<192x128xf32, #tpu.memory_space<hbm>>
          %dma_wait3A_102 = arith.constant 0 : i32
          %dma_wait3A_103 = tpu.memref_slice %arg4[%multiple_of3A_99, %dma_wait3A_102] : memref<500000x128xf32, #tpu.memory_space<hbm>> -> memref<192x128xf32, #tpu.memory_space<hbm>>
          tpu.wait_dma2 semaphore(%arg12 : memref<!tpu.dma_semaphore, #tpu.memory_space<semaphore_mem>>) src(%arg8 : memref<192x128xf32, #tpu.memory_space<vmem>>) dst(%dma_wait3A_103 : memref<192x128xf32, #tpu.memory_space<hbm>>)
        } else {
        }
        %scan3A_82 = arith.constant 0 : i32
        %scan3A_83 = arith.constant 0 : i32
        %scan3A_84 = arith.constant 24 : i32
        %scan3A_85 = arith.addi %scan3A_83, %scan3A_84 : i32
        %scan3A_86 = arith.constant 1 : i32
        scf.for %scan3A_95 = %scan3A_83 to %scan3A_85 step %scan3A_86  : i32 {
          %mul3A_96 = arith.constant 16 : i32
          %mul3A_97 = arith.muli %scan3A_95, %mul3A_96 : i32
          %scan3A_98 = arith.constant 0 : i32
          %scan3A_99 = arith.constant 0 : i32
          %scan3A_100 = arith.constant 16 : i32
          %scan3A_101 = arith.addi %scan3A_99, %scan3A_100 : i32
          %scan3A_102 = arith.constant 4 : i32
          scf.for %scan3A_104 = %scan3A_99 to %scan3A_101 step %scan3A_102  : i32 {
            %add3A_105 = vector.broadcast %scan3A_104 : i32 to vector<16xi32>
            %add3A_106 = arith.addi %iota3A, %add3A_105 : vector<16xi32>
            %and3A_107 = arith.constant 15 : i32
            %and3A_108 = vector.broadcast %and3A_107 : i32 to vector<16xi32>
            %and3A_109 = arith.andi %add3A_106, %and3A_108 : vector<16xi32>
            %add3A_110 = vector.broadcast %mul3A_97 : i32 to vector<16xi32>
            %add3A_111 = arith.addi %add3A_110, %and3A_109 : vector<16xi32>
            %shift_right_logical3A = arith.constant 1 : i32
            %shift_right_logical3A_112 = vector.broadcast %shift_right_logical3A : i32 to vector<16xi32>
            %shift_right_logical3A_113 = arith.shrui %add3A_111, %shift_right_logical3A_112 : vector<16xi32>
            %and3A_114 = arith.constant 1 : i32
            %and3A_115 = vector.broadcast %and3A_114 : i32 to vector<16xi32>
            %and3A_116 = arith.andi %add3A_111, %and3A_115 : vector<16xi32>
            %shift_left3A = arith.constant 6 : i32
            %shift_left3A_117 = vector.broadcast %shift_left3A : i32 to vector<16xi32>
            %shift_left3A_118 = arith.shli %and3A_116, %shift_left3A_117 : vector<16xi32>
            %add3A_119 = arith.constant 0 : i32
            %add3A_120 = vector.broadcast %add3A_119 : i32 to vector<16xi32>
            %add3A_121 = arith.addi %iota3A, %add3A_120 : vector<16xi32>
            %gather3A = tpu.vector_load_idx %arg6[%add3A_121, %add3A_111] : memref<64x384xf32, #tpu.memory_space<vmem>>[vector<16xi32>, vector<16xi32>], vector<16xf32>,
            %add3A_122 = arith.addi %shift_left3A_118, %add3A_121 : vector<16xi32>
            tpu.vector_store_idx %arg8[%shift_right_logical3A_113, %add3A_122], %gather3A : memref<192x128xf32, #tpu.memory_space<vmem>>[vector<16xi32>, vector<16xi32>], vector<16xf32>,
            %add3A_123 = arith.constant 16 : i32
            %add3A_124 = vector.broadcast %add3A_123 : i32 to vector<16xi32>
            %add3A_125 = arith.addi %iota3A, %add3A_124 : vector<16xi32>
            %gather3A_126 = tpu.vector_load_idx %arg6[%add3A_125, %add3A_111] : memref<64x384xf32, #tpu.memory_space<vmem>>[vector<16xi32>, vector<16xi32>], vector<16xf32>,
            %add3A_127 = arith.addi %shift_left3A_118, %add3A_125 : vector<16xi32>
            tpu.vector_store_idx %arg8[%shift_right_logical3A_113, %add3A_127], %gather3A_126 : memref<192x128xf32, #tpu.memory_space<vmem>>[vector<16xi32>, vector<16xi32>], vector<16xf32>,
            %add3A_128 = arith.constant 32 : i32
            %add3A_129 = vector.broadcast %add3A_128 : i32 to vector<16xi32>
            %add3A_130 = arith.addi %iota3A, %add3A_129 : vector<16xi32>
            %gather3A_131 = tpu.vector_load_idx %arg6[%add3A_130, %add3A_111] : memref<64x384xf32, #tpu.memory_space<vmem>>[vector<16xi32>, vector<16xi32>], vector<16xf32>,
            %add3A_132 = arith.addi %shift_left3A_118, %add3A_130 : vector<16xi32>
            tpu.vector_store_idx %arg8[%shift_right_logical3A_113, %add3A_132], %gather3A_131 : memref<192x128xf32, #tpu.memory_space<vmem>>[vector<16xi32>, vector<16xi32>], vector<16xf32>,
            %add3A_133 = arith.constant 48 : i32
            %add3A_134 = vector.broadcast %add3A_133 : i32 to vector<16xi32>
            %add3A_135 = arith.addi %iota3A, %add3A_134 : vector<16xi32>
            %gather3A_136 = tpu.vector_load_idx %arg6[%add3A_135, %add3A_111] : memref<64x384xf32, #tpu.memory_space<vmem>>[vector<16xi32>, vector<16xi32>], vector<16xf32>,
            %add3A_137 = arith.addi %shift_left3A_118, %add3A_135 : vector<16xi32>
            tpu.vector_store_idx %arg8[%shift_right_logical3A_113, %add3A_137], %gather3A_136 : memref<192x128xf32, #tpu.memory_space<vmem>>[vector<16xi32>, vector<16xi32>], vector<16xf32>,
            %scan3A_138 = arith.constant 1 : i32
            %scan3A_139 = arith.addi %scan3A_104, %scan3A_138 : i32
            %add3A_140 = vector.broadcast %scan3A_139 : i32 to vector<16xi32>
            %add3A_141 = arith.addi %iota3A, %add3A_140 : vector<16xi32>
            %and3A_142 = arith.constant 15 : i32
            %and3A_143 = vector.broadcast %and3A_142 : i32 to vector<16xi32>
            %and3A_144 = arith.andi %add3A_141, %and3A_143 : vector<16xi32>
            %add3A_145 = vector.broadcast %mul3A_97 : i32 to vector<16xi32>
            %add3A_146 = arith.addi %add3A_145, %and3A_144 : vector<16xi32>
            %shift_right_logical3A_147 = arith.constant 1 : i32
            %shift_right_logical3A_148 = vector.broadcast %shift_right_logical3A_147 : i32 to vector<16xi32>
            %shift_right_logical3A_149 = arith.shrui %add3A_146, %shift_right_logical3A_148 : vector<16xi32>
            %and3A_150 = arith.constant 1 : i32
            %and3A_151 = vector.broadcast %and3A_150 : i32 to vector<16xi32>
            %and3A_152 = arith.andi %add3A_146, %and3A_151 : vector<16xi32>
            %shift_left3A_153 = arith.constant 6 : i32
            %shift_left3A_154 = vector.broadcast %shift_left3A_153 : i32 to vector<16xi32>
            %shift_left3A_155 = arith.shli %and3A_152, %shift_left3A_154 : vector<16xi32>
            %add3A_156 = arith.constant 0 : i32
            %add3A_157 = vector.broadcast %add3A_156 : i32 to vector<16xi32>
            %add3A_158 = arith.addi %iota3A, %add3A_157 : vector<16xi32>
            %gather3A_159 = tpu.vector_load_idx %arg6[%add3A_158, %add3A_146] : memref<64x384xf32, #tpu.memory_space<vmem>>[vector<16xi32>, vector<16xi32>], vector<16xf32>,
            %add3A_160 = arith.addi %shift_left3A_155, %add3A_158 : vector<16xi32>
            tpu.vector_store_idx %arg8[%shift_right_logical3A_149, %add3A_160], %gather3A_159 : memref<192x128xf32, #tpu.memory_space<vmem>>[vector<16xi32>, vector<16xi32>], vector<16xf32>,
            %add3A_161 = arith.constant 16 : i32
            %add3A_162 = vector.broadcast %add3A_161 : i32 to vector<16xi32>
            %add3A_163 = arith.addi %iota3A, %add3A_162 : vector<16xi32>
            %gather3A_164 = tpu.vector_load_idx %arg6[%add3A_163, %add3A_146] : memref<64x384xf32, #tpu.memory_space<vmem>>[vector<16xi32>, vector<16xi32>], vector<16xf32>,
            %add3A_165 = arith.addi %shift_left3A_155, %add3A_163 : vector<16xi32>
            tpu.vector_store_idx %arg8[%shift_right_logical3A_149, %add3A_165], %gather3A_164 : memref<192x128xf32, #tpu.memory_space<vmem>>[vector<16xi32>, vector<16xi32>], vector<16xf32>,
            %add3A_166 = arith.constant 32 : i32
            %add3A_167 = vector.broadcast %add3A_166 : i32 to vector<16xi32>
            %add3A_168 = arith.addi %iota3A, %add3A_167 : vector<16xi32>
            %gather3A_169 = tpu.vector_load_idx %arg6[%add3A_168, %add3A_146] : memref<64x384xf32, #tpu.memory_space<vmem>>[vector<16xi32>, vector<16xi32>], vector<16xf32>,
            %add3A_170 = arith.addi %shift_left3A_155, %add3A_168 : vector<16xi32>
            tpu.vector_store_idx %arg8[%shift_right_logical3A_149, %add3A_170], %gather3A_169 : memref<192x128xf32, #tpu.memory_space<vmem>>[vector<16xi32>, vector<16xi32>], vector<16xf32>,
            %add3A_171 = arith.constant 48 : i32
            %add3A_172 = vector.broadcast %add3A_171 : i32 to vector<16xi32>
            %add3A_173 = arith.addi %iota3A, %add3A_172 : vector<16xi32>
            %gather3A_174 = tpu.vector_load_idx %arg6[%add3A_173, %add3A_146] : memref<64x384xf32, #tpu.memory_space<vmem>>[vector<16xi32>, vector<16xi32>], vector<16xf32>,
            %add3A_175 = arith.addi %shift_left3A_155, %add3A_173 : vector<16xi32>
            tpu.vector_store_idx %arg8[%shift_right_logical3A_149, %add3A_175], %gather3A_174 : memref<192x128xf32, #tpu.memory_space<vmem>>[vector<16xi32>, vector<16xi32>], vector<16xf32>,
            %scan3A_176 = arith.constant 2 : i32
            %scan3A_177 = arith.addi %scan3A_104, %scan3A_176 : i32
            %add3A_178 = vector.broadcast %scan3A_177 : i32 to vector<16xi32>
            %add3A_179 = arith.addi %iota3A, %add3A_178 : vector<16xi32>
            %and3A_180 = arith.constant 15 : i32
            %and3A_181 = vector.broadcast %and3A_180 : i32 to vector<16xi32>
            %and3A_182 = arith.andi %add3A_179, %and3A_181 : vector<16xi32>
            %add3A_183 = vector.broadcast %mul3A_97 : i32 to vector<16xi32>
            %add3A_184 = arith.addi %add3A_183, %and3A_182 : vector<16xi32>
            %shift_right_logical3A_185 = arith.constant 1 : i32
            %shift_right_logical3A_186 = vector.broadcast %shift_right_logical3A_185 : i32 to vector<16xi32>
            %shift_right_logical3A_187 = arith.shrui %add3A_184, %shift_right_logical3A_186 : vector<16xi32>
            %and3A_188 = arith.constant 1 : i32
            %and3A_189 = vector.broadcast %and3A_188 : i32 to vector<16xi32>
            %and3A_190 = arith.andi %add3A_184, %and3A_189 : vector<16xi32>
            %shift_left3A_191 = arith.constant 6 : i32
            %shift_left3A_192 = vector.broadcast %shift_left3A_191 : i32 to vector<16xi32>
            %shift_left3A_193 = arith.shli %and3A_190, %shift_left3A_192 : vector<16xi32>
            %add3A_194 = arith.constant 0 : i32
            %add3A_195 = vector.broadcast %add3A_194 : i32 to vector<16xi32>
            %add3A_196 = arith.addi %iota3A, %add3A_195 : vector<16xi32>
            %gather3A_197 = tpu.vector_load_idx %arg6[%add3A_196, %add3A_184] : memref<64x384xf32, #tpu.memory_space<vmem>>[vector<16xi32>, vector<16xi32>], vector<16xf32>,
            %add3A_198 = arith.addi %shift_left3A_193, %add3A_196 : vector<16xi32>
            tpu.vector_store_idx %arg8[%shift_right_logical3A_187, %add3A_198], %gather3A_197 : memref<192x128xf32, #tpu.memory_space<vmem>>[vector<16xi32>, vector<16xi32>], vector<16xf32>,
            %add3A_199 = arith.constant 16 : i32
            %add3A_200 = vector.broadcast %add3A_199 : i32 to vector<16xi32>
            %add3A_201 = arith.addi %iota3A, %add3A_200 : vector<16xi32>
            %gather3A_202 = tpu.vector_load_idx %arg6[%add3A_201, %add3A_184] : memref<64x384xf32, #tpu.memory_space<vmem>>[vector<16xi32>, vector<16xi32>], vector<16xf32>,
            %add3A_203 = arith.addi %shift_left3A_193, %add3A_201 : vector<16xi32>
            tpu.vector_store_idx %arg8[%shift_right_logical3A_187, %add3A_203], %gather3A_202 : memref<192x128xf32, #tpu.memory_space<vmem>>[vector<16xi32>, vector<16xi32>], vector<16xf32>,
            %add3A_204 = arith.constant 32 : i32
            %add3A_205 = vector.broadcast %add3A_204 : i32 to vector<16xi32>
            %add3A_206 = arith.addi %iota3A, %add3A_205 : vector<16xi32>
            %gather3A_207 = tpu.vector_load_idx %arg6[%add3A_206, %add3A_184] : memref<64x384xf32, #tpu.memory_space<vmem>>[vector<16xi32>, vector<16xi32>], vector<16xf32>,
            %add3A_208 = arith.addi %shift_left3A_193, %add3A_206 : vector<16xi32>
            tpu.vector_store_idx %arg8[%shift_right_logical3A_187, %add3A_208], %gather3A_207 : memref<192x128xf32, #tpu.memory_space<vmem>>[vector<16xi32>, vector<16xi32>], vector<16xf32>,
            %add3A_209 = arith.constant 48 : i32
            %add3A_210 = vector.broadcast %add3A_209 : i32 to vector<16xi32>
            %add3A_211 = arith.addi %iota3A, %add3A_210 : vector<16xi32>
            %gather3A_212 = tpu.vector_load_idx %arg6[%add3A_211, %add3A_184] : memref<64x384xf32, #tpu.memory_space<vmem>>[vector<16xi32>, vector<16xi32>], vector<16xf32>,
            %add3A_213 = arith.addi %shift_left3A_193, %add3A_211 : vector<16xi32>
            tpu.vector_store_idx %arg8[%shift_right_logical3A_187, %add3A_213], %gather3A_212 : memref<192x128xf32, #tpu.memory_space<vmem>>[vector<16xi32>, vector<16xi32>], vector<16xf32>,
            %scan3A_214 = arith.constant 3 : i32
            %scan3A_215 = arith.addi %scan3A_104, %scan3A_214 : i32
            %add3A_216 = vector.broadcast %scan3A_215 : i32 to vector<16xi32>
            %add3A_217 = arith.addi %iota3A, %add3A_216 : vector<16xi32>
            %and3A_218 = arith.constant 15 : i32
            %and3A_219 = vector.broadcast %and3A_218 : i32 to vector<16xi32>
            %and3A_220 = arith.andi %add3A_217, %and3A_219 : vector<16xi32>
            %add3A_221 = vector.broadcast %mul3A_97 : i32 to vector<16xi32>
            %add3A_222 = arith.addi %add3A_221, %and3A_220 : vector<16xi32>
            %shift_right_logical3A_223 = arith.constant 1 : i32
            %shift_right_logical3A_224 = vector.broadcast %shift_right_logical3A_223 : i32 to vector<16xi32>
            %shift_right_logical3A_225 = arith.shrui %add3A_222, %shift_right_logical3A_224 : vector<16xi32>
            %and3A_226 = arith.constant 1 : i32
            %and3A_227 = vector.broadcast %and3A_226 : i32 to vector<16xi32>
            %and3A_228 = arith.andi %add3A_222, %and3A_227 : vector<16xi32>
            %shift_left3A_229 = arith.constant 6 : i32
            %shift_left3A_230 = vector.broadcast %shift_left3A_229 : i32 to vector<16xi32>
            %shift_left3A_231 = arith.shli %and3A_228, %shift_left3A_230 : vector<16xi32>
            %add3A_232 = arith.constant 0 : i32
            %add3A_233 = vector.broadcast %add3A_232 : i32 to vector<16xi32>
            %add3A_234 = arith.addi %iota3A, %add3A_233 : vector<16xi32>
            %gather3A_235 = tpu.vector_load_idx %arg6[%add3A_234, %add3A_222] : memref<64x384xf32, #tpu.memory_space<vmem>>[vector<16xi32>, vector<16xi32>], vector<16xf32>,
            %add3A_236 = arith.addi %shift_left3A_231, %add3A_234 : vector<16xi32>
            tpu.vector_store_idx %arg8[%shift_right_logical3A_225, %add3A_236], %gather3A_235 : memref<192x128xf32, #tpu.memory_space<vmem>>[vector<16xi32>, vector<16xi32>], vector<16xf32>,
            %add3A_237 = arith.constant 16 : i32
            %add3A_238 = vector.broadcast %add3A_237 : i32 to vector<16xi32>
            %add3A_239 = arith.addi %iota3A, %add3A_238 : vector<16xi32>
            %gather3A_240 = tpu.vector_load_idx %arg6[%add3A_239, %add3A_222] : memref<64x384xf32, #tpu.memory_space<vmem>>[vector<16xi32>, vector<16xi32>], vector<16xf32>,
            %add3A_241 = arith.addi %shift_left3A_231, %add3A_239 : vector<16xi32>
            tpu.vector_store_idx %arg8[%shift_right_logical3A_225, %add3A_241], %gather3A_240 : memref<192x128xf32, #tpu.memory_space<vmem>>[vector<16xi32>, vector<16xi32>], vector<16xf32>,
            %add3A_242 = arith.constant 32 : i32
            %add3A_243 = vector.broadcast %add3A_242 : i32 to vector<16xi32>
            %add3A_244 = arith.addi %iota3A, %add3A_243 : vector<16xi32>
            %gather3A_245 = tpu.vector_load_idx %arg6[%add3A_244, %add3A_222] : memref<64x384xf32, #tpu.memory_space<vmem>>[vector<16xi32>, vector<16xi32>], vector<16xf32>,
            %add3A_246 = arith.addi %shift_left3A_231, %add3A_244 : vector<16xi32>
            tpu.vector_store_idx %arg8[%shift_right_logical3A_225, %add3A_246], %gather3A_245 : memref<192x128xf32, #tpu.memory_space<vmem>>[vector<16xi32>, vector<16xi32>], vector<16xf32>,
            %add3A_247 = arith.constant 48 : i32
            %add3A_248 = vector.broadcast %add3A_247 : i32 to vector<16xi32>
            %add3A_249 = arith.addi %iota3A, %add3A_248 : vector<16xi32>
            %gather3A_250 = tpu.vector_load_idx %arg6[%add3A_249, %add3A_222] : memref<64x384xf32, #tpu.memory_space<vmem>>[vector<16xi32>, vector<16xi32>], vector<16xf32>,
            %add3A_251 = arith.addi %shift_left3A_231, %add3A_249 : vector<16xi32>
            tpu.vector_store_idx %arg8[%shift_right_logical3A_225, %add3A_251], %gather3A_250 : memref<192x128xf32, #tpu.memory_space<vmem>>[vector<16xi32>, vector<16xi32>], vector<16xf32>,
          }
          %scan3A_103 = arith.constant 16 : i32
        }
        %scan3A_87 = arith.constant 24 : i32
        %mul3A_88 = arith.constant 192 : i32
        %mul3A_89 = arith.muli %add3A_64, %mul3A_88 : i32
        %multiple_of3A_90 = tpu.assume_multiple %mul3A_89, 8 : i32
        %dma_start3A_91 = arith.constant 0 : i32
        %dma_start3A_92 = tpu.memref_slice %arg4[%multiple_of3A_90, %dma_start3A_91] : memref<500000x128xf32, #tpu.memory_space<hbm>> -> memref<192x128xf32, #tpu.memory_space<hbm>>
        %dma_start3A_93 = arith.constant 0 : i32
        %dma_start3A_94 = tpu.memref_slice %arg4[%multiple_of3A_90, %dma_start3A_93] : memref<500000x128xf32, #tpu.memory_space<hbm>> -> memref<192x128xf32, #tpu.memory_space<hbm>>
        tpu.enqueue_dma source(%arg8 : memref<192x128xf32, #tpu.memory_space<vmem>>) target(%dma_start3A_94 : memref<192x128xf32, #tpu.memory_space<hbm>>) target_semaphore(%arg12 : memref<!tpu.dma_semaphore, #tpu.memory_space<semaphore_mem>>)
      } else {
      }
    }
    %scan3A_32 = arith.constant 41 : i32
    %mul3A_33 = arith.constant 192 : i32
    %mul3A_34 = arith.muli %add3A, %mul3A_33 : i32
    %multiple_of3A_35 = tpu.assume_multiple %mul3A_34, 8 : i32
    %dma_wait3A = arith.constant 0 : i32
    %dma_wait3A_36 = tpu.memref_slice %arg4[%multiple_of3A_35, %dma_wait3A] : memref<500000x128xf32, #tpu.memory_space<hbm>> -> memref<192x128xf32, #tpu.memory_space<hbm>>
    %dma_wait3A_37 = arith.constant 0 : i32
    %dma_wait3A_38 = tpu.memref_slice %arg4[%multiple_of3A_35, %dma_wait3A_37] : memref<500000x128xf32, #tpu.memory_space<hbm>> -> memref<192x128xf32, #tpu.memory_space<hbm>>
    tpu.wait_dma2 semaphore(%arg11 : memref<!tpu.dma_semaphore, #tpu.memory_space<semaphore_mem>>) src(%arg7 : memref<192x128xf32, #tpu.memory_space<vmem>>) dst(%dma_wait3A_38 : memref<192x128xf32, #tpu.memory_space<hbm>>)
    %mul3A_39 = arith.constant 192 : i32
    %mul3A_40 = arith.muli %add3A, %mul3A_39 : i32
    %multiple_of3A_41 = tpu.assume_multiple %mul3A_40, 8 : i32
    %dma_wait3A_42 = arith.constant 0 : i32
    %dma_wait3A_43 = tpu.memref_slice %arg4[%multiple_of3A_41, %dma_wait3A_42] : memref<500000x128xf32, #tpu.memory_space<hbm>> -> memref<192x128xf32, #tpu.memory_space<hbm>>
    %dma_wait3A_44 = arith.constant 0 : i32
    %dma_wait3A_45 = tpu.memref_slice %arg4[%multiple_of3A_41, %dma_wait3A_44] : memref<500000x128xf32, #tpu.memory_space<hbm>> -> memref<192x128xf32, #tpu.memory_space<hbm>>
    tpu.wait_dma2 semaphore(%arg12 : memref<!tpu.dma_semaphore, #tpu.memory_space<semaphore_mem>>) src(%arg8 : memref<192x128xf32, #tpu.memory_space<vmem>>) dst(%dma_wait3A_45 : memref<192x128xf32, #tpu.memory_space<hbm>>)
    %eq3A = arith.constant 31 : i32
    %eq3A_46 = arith.cmpi eq, %add3A, %eq3A : i32
    %convert_element_type3A = arith.extui %eq3A_46 : i1 to i32
    %cond3A = arith.constant 0 : i32
    %cond3A_47 = arith.cmpi ne, %convert_element_type3A, %cond3A : i32
    scf.if %cond3A_47 {
      "tpu.region"() ({
        %run_scoped3A = tpu.sem_alloc : memref<!tpu.dma_semaphore, #tpu.memory_space<semaphore_mem>>
        %dma_start3A_54 = arith.constant 0 : i32
        %dma_start3A_55 = arith.constant 0 : i32
        %dma_start3A_56 = tpu.memref_slice %arg5[%dma_start3A_54, %dma_start3A_55] : memref<64x384xf32, #tpu.memory_space<vmem>> -> memref<64x128xf32, #tpu.memory_space<vmem>>
        %dma_start3A_57 = arith.constant 0 : i32
        %dma_start3A_58 = arith.constant 0 : i32
        %dma_start3A_59 = tpu.memref_slice %arg5[%dma_start3A_57, %dma_start3A_58] : memref<64x384xf32, #tpu.memory_space<vmem>> -> memref<64x128xf32, #tpu.memory_space<vmem>>
        tpu.enqueue_dma source(%arg3 : memref<64x128xf32, #tpu.memory_space<hbm>>) target(%dma_start3A_59 : memref<64x128xf32, #tpu.memory_space<vmem>>) target_semaphore(%run_scoped3A : memref<!tpu.dma_semaphore, #tpu.memory_space<semaphore_mem>>)
        %dma_wait3A_60 = arith.constant 0 : i32
        %dma_wait3A_61 = arith.constant 0 : i32
        %dma_wait3A_62 = tpu.memref_slice %arg5[%dma_wait3A_60, %dma_wait3A_61] : memref<64x384xf32, #tpu.memory_space<vmem>> -> memref<64x128xf32, #tpu.memory_space<vmem>>
        %dma_wait3A_63 = arith.constant 0 : i32
        %dma_wait3A_64 = arith.constant 0 : i32
        %dma_wait3A_65 = tpu.memref_slice %arg5[%dma_wait3A_63, %dma_wait3A_64] : memref<64x384xf32, #tpu.memory_space<vmem>> -> memref<64x128xf32, #tpu.memory_space<vmem>>
        tpu.wait_dma2 semaphore(%run_scoped3A : memref<!tpu.dma_semaphore, #tpu.memory_space<semaphore_mem>>) src(%arg3 : memref<64x128xf32, #tpu.memory_space<hbm>>) dst(%dma_wait3A_65 : memref<64x128xf32, #tpu.memory_space<vmem>>)
        tpu.yield
      }) : () -> ()
      %scan3A_48 = arith.constant 0 : i32
      %scan3A_49 = arith.constant 0 : i32
      %scan3A_50 = arith.constant 8 : i32
      %scan3A_51 = arith.addi %scan3A_49, %scan3A_50 : i32
      %scan3A_52 = arith.constant 1 : i32
      scf.for %scan3A_54 = %scan3A_49 to %scan3A_51 step %scan3A_52  : i32 {
        %mul3A_55 = arith.constant 16 : i32
        %mul3A_56 = arith.muli %scan3A_54, %mul3A_55 : i32
        %scan3A_57 = arith.constant 0 : i32
        %scan3A_58 = arith.constant 0 : i32
        %scan3A_59 = arith.constant 16 : i32
        %scan3A_60 = arith.addi %scan3A_58, %scan3A_59 : i32
        %scan3A_61 = arith.constant 4 : i32
        scf.for %scan3A_63 = %scan3A_58 to %scan3A_60 step %scan3A_61  : i32 {
          %add3A_64 = vector.broadcast %scan3A_63 : i32 to vector<16xi32>
          %add3A_65 = arith.addi %iota3A, %add3A_64 : vector<16xi32>
          %and3A_66 = arith.constant 15 : i32
          %and3A_67 = vector.broadcast %and3A_66 : i32 to vector<16xi32>
          %and3A_68 = arith.andi %add3A_65, %and3A_67 : vector<16xi32>
          %add3A_69 = vector.broadcast %mul3A_56 : i32 to vector<16xi32>
          %add3A_70 = arith.addi %add3A_69, %and3A_68 : vector<16xi32>
          %shift_right_logical3A = arith.constant 1 : i32
          %shift_right_logical3A_71 = vector.broadcast %shift_right_logical3A : i32 to vector<16xi32>
          %shift_right_logical3A_72 = arith.shrui %add3A_70, %shift_right_logical3A_71 : vector<16xi32>
          %and3A_73 = arith.constant 1 : i32
          %and3A_74 = vector.broadcast %and3A_73 : i32 to vector<16xi32>
          %and3A_75 = arith.andi %add3A_70, %and3A_74 : vector<16xi32>
          %shift_left3A = arith.constant 6 : i32
          %shift_left3A_76 = vector.broadcast %shift_left3A : i32 to vector<16xi32>
          %shift_left3A_77 = arith.shli %and3A_75, %shift_left3A_76 : vector<16xi32>
          %add3A_78 = arith.constant 0 : i32
          %add3A_79 = vector.broadcast %add3A_78 : i32 to vector<16xi32>
          %add3A_80 = arith.addi %iota3A, %add3A_79 : vector<16xi32>
          %gather3A = tpu.vector_load_idx %arg5[%add3A_80, %add3A_70] : memref<64x384xf32, #tpu.memory_space<vmem>>[vector<16xi32>, vector<16xi32>], vector<16xf32>,
          %add3A_81 = arith.addi %shift_left3A_77, %add3A_80 : vector<16xi32>
          tpu.vector_store_idx %arg7[%shift_right_logical3A_72, %add3A_81], %gather3A : memref<192x128xf32, #tpu.memory_space<vmem>>[vector<16xi32>, vector<16xi32>], vector<16xf32>,
          %add3A_82 = arith.constant 16 : i32
          %add3A_83 = vector.broadcast %add3A_82 : i32 to vector<16xi32>
          %add3A_84 = arith.addi %iota3A, %add3A_83 : vector<16xi32>
          %gather3A_85 = tpu.vector_load_idx %arg5[%add3A_84, %add3A_70] : memref<64x384xf32, #tpu.memory_space<vmem>>[vector<16xi32>, vector<16xi32>], vector<16xf32>,
          %add3A_86 = arith.addi %shift_left3A_77, %add3A_84 : vector<16xi32>
          tpu.vector_store_idx %arg7[%shift_right_logical3A_72, %add3A_86], %gather3A_85 : memref<192x128xf32, #tpu.memory_space<vmem>>[vector<16xi32>, vector<16xi32>], vector<16xf32>,
          %add3A_87 = arith.constant 32 : i32
          %add3A_88 = vector.broadcast %add3A_87 : i32 to vector<16xi32>
          %add3A_89 = arith.addi %iota3A, %add3A_88 : vector<16xi32>
          %gather3A_90 = tpu.vector_load_idx %arg5[%add3A_89, %add3A_70] : memref<64x384xf32, #tpu.memory_space<vmem>>[vector<16xi32>, vector<16xi32>], vector<16xf32>,
          %add3A_91 = arith.addi %shift_left3A_77, %add3A_89 : vector<16xi32>
          tpu.vector_store_idx %arg7[%shift_right_logical3A_72, %add3A_91], %gather3A_90 : memref<192x128xf32, #tpu.memory_space<vmem>>[vector<16xi32>, vector<16xi32>], vector<16xf32>,
          %add3A_92 = arith.constant 48 : i32
          %add3A_93 = vector.broadcast %add3A_92 : i32 to vector<16xi32>
          %add3A_94 = arith.addi %iota3A, %add3A_93 : vector<16xi32>
          %gather3A_95 = tpu.vector_load_idx %arg5[%add3A_94, %add3A_70] : memref<64x384xf32, #tpu.memory_space<vmem>>[vector<16xi32>, vector<16xi32>], vector<16xf32>,
          %add3A_96 = arith.addi %shift_left3A_77, %add3A_94 : vector<16xi32>
          tpu.vector_store_idx %arg7[%shift_right_logical3A_72, %add3A_96], %gather3A_95 : memref<192x128xf32, #tpu.memory_space<vmem>>[vector<16xi32>, vector<16xi32>], vector<16xf32>,
          %scan3A_97 = arith.constant 1 : i32
          %scan3A_98 = arith.addi %scan3A_63, %scan3A_97 : i32
          %add3A_99 = vector.broadcast %scan3A_98 : i32 to vector<16xi32>
          %add3A_100 = arith.addi %iota3A, %add3A_99 : vector<16xi32>
          %and3A_101 = arith.constant 15 : i32
          %and3A_102 = vector.broadcast %and3A_101 : i32 to vector<16xi32>
          %and3A_103 = arith.andi %add3A_100, %and3A_102 : vector<16xi32>
          %add3A_104 = vector.broadcast %mul3A_56 : i32 to vector<16xi32>
          %add3A_105 = arith.addi %add3A_104, %and3A_103 : vector<16xi32>
          %shift_right_logical3A_106 = arith.constant 1 : i32
          %shift_right_logical3A_107 = vector.broadcast %shift_right_logical3A_106 : i32 to vector<16xi32>
          %shift_right_logical3A_108 = arith.shrui %add3A_105, %shift_right_logical3A_107 : vector<16xi32>
          %and3A_109 = arith.constant 1 : i32
          %and3A_110 = vector.broadcast %and3A_109 : i32 to vector<16xi32>
          %and3A_111 = arith.andi %add3A_105, %and3A_110 : vector<16xi32>
          %shift_left3A_112 = arith.constant 6 : i32
          %shift_left3A_113 = vector.broadcast %shift_left3A_112 : i32 to vector<16xi32>
          %shift_left3A_114 = arith.shli %and3A_111, %shift_left3A_113 : vector<16xi32>
          %add3A_115 = arith.constant 0 : i32
          %add3A_116 = vector.broadcast %add3A_115 : i32 to vector<16xi32>
          %add3A_117 = arith.addi %iota3A, %add3A_116 : vector<16xi32>
          %gather3A_118 = tpu.vector_load_idx %arg5[%add3A_117, %add3A_105] : memref<64x384xf32, #tpu.memory_space<vmem>>[vector<16xi32>, vector<16xi32>], vector<16xf32>,
          %add3A_119 = arith.addi %shift_left3A_114, %add3A_117 : vector<16xi32>
          tpu.vector_store_idx %arg7[%shift_right_logical3A_108, %add3A_119], %gather3A_118 : memref<192x128xf32, #tpu.memory_space<vmem>>[vector<16xi32>, vector<16xi32>], vector<16xf32>,
          %add3A_120 = arith.constant 16 : i32
          %add3A_121 = vector.broadcast %add3A_120 : i32 to vector<16xi32>
          %add3A_122 = arith.addi %iota3A, %add3A_121 : vector<16xi32>
          %gather3A_123 = tpu.vector_load_idx %arg5[%add3A_122, %add3A_105] : memref<64x384xf32, #tpu.memory_space<vmem>>[vector<16xi32>, vector<16xi32>], vector<16xf32>,
          %add3A_124 = arith.addi %shift_left3A_114, %add3A_122 : vector<16xi32>
          tpu.vector_store_idx %arg7[%shift_right_logical3A_108, %add3A_124], %gather3A_123 : memref<192x128xf32, #tpu.memory_space<vmem>>[vector<16xi32>, vector<16xi32>], vector<16xf32>,
          %add3A_125 = arith.constant 32 : i32
          %add3A_126 = vector.broadcast %add3A_125 : i32 to vector<16xi32>
          %add3A_127 = arith.addi %iota3A, %add3A_126 : vector<16xi32>
          %gather3A_128 = tpu.vector_load_idx %arg5[%add3A_127, %add3A_105] : memref<64x384xf32, #tpu.memory_space<vmem>>[vector<16xi32>, vector<16xi32>], vector<16xf32>,
          %add3A_129 = arith.addi %shift_left3A_114, %add3A_127 : vector<16xi32>
          tpu.vector_store_idx %arg7[%shift_right_logical3A_108, %add3A_129], %gather3A_128 : memref<192x128xf32, #tpu.memory_space<vmem>>[vector<16xi32>, vector<16xi32>], vector<16xf32>,
          %add3A_130 = arith.constant 48 : i32
          %add3A_131 = vector.broadcast %add3A_130 : i32 to vector<16xi32>
          %add3A_132 = arith.addi %iota3A, %add3A_131 : vector<16xi32>
          %gather3A_133 = tpu.vector_load_idx %arg5[%add3A_132, %add3A_105] : memref<64x384xf32, #tpu.memory_space<vmem>>[vector<16xi32>, vector<16xi32>], vector<16xf32>,
          %add3A_134 = arith.addi %shift_left3A_114, %add3A_132 : vector<16xi32>
          tpu.vector_store_idx %arg7[%shift_right_logical3A_108, %add3A_134], %gather3A_133 : memref<192x128xf32, #tpu.memory_space<vmem>>[vector<16xi32>, vector<16xi32>], vector<16xf32>,
          %scan3A_135 = arith.constant 2 : i32
          %scan3A_136 = arith.addi %scan3A_63, %scan3A_135 : i32
          %add3A_137 = vector.broadcast %scan3A_136 : i32 to vector<16xi32>
          %add3A_138 = arith.addi %iota3A, %add3A_137 : vector<16xi32>
          %and3A_139 = arith.constant 15 : i32
          %and3A_140 = vector.broadcast %and3A_139 : i32 to vector<16xi32>
          %and3A_141 = arith.andi %add3A_138, %and3A_140 : vector<16xi32>
          %add3A_142 = vector.broadcast %mul3A_56 : i32 to vector<16xi32>
          %add3A_143 = arith.addi %add3A_142, %and3A_141 : vector<16xi32>
          %shift_right_logical3A_144 = arith.constant 1 : i32
          %shift_right_logical3A_145 = vector.broadcast %shift_right_logical3A_144 : i32 to vector<16xi32>
          %shift_right_logical3A_146 = arith.shrui %add3A_143, %shift_right_logical3A_145 : vector<16xi32>
          %and3A_147 = arith.constant 1 : i32
          %and3A_148 = vector.broadcast %and3A_147 : i32 to vector<16xi32>
          %and3A_149 = arith.andi %add3A_143, %and3A_148 : vector<16xi32>
          %shift_left3A_150 = arith.constant 6 : i32
          %shift_left3A_151 = vector.broadcast %shift_left3A_150 : i32 to vector<16xi32>
          %shift_left3A_152 = arith.shli %and3A_149, %shift_left3A_151 : vector<16xi32>
          %add3A_153 = arith.constant 0 : i32
          %add3A_154 = vector.broadcast %add3A_153 : i32 to vector<16xi32>
          %add3A_155 = arith.addi %iota3A, %add3A_154 : vector<16xi32>
          %gather3A_156 = tpu.vector_load_idx %arg5[%add3A_155, %add3A_143] : memref<64x384xf32, #tpu.memory_space<vmem>>[vector<16xi32>, vector<16xi32>], vector<16xf32>,
          %add3A_157 = arith.addi %shift_left3A_152, %add3A_155 : vector<16xi32>
          tpu.vector_store_idx %arg7[%shift_right_logical3A_146, %add3A_157], %gather3A_156 : memref<192x128xf32, #tpu.memory_space<vmem>>[vector<16xi32>, vector<16xi32>], vector<16xf32>,
          %add3A_158 = arith.constant 16 : i32
          %add3A_159 = vector.broadcast %add3A_158 : i32 to vector<16xi32>
          %add3A_160 = arith.addi %iota3A, %add3A_159 : vector<16xi32>
          %gather3A_161 = tpu.vector_load_idx %arg5[%add3A_160, %add3A_143] : memref<64x384xf32, #tpu.memory_space<vmem>>[vector<16xi32>, vector<16xi32>], vector<16xf32>,
          %add3A_162 = arith.addi %shift_left3A_152, %add3A_160 : vector<16xi32>
          tpu.vector_store_idx %arg7[%shift_right_logical3A_146, %add3A_162], %gather3A_161 : memref<192x128xf32, #tpu.memory_space<vmem>>[vector<16xi32>, vector<16xi32>], vector<16xf32>,
          %add3A_163 = arith.constant 32 : i32
          %add3A_164 = vector.broadcast %add3A_163 : i32 to vector<16xi32>
          %add3A_165 = arith.addi %iota3A, %add3A_164 : vector<16xi32>
          %gather3A_166 = tpu.vector_load_idx %arg5[%add3A_165, %add3A_143] : memref<64x384xf32, #tpu.memory_space<vmem>>[vector<16xi32>, vector<16xi32>], vector<16xf32>,
          %add3A_167 = arith.addi %shift_left3A_152, %add3A_165 : vector<16xi32>
          tpu.vector_store_idx %arg7[%shift_right_logical3A_146, %add3A_167], %gather3A_166 : memref<192x128xf32, #tpu.memory_space<vmem>>[vector<16xi32>, vector<16xi32>], vector<16xf32>,
          %add3A_168 = arith.constant 48 : i32
          %add3A_169 = vector.broadcast %add3A_168 : i32 to vector<16xi32>
          %add3A_170 = arith.addi %iota3A, %add3A_169 : vector<16xi32>
          %gather3A_171 = tpu.vector_load_idx %arg5[%add3A_170, %add3A_143] : memref<64x384xf32, #tpu.memory_space<vmem>>[vector<16xi32>, vector<16xi32>], vector<16xf32>,
          %add3A_172 = arith.addi %shift_left3A_152, %add3A_170 : vector<16xi32>
          tpu.vector_store_idx %arg7[%shift_right_logical3A_146, %add3A_172], %gather3A_171 : memref<192x128xf32, #tpu.memory_space<vmem>>[vector<16xi32>, vector<16xi32>], vector<16xf32>,
          %scan3A_173 = arith.constant 3 : i32
          %scan3A_174 = arith.addi %scan3A_63, %scan3A_173 : i32
          %add3A_175 = vector.broadcast %scan3A_174 : i32 to vector<16xi32>
          %add3A_176 = arith.addi %iota3A, %add3A_175 : vector<16xi32>
          %and3A_177 = arith.constant 15 : i32
          %and3A_178 = vector.broadcast %and3A_177 : i32 to vector<16xi32>
          %and3A_179 = arith.andi %add3A_176, %and3A_178 : vector<16xi32>
          %add3A_180 = vector.broadcast %mul3A_56 : i32 to vector<16xi32>
          %add3A_181 = arith.addi %add3A_180, %and3A_179 : vector<16xi32>
          %shift_right_logical3A_182 = arith.constant 1 : i32
          %shift_right_logical3A_183 = vector.broadcast %shift_right_logical3A_182 : i32 to vector<16xi32>
          %shift_right_logical3A_184 = arith.shrui %add3A_181, %shift_right_logical3A_183 : vector<16xi32>
          %and3A_185 = arith.constant 1 : i32
          %and3A_186 = vector.broadcast %and3A_185 : i32 to vector<16xi32>
          %and3A_187 = arith.andi %add3A_181, %and3A_186 : vector<16xi32>
          %shift_left3A_188 = arith.constant 6 : i32
          %shift_left3A_189 = vector.broadcast %shift_left3A_188 : i32 to vector<16xi32>
          %shift_left3A_190 = arith.shli %and3A_187, %shift_left3A_189 : vector<16xi32>
          %add3A_191 = arith.constant 0 : i32
          %add3A_192 = vector.broadcast %add3A_191 : i32 to vector<16xi32>
          %add3A_193 = arith.addi %iota3A, %add3A_192 : vector<16xi32>
          %gather3A_194 = tpu.vector_load_idx %arg5[%add3A_193, %add3A_181] : memref<64x384xf32, #tpu.memory_space<vmem>>[vector<16xi32>, vector<16xi32>], vector<16xf32>,
          %add3A_195 = arith.addi %shift_left3A_190, %add3A_193 : vector<16xi32>
          tpu.vector_store_idx %arg7[%shift_right_logical3A_184, %add3A_195], %gather3A_194 : memref<192x128xf32, #tpu.memory_space<vmem>>[vector<16xi32>, vector<16xi32>], vector<16xf32>,
          %add3A_196 = arith.constant 16 : i32
          %add3A_197 = vector.broadcast %add3A_196 : i32 to vector<16xi32>
          %add3A_198 = arith.addi %iota3A, %add3A_197 : vector<16xi32>
          %gather3A_199 = tpu.vector_load_idx %arg5[%add3A_198, %add3A_181] : memref<64x384xf32, #tpu.memory_space<vmem>>[vector<16xi32>, vector<16xi32>], vector<16xf32>,
          %add3A_200 = arith.addi %shift_left3A_190, %add3A_198 : vector<16xi32>
          tpu.vector_store_idx %arg7[%shift_right_logical3A_184, %add3A_200], %gather3A_199 : memref<192x128xf32, #tpu.memory_space<vmem>>[vector<16xi32>, vector<16xi32>], vector<16xf32>,
          %add3A_201 = arith.constant 32 : i32
          %add3A_202 = vector.broadcast %add3A_201 : i32 to vector<16xi32>
          %add3A_203 = arith.addi %iota3A, %add3A_202 : vector<16xi32>
          %gather3A_204 = tpu.vector_load_idx %arg5[%add3A_203, %add3A_181] : memref<64x384xf32, #tpu.memory_space<vmem>>[vector<16xi32>, vector<16xi32>], vector<16xf32>,
          %add3A_205 = arith.addi %shift_left3A_190, %add3A_203 : vector<16xi32>
          tpu.vector_store_idx %arg7[%shift_right_logical3A_184, %add3A_205], %gather3A_204 : memref<192x128xf32, #tpu.memory_space<vmem>>[vector<16xi32>, vector<16xi32>], vector<16xf32>,
          %add3A_206 = arith.constant 48 : i32
          %add3A_207 = vector.broadcast %add3A_206 : i32 to vector<16xi32>
          %add3A_208 = arith.addi %iota3A, %add3A_207 : vector<16xi32>
          %gather3A_209 = tpu.vector_load_idx %arg5[%add3A_208, %add3A_181] : memref<64x384xf32, #tpu.memory_space<vmem>>[vector<16xi32>, vector<16xi32>], vector<16xf32>,
          %add3A_210 = arith.addi %shift_left3A_190, %add3A_208 : vector<16xi32>
          tpu.vector_store_idx %arg7[%shift_right_logical3A_184, %add3A_210], %gather3A_209 : memref<192x128xf32, #tpu.memory_space<vmem>>[vector<16xi32>, vector<16xi32>], vector<16xf32>,
        }
        %scan3A_62 = arith.constant 16 : i32
      }
      %scan3A_53 = arith.constant 8 : i32
      "tpu.region"() ({
        %run_scoped3A = tpu.sem_alloc : memref<!tpu.dma_semaphore, #tpu.memory_space<semaphore_mem>>
        %dma_start3A_54 = arith.constant 32 : i32
        %dma_start3A_55 = arith.constant 0 : i32
        %dma_start3A_56 = tpu.memref_slice %arg7[%dma_start3A_54, %dma_start3A_55] : memref<192x128xf32, #tpu.memory_space<vmem>> -> memref<32x128xf32, #tpu.memory_space<vmem>>
        %dma_start3A_57 = arith.constant 499968 : i32
        %dma_start3A_58 = arith.constant 0 : i32
        %dma_start3A_59 = tpu.memref_slice %arg4[%dma_start3A_57, %dma_start3A_58] : memref<500000x128xf32, #tpu.memory_space<hbm>> -> memref<32x128xf32, #tpu.memory_space<hbm>>
        %dma_start3A_60 = arith.constant 499968 : i32
        %dma_start3A_61 = arith.constant 0 : i32
        %dma_start3A_62 = tpu.memref_slice %arg4[%dma_start3A_60, %dma_start3A_61] : memref<500000x128xf32, #tpu.memory_space<hbm>> -> memref<32x128xf32, #tpu.memory_space<hbm>>
        %dma_start3A_63 = arith.constant 32 : i32
        %dma_start3A_64 = arith.constant 0 : i32
        %dma_start3A_65 = tpu.memref_slice %arg7[%dma_start3A_63, %dma_start3A_64] : memref<192x128xf32, #tpu.memory_space<vmem>> -> memref<32x128xf32, #tpu.memory_space<vmem>>
        tpu.enqueue_dma source(%dma_start3A_65 : memref<32x128xf32, #tpu.memory_space<vmem>>) target(%dma_start3A_62 : memref<32x128xf32, #tpu.memory_space<hbm>>) target_semaphore(%run_scoped3A : memref<!tpu.dma_semaphore, #tpu.memory_space<semaphore_mem>>)
        %dma_wait3A_66 = arith.constant 32 : i32
        %dma_wait3A_67 = arith.constant 0 : i32
        %dma_wait3A_68 = tpu.memref_slice %arg7[%dma_wait3A_66, %dma_wait3A_67] : memref<192x128xf32, #tpu.memory_space<vmem>> -> memref<32x128xf32, #tpu.memory_space<vmem>>
        %dma_wait3A_69 = arith.constant 499968 : i32
        %dma_wait3A_70 = arith.constant 0 : i32
        %dma_wait3A_71 = tpu.memref_slice %arg4[%dma_wait3A_69, %dma_wait3A_70] : memref<500000x128xf32, #tpu.memory_space<hbm>> -> memref<32x128xf32, #tpu.memory_space<hbm>>
        %dma_wait3A_72 = arith.constant 499968 : i32
        %dma_wait3A_73 = arith.constant 0 : i32
        %dma_wait3A_74 = tpu.memref_slice %arg4[%dma_wait3A_72, %dma_wait3A_73] : memref<500000x128xf32, #tpu.memory_space<hbm>> -> memref<32x128xf32, #tpu.memory_space<hbm>>
        %dma_wait3A_75 = arith.constant 32 : i32
        %dma_wait3A_76 = arith.constant 0 : i32
        %dma_wait3A_77 = tpu.memref_slice %arg7[%dma_wait3A_75, %dma_wait3A_76] : memref<192x128xf32, #tpu.memory_space<vmem>> -> memref<32x128xf32, #tpu.memory_space<vmem>>
        tpu.wait_dma2 semaphore(%run_scoped3A : memref<!tpu.dma_semaphore, #tpu.memory_space<semaphore_mem>>) src(%dma_wait3A_77 : memref<32x128xf32, #tpu.memory_space<vmem>>) dst(%dma_wait3A_74 : memref<32x128xf32, #tpu.memory_space<hbm>>)
        tpu.yield
      }) : () -> ()
    } else {
    }
    return
  }
}

#map = affine_map<(d0, d1) -> (0, 0)>
#map1 = affine_map<(d0, d1) -> (0, 0, 0)>
module attributes {stable_mosaic.version = 14 : i64} {
  func.func @_body2(%arg0: i32, %arg1: i32, %arg2: memref<200x1024xi32, #tpu.memory_space<hbm>>, %arg3: memref<500000x128xf32, #tpu.memory_space<hbm>>, %arg4: memref<64x200x1024xf32, #tpu.memory_space<hbm>>, %arg5: memref<8x128xi32, #tpu.memory_space<vmem>>, %arg6: memref<8x128xi32, #tpu.memory_space<vmem>>, %arg7: memref<128x128xf32, #tpu.memory_space<vmem>>, %arg8: memref<128x128xf32, #tpu.memory_space<vmem>>, %arg9: memref<64x8x128xf32, #tpu.memory_space<vmem>>, %arg10: memref<!tpu.dma_semaphore, #tpu.memory_space<semaphore_mem>>, %arg11: memref<!tpu.dma_semaphore, #tpu.memory_space<semaphore_mem>>, %arg12: memref<!tpu.dma_semaphore, #tpu.memory_space<semaphore_mem>>) attributes {dimension_semantics = [#tpu.dimension_semantics<core_parallel>, #tpu.dimension_semantics<subcore_parallel>], iteration_bounds = array<i64: 2, 16>, scalar_prefetch = 0 : i64, scratch_operands = 8 : i64, tpu.core_type = #tpu.core_type<sc_vector_subcore>, window_params = [{transform_indices = #map}, {transform_indices = #map}, {transform_indices = #map1}]} {
    %mul3A = arith.constant 2 : i32
    %mul3A_0 = arith.muli %arg1, %mul3A : i32
    %add3A = arith.addi %mul3A_0, %arg0 : i32
    %jit3A = arith.constant 8 : i32
    %eq3A = arith.constant 0 : i32
    %eq3A_1 = arith.cmpi eq, %jit3A, %eq3A : i32
    %jit3A_2 = arith.constant 1 : i32
    %select_n3A = arith.select %eq3A_1, %jit3A_2, %jit3A : i32
    %rem3A = arith.remsi %add3A, %select_n3A : i32
    %ne3A = arith.constant 0 : i32
    %ne3A_3 = arith.cmpi ne, %rem3A, %ne3A : i32
    %lt3A = arith.constant 0 : i32
    %lt3A_4 = arith.cmpi slt, %rem3A, %lt3A : i32
    %lt3A_5 = arith.constant 0 : i32
    %lt3A_6 = arith.cmpi slt, %select_n3A, %lt3A_5 : i32
    %ne3A_7 = arith.xori %lt3A_4, %lt3A_6 : i1
    %and3A = arith.andi %ne3A_7, %ne3A_3 : i1
    %add3A_8 = arith.addi %rem3A, %select_n3A : i32
    %select_n3A_9 = arith.select %and3A, %add3A_8, %rem3A : i32
    %jit3A_10 = arith.constant 8 : i32
    %div3A = arith.divsi %add3A, %jit3A_10 : i32
    %sign3A = arith.constant 0 : i32
    %sign3A_11 = arith.cmpi sgt, %add3A, %sign3A : i32
    %sign3A_12 = arith.extui %sign3A_11 : i1 to i32
    %sign3A_13 = arith.constant 0 : i32
    %sign3A_14 = arith.cmpi slt, %add3A, %sign3A_13 : i32
    %sign3A_15 = arith.extui %sign3A_14 : i1 to i32
    %sign3A_16 = arith.subi %sign3A_12, %sign3A_15 : i32
    %sign3A_17 = arith.constant 0 : i32
    %sign3A_18 = arith.cmpi sgt, %jit3A_10, %sign3A_17 : i32
    %sign3A_19 = arith.extui %sign3A_18 : i1 to i32
    %sign3A_20 = arith.constant 0 : i32
    %sign3A_21 = arith.cmpi slt, %jit3A_10, %sign3A_20 : i32
    %sign3A_22 = arith.extui %sign3A_21 : i1 to i32
    %sign3A_23 = arith.subi %sign3A_19, %sign3A_22 : i32
    %ne3A_24 = arith.cmpi ne, %sign3A_16, %sign3A_23 : i32
    %rem3A_25 = arith.remsi %add3A, %jit3A_10 : i32
    %ne3A_26 = arith.constant 0 : i32
    %ne3A_27 = arith.cmpi ne, %rem3A_25, %ne3A_26 : i32
    %and3A_28 = arith.andi %ne3A_24, %ne3A_27 : i1
    %sub3A = arith.constant 1 : i32
    %sub3A_29 = arith.subi %div3A, %sub3A : i32
    %select_n3A_30 = arith.select %and3A_28, %sub3A_29, %div3A : i32
    %mul3A_31 = arith.constant 128 : i32
    %mul3A_32 = arith.muli %select_n3A_9, %mul3A_31 : i32
    %multiple_of3A = tpu.assume_multiple %mul3A_32, 128 : i32
    %iota3A = tpu.iota {dimensions = array<i32: 0>} : vector<16xi32>
    %eq3A_33 = arith.constant 0 : i32
    %eq3A_34 = arith.cmpi eq, %select_n3A_30, %eq3A_33 : i32
    %jit3A_35 = arith.constant 7 : i32
    %jit3A_36 = arith.constant 6 : i32
    %select_n3A_37 = arith.select %eq3A_34, %jit3A_35, %jit3A_36 : i32
    %while3A = arith.constant 0 : i32
    %while3A_38 = arith.constant 0 : i32
    %while3A_39 = arith.subi %select_n3A_37, %while3A_38 : i32
    %while3A_40 = arith.addi %while3A_38, %while3A_39 : i32
    %while3A_41 = arith.constant 1 : i32
    %while3A_42 = arith.divsi %while3A_39, %while3A_41 : i32
    %while3A_43 = arith.muli %while3A_42, %while3A_41 : i32
    %while3A_44 = arith.addi %while3A_38, %while3A_43 : i32
    %while3A_45 = arith.constant 1 : i32
    scf.for %while3A_47 = %while3A_38 to %while3A_44 step %while3A_45  : i32 {
      %mul3A_48 = arith.constant 4 : i32
      %mul3A_49 = arith.muli %mul3A_48, %while3A_47 : i32
      %add3A_50 = arith.addi %select_n3A_30, %mul3A_49 : i32
      %mul3A_51 = arith.constant 8 : i32
      %mul3A_52 = arith.muli %add3A_50, %mul3A_51 : i32
      %multiple_of3A_53 = tpu.assume_multiple %mul3A_52, 8 : i32
      "tpu.region"() ({
        %run_scoped3A = tpu.sem_alloc : memref<!tpu.dma_semaphore, #tpu.memory_space<semaphore_mem>>
        %dma_start3A_72 = tpu.memref_slice %arg2[%multiple_of3A_53, %multiple_of3A] : memref<200x1024xi32, #tpu.memory_space<hbm>> -> memref<8x128xi32, #tpu.memory_space<hbm>>
        %dma_start3A_73 = tpu.memref_slice %arg2[%multiple_of3A_53, %multiple_of3A] : memref<200x1024xi32, #tpu.memory_space<hbm>> -> memref<8x128xi32, #tpu.memory_space<hbm>>
        tpu.enqueue_dma source(%dma_start3A_73 : memref<8x128xi32, #tpu.memory_space<hbm>>) target(%arg5 : memref<8x128xi32, #tpu.memory_space<vmem>>) target_semaphore(%run_scoped3A : memref<!tpu.dma_semaphore, #tpu.memory_space<semaphore_mem>>)
        %dma_wait3A = tpu.memref_slice %arg2[%multiple_of3A_53, %multiple_of3A] : memref<200x1024xi32, #tpu.memory_space<hbm>> -> memref<8x128xi32, #tpu.memory_space<hbm>>
        %dma_wait3A_74 = tpu.memref_slice %arg2[%multiple_of3A_53, %multiple_of3A] : memref<200x1024xi32, #tpu.memory_space<hbm>> -> memref<8x128xi32, #tpu.memory_space<hbm>>
        tpu.wait_dma2 semaphore(%run_scoped3A : memref<!tpu.dma_semaphore, #tpu.memory_space<semaphore_mem>>) src(%dma_wait3A_74 : memref<8x128xi32, #tpu.memory_space<hbm>>) dst(%arg5 : memref<8x128xi32, #tpu.memory_space<vmem>>)
        tpu.yield
      }) : () -> ()
      %scan3A = arith.constant 0 : i32
      %scan3A_54 = arith.constant 0 : i32
      %scan3A_55 = arith.constant 8 : i32
      %scan3A_56 = arith.addi %scan3A_54, %scan3A_55 : i32
      %scan3A_57 = arith.constant 1 : i32
      scf.for %scan3A_72 = %scan3A_54 to %scan3A_56 step %scan3A_57  : i32 {
        %get3A = arith.index_cast %scan3A_72 : i32 to index
        %get3A_73 = arith.constant 0 : index
        %get3A_74 = tpu.vector_load %arg5[%get3A, %get3A_73] {strides = array<i32>} : memref<8x128xi32, #tpu.memory_space<vmem>>, vector<16xi32>,
        %shift_right_logical3A = arith.constant 1 : i32
        %shift_right_logical3A_75 = vector.broadcast %shift_right_logical3A : i32 to vector<16xi32>
        %shift_right_logical3A_76 = arith.shrui %get3A_74, %shift_right_logical3A_75 : vector<16xi32>
        %swap3A = arith.index_cast %scan3A_72 : i32 to index
        %swap3A_77 = arith.constant 0 : index
        %swap3A_78 = tpu.vector_load %arg6[%swap3A, %swap3A_77] {strides = array<i32>} : memref<8x128xi32, #tpu.memory_space<vmem>>, vector<16xi32>,
        tpu.vector_store %arg6[%swap3A, %swap3A_77], %shift_right_logical3A_76 {strides = array<i32>} : memref<8x128xi32, #tpu.memory_space<vmem>>, vector<16xi32>,
        %get3A_79 = arith.index_cast %scan3A_72 : i32 to index
        %get3A_80 = arith.constant 16 : index
        %get3A_81 = tpu.vector_load %arg5[%get3A_79, %get3A_80] {strides = array<i32>} : memref<8x128xi32, #tpu.memory_space<vmem>>, vector<16xi32>,
        %shift_right_logical3A_82 = arith.constant 1 : i32
        %shift_right_logical3A_83 = vector.broadcast %shift_right_logical3A_82 : i32 to vector<16xi32>
        %shift_right_logical3A_84 = arith.shrui %get3A_81, %shift_right_logical3A_83 : vector<16xi32>
        %swap3A_85 = arith.index_cast %scan3A_72 : i32 to index
        %swap3A_86 = arith.constant 16 : index
        %swap3A_87 = tpu.vector_load %arg6[%swap3A_85, %swap3A_86] {strides = array<i32>} : memref<8x128xi32, #tpu.memory_space<vmem>>, vector<16xi32>,
        tpu.vector_store %arg6[%swap3A_85, %swap3A_86], %shift_right_logical3A_84 {strides = array<i32>} : memref<8x128xi32, #tpu.memory_space<vmem>>, vector<16xi32>,
        %get3A_88 = arith.index_cast %scan3A_72 : i32 to index
        %get3A_89 = arith.constant 32 : index
        %get3A_90 = tpu.vector_load %arg5[%get3A_88, %get3A_89] {strides = array<i32>} : memref<8x128xi32, #tpu.memory_space<vmem>>, vector<16xi32>,
        %shift_right_logical3A_91 = arith.constant 1 : i32
        %shift_right_logical3A_92 = vector.broadcast %shift_right_logical3A_91 : i32 to vector<16xi32>
        %shift_right_logical3A_93 = arith.shrui %get3A_90, %shift_right_logical3A_92 : vector<16xi32>
        %swap3A_94 = arith.index_cast %scan3A_72 : i32 to index
        %swap3A_95 = arith.constant 32 : index
        %swap3A_96 = tpu.vector_load %arg6[%swap3A_94, %swap3A_95] {strides = array<i32>} : memref<8x128xi32, #tpu.memory_space<vmem>>, vector<16xi32>,
        tpu.vector_store %arg6[%swap3A_94, %swap3A_95], %shift_right_logical3A_93 {strides = array<i32>} : memref<8x128xi32, #tpu.memory_space<vmem>>, vector<16xi32>,
        %get3A_97 = arith.index_cast %scan3A_72 : i32 to index
        %get3A_98 = arith.constant 48 : index
        %get3A_99 = tpu.vector_load %arg5[%get3A_97, %get3A_98] {strides = array<i32>} : memref<8x128xi32, #tpu.memory_space<vmem>>, vector<16xi32>,
        %shift_right_logical3A_100 = arith.constant 1 : i32
        %shift_right_logical3A_101 = vector.broadcast %shift_right_logical3A_100 : i32 to vector<16xi32>
        %shift_right_logical3A_102 = arith.shrui %get3A_99, %shift_right_logical3A_101 : vector<16xi32>
        %swap3A_103 = arith.index_cast %scan3A_72 : i32 to index
        %swap3A_104 = arith.constant 48 : index
        %swap3A_105 = tpu.vector_load %arg6[%swap3A_103, %swap3A_104] {strides = array<i32>} : memref<8x128xi32, #tpu.memory_space<vmem>>, vector<16xi32>,
        tpu.vector_store %arg6[%swap3A_103, %swap3A_104], %shift_right_logical3A_102 {strides = array<i32>} : memref<8x128xi32, #tpu.memory_space<vmem>>, vector<16xi32>,
        %get3A_106 = arith.index_cast %scan3A_72 : i32 to index
        %get3A_107 = arith.constant 64 : index
        %get3A_108 = tpu.vector_load %arg5[%get3A_106, %get3A_107] {strides = array<i32>} : memref<8x128xi32, #tpu.memory_space<vmem>>, vector<16xi32>,
        %shift_right_logical3A_109 = arith.constant 1 : i32
        %shift_right_logical3A_110 = vector.broadcast %shift_right_logical3A_109 : i32 to vector<16xi32>
        %shift_right_logical3A_111 = arith.shrui %get3A_108, %shift_right_logical3A_110 : vector<16xi32>
        %swap3A_112 = arith.index_cast %scan3A_72 : i32 to index
        %swap3A_113 = arith.constant 64 : index
        %swap3A_114 = tpu.vector_load %arg6[%swap3A_112, %swap3A_113] {strides = array<i32>} : memref<8x128xi32, #tpu.memory_space<vmem>>, vector<16xi32>,
        tpu.vector_store %arg6[%swap3A_112, %swap3A_113], %shift_right_logical3A_111 {strides = array<i32>} : memref<8x128xi32, #tpu.memory_space<vmem>>, vector<16xi32>,
        %get3A_115 = arith.index_cast %scan3A_72 : i32 to index
        %get3A_116 = arith.constant 80 : index
        %get3A_117 = tpu.vector_load %arg5[%get3A_115, %get3A_116] {strides = array<i32>} : memref<8x128xi32, #tpu.memory_space<vmem>>, vector<16xi32>,
        %shift_right_logical3A_118 = arith.constant 1 : i32
        %shift_right_logical3A_119 = vector.broadcast %shift_right_logical3A_118 : i32 to vector<16xi32>
        %shift_right_logical3A_120 = arith.shrui %get3A_117, %shift_right_logical3A_119 : vector<16xi32>
        %swap3A_121 = arith.index_cast %scan3A_72 : i32 to index
        %swap3A_122 = arith.constant 80 : index
        %swap3A_123 = tpu.vector_load %arg6[%swap3A_121, %swap3A_122] {strides = array<i32>} : memref<8x128xi32, #tpu.memory_space<vmem>>, vector<16xi32>,
        tpu.vector_store %arg6[%swap3A_121, %swap3A_122], %shift_right_logical3A_120 {strides = array<i32>} : memref<8x128xi32, #tpu.memory_space<vmem>>, vector<16xi32>,
        %get3A_124 = arith.index_cast %scan3A_72 : i32 to index
        %get3A_125 = arith.constant 96 : index
        %get3A_126 = tpu.vector_load %arg5[%get3A_124, %get3A_125] {strides = array<i32>} : memref<8x128xi32, #tpu.memory_space<vmem>>, vector<16xi32>,
        %shift_right_logical3A_127 = arith.constant 1 : i32
        %shift_right_logical3A_128 = vector.broadcast %shift_right_logical3A_127 : i32 to vector<16xi32>
        %shift_right_logical3A_129 = arith.shrui %get3A_126, %shift_right_logical3A_128 : vector<16xi32>
        %swap3A_130 = arith.index_cast %scan3A_72 : i32 to index
        %swap3A_131 = arith.constant 96 : index
        %swap3A_132 = tpu.vector_load %arg6[%swap3A_130, %swap3A_131] {strides = array<i32>} : memref<8x128xi32, #tpu.memory_space<vmem>>, vector<16xi32>,
        tpu.vector_store %arg6[%swap3A_130, %swap3A_131], %shift_right_logical3A_129 {strides = array<i32>} : memref<8x128xi32, #tpu.memory_space<vmem>>, vector<16xi32>,
        %get3A_133 = arith.index_cast %scan3A_72 : i32 to index
        %get3A_134 = arith.constant 112 : index
        %get3A_135 = tpu.vector_load %arg5[%get3A_133, %get3A_134] {strides = array<i32>} : memref<8x128xi32, #tpu.memory_space<vmem>>, vector<16xi32>,
        %shift_right_logical3A_136 = arith.constant 1 : i32
        %shift_right_logical3A_137 = vector.broadcast %shift_right_logical3A_136 : i32 to vector<16xi32>
        %shift_right_logical3A_138 = arith.shrui %get3A_135, %shift_right_logical3A_137 : vector<16xi32>
        %swap3A_139 = arith.index_cast %scan3A_72 : i32 to index
        %swap3A_140 = arith.constant 112 : index
        %swap3A_141 = tpu.vector_load %arg6[%swap3A_139, %swap3A_140] {strides = array<i32>} : memref<8x128xi32, #tpu.memory_space<vmem>>, vector<16xi32>,
        tpu.vector_store %arg6[%swap3A_139, %swap3A_140], %shift_right_logical3A_138 {strides = array<i32>} : memref<8x128xi32, #tpu.memory_space<vmem>>, vector<16xi32>,
      }
      %scan3A_58 = arith.constant 8 : i32
      %dma_start3A = arith.constant 0 : i32
      %dma_start3A_59 = arith.constant 0 : i32
      %dma_start3A_60 = tpu.memref_slice %arg6[%dma_start3A, %dma_start3A_59] : memref<8x128xi32, #tpu.memory_space<vmem>> -> memref<1x128xi32, #tpu.memory_space<vmem>>
      %dma_start3A_61 = tpu.memref_squeeze %dma_start3A_60 : memref<1x128xi32, #tpu.memory_space<vmem>> -> memref<128xi32, #tpu.memory_space<vmem>>
      %dma_start3A_62 = arith.constant 0 : i32
      %dma_start3A_63 = arith.constant 0 : i32
      %dma_start3A_64 = tpu.memref_slice %arg3[%dma_start3A_62, %dma_start3A_63] : memref<500000x128xf32, #tpu.memory_space<hbm>> -> memref<500000x128xf32, #tpu.memory_space<hbm>>
      tpu.enqueue_indirect_dma source(%dma_start3A_64 : memref<500000x128xf32, #tpu.memory_space<hbm>>) target(%arg7 : memref<128x128xf32, #tpu.memory_space<vmem>>) offsets(%dma_start3A_61 : memref<128xi32, #tpu.memory_space<vmem>>) semaphore(%arg10 : memref<!tpu.dma_semaphore, #tpu.memory_space<semaphore_mem>>)
      %scan3A_65 = arith.constant 0 : i32
      %scan3A_66 = arith.constant 0 : i32
      %scan3A_67 = arith.constant 4 : i32
      %scan3A_68 = arith.addi %scan3A_66, %scan3A_67 : i32
      %scan3A_69 = arith.constant 1 : i32
      scf.for %scan3A_72 = %scan3A_66 to %scan3A_68 step %scan3A_69  : i32 {
        %mul3A_73 = arith.constant 2 : i32
        %mul3A_74 = arith.muli %mul3A_73, %scan3A_72 : i32
        %dma_wait3A = arith.constant 0 : i32
        %dma_wait3A_75 = tpu.memref_slice %arg6[%mul3A_74, %dma_wait3A] : memref<8x128xi32, #tpu.memory_space<vmem>> -> memref<1x128xi32, #tpu.memory_space<vmem>>
        %dma_wait3A_76 = tpu.memref_squeeze %dma_wait3A_75 : memref<1x128xi32, #tpu.memory_space<vmem>> -> memref<128xi32, #tpu.memory_space<vmem>>
        %dma_wait3A_77 = arith.constant 0 : i32
        %dma_wait3A_78 = arith.constant 0 : i32
        %dma_wait3A_79 = tpu.memref_slice %arg3[%dma_wait3A_77, %dma_wait3A_78] : memref<500000x128xf32, #tpu.memory_space<hbm>> -> memref<500000x128xf32, #tpu.memory_space<hbm>>
        tpu.wait_indirect_dma semaphore(%arg10 : memref<!tpu.dma_semaphore, #tpu.memory_space<semaphore_mem>>) src(%dma_wait3A_79 : memref<500000x128xf32, #tpu.memory_space<hbm>>) dst(%arg7 : memref<128x128xf32, #tpu.memory_space<vmem>>)
        %add3A_80 = arith.constant 1 : i32
        %add3A_81 = arith.addi %mul3A_74, %add3A_80 : i32
        %dma_start3A_82 = arith.constant 0 : i32
        %dma_start3A_83 = tpu.memref_slice %arg6[%add3A_81, %dma_start3A_82] : memref<8x128xi32, #tpu.memory_space<vmem>> -> memref<1x128xi32, #tpu.memory_space<vmem>>
        %dma_start3A_84 = tpu.memref_squeeze %dma_start3A_83 : memref<1x128xi32, #tpu.memory_space<vmem>> -> memref<128xi32, #tpu.memory_space<vmem>>
        %dma_start3A_85 = arith.constant 0 : i32
        %dma_start3A_86 = arith.constant 0 : i32
        %dma_start3A_87 = tpu.memref_slice %arg3[%dma_start3A_85, %dma_start3A_86] : memref<500000x128xf32, #tpu.memory_space<hbm>> -> memref<500000x128xf32, #tpu.memory_space<hbm>>
        tpu.enqueue_indirect_dma source(%dma_start3A_87 : memref<500000x128xf32, #tpu.memory_space<hbm>>) target(%arg8 : memref<128x128xf32, #tpu.memory_space<vmem>>) offsets(%dma_start3A_84 : memref<128xi32, #tpu.memory_space<vmem>>) semaphore(%arg11 : memref<!tpu.dma_semaphore, #tpu.memory_space<semaphore_mem>>)
        %broadcast_in_dim3A = arith.constant 0 : i32
        %broadcast_in_dim3A_88 = vector.broadcast %broadcast_in_dim3A : i32 to vector<16xi32>
        %add3A_89 = vector.broadcast %mul3A_74 : i32 to vector<16xi32>
        %add3A_90 = arith.addi %broadcast_in_dim3A_88, %add3A_89 : vector<16xi32>
        %scan3A_91 = arith.constant 0 : i32
        %scan3A_92 = arith.constant 0 : i32
        %scan3A_93 = arith.constant 8 : i32
        %scan3A_94 = arith.addi %scan3A_92, %scan3A_93 : i32
        %scan3A_95 = arith.constant 1 : i32
        scf.for %scan3A_120 = %scan3A_92 to %scan3A_94 step %scan3A_95  : i32 {
          %mul3A_121 = arith.constant 16 : i32
          %mul3A_122 = arith.muli %scan3A_120, %mul3A_121 : i32
          %add3A_123 = vector.broadcast %mul3A_122 : i32 to vector<16xi32>
          %add3A_124 = arith.addi %iota3A, %add3A_123 : vector<16xi32>
          %mul3A_125 = arith.constant 16 : i32
          %mul3A_126 = arith.muli %scan3A_120, %mul3A_125 : i32
          %get3A = arith.index_cast %mul3A_74 : i32 to index
          %get3A_127 = arith.index_cast %mul3A_126 : i32 to index
          %get3A_128 = tpu.vector_load %arg5[%get3A, %get3A_127] {strides = array<i32>} : memref<8x128xi32, #tpu.memory_space<vmem>>, vector<16xi32>,
          %and3A_129 = arith.constant 1 : i32
          %and3A_130 = vector.broadcast %and3A_129 : i32 to vector<16xi32>
          %and3A_131 = arith.andi %get3A_128, %and3A_130 : vector<16xi32>
          %shift_left3A = arith.constant 6 : i32
          %shift_left3A_132 = vector.broadcast %shift_left3A : i32 to vector<16xi32>
          %shift_left3A_133 = arith.shli %and3A_131, %shift_left3A_132 : vector<16xi32>
          %scan3A_134 = arith.constant 0 : i32
          %scan3A_135 = arith.constant 0 : i32
          %scan3A_136 = arith.constant 16 : i32
          %scan3A_137 = arith.addi %scan3A_135, %scan3A_136 : i32
          %scan3A_138 = arith.constant 4 : i32
          scf.for %scan3A_140 = %scan3A_135 to %scan3A_137 step %scan3A_138  : i32 {
            %add3A_141 = vector.broadcast %scan3A_140 : i32 to vector<16xi32>
            %add3A_142 = arith.addi %iota3A, %add3A_141 : vector<16xi32>
            %and3A_143 = arith.constant 15 : i32
            %and3A_144 = vector.broadcast %and3A_143 : i32 to vector<16xi32>
            %and3A_145 = arith.andi %add3A_142, %and3A_144 : vector<16xi32>
            %add3A_146 = arith.addi %shift_left3A_133, %and3A_145 : vector<16xi32>
            %add3A_147 = arith.constant 0 : i32
            %add3A_148 = vector.broadcast %add3A_147 : i32 to vector<16xi32>
            %add3A_149 = arith.addi %add3A_146, %add3A_148 : vector<16xi32>
            %gather3A = tpu.vector_load_idx %arg7[%add3A_124, %add3A_149] : memref<128x128xf32, #tpu.memory_space<vmem>>[vector<16xi32>, vector<16xi32>], vector<16xf32>,
            %add3A_150 = arith.constant 0 : i32
            %add3A_151 = vector.broadcast %add3A_150 : i32 to vector<16xi32>
            %add3A_152 = arith.addi %and3A_145, %add3A_151 : vector<16xi32>
            tpu.vector_store_idx %arg9[%add3A_152, %add3A_90, %add3A_124], %gather3A : memref<64x8x128xf32, #tpu.memory_space<vmem>>[vector<16xi32>, vector<16xi32>, vector<16xi32>], vector<16xf32>,
            %add3A_153 = arith.addi %shift_left3A_133, %and3A_145 : vector<16xi32>
            %add3A_154 = arith.constant 16 : i32
            %add3A_155 = vector.broadcast %add3A_154 : i32 to vector<16xi32>
            %add3A_156 = arith.addi %add3A_153, %add3A_155 : vector<16xi32>
            %gather3A_157 = tpu.vector_load_idx %arg7[%add3A_124, %add3A_156] : memref<128x128xf32, #tpu.memory_space<vmem>>[vector<16xi32>, vector<16xi32>], vector<16xf32>,
            %add3A_158 = arith.constant 16 : i32
            %add3A_159 = vector.broadcast %add3A_158 : i32 to vector<16xi32>
            %add3A_160 = arith.addi %and3A_145, %add3A_159 : vector<16xi32>
            tpu.vector_store_idx %arg9[%add3A_160, %add3A_90, %add3A_124], %gather3A_157 : memref<64x8x128xf32, #tpu.memory_space<vmem>>[vector<16xi32>, vector<16xi32>, vector<16xi32>], vector<16xf32>,
            %add3A_161 = arith.addi %shift_left3A_133, %and3A_145 : vector<16xi32>
            %add3A_162 = arith.constant 32 : i32
            %add3A_163 = vector.broadcast %add3A_162 : i32 to vector<16xi32>
            %add3A_164 = arith.addi %add3A_161, %add3A_163 : vector<16xi32>
            %gather3A_165 = tpu.vector_load_idx %arg7[%add3A_124, %add3A_164] : memref<128x128xf32, #tpu.memory_space<vmem>>[vector<16xi32>, vector<16xi32>], vector<16xf32>,
            %add3A_166 = arith.constant 32 : i32
            %add3A_167 = vector.broadcast %add3A_166 : i32 to vector<16xi32>
            %add3A_168 = arith.addi %and3A_145, %add3A_167 : vector<16xi32>
            tpu.vector_store_idx %arg9[%add3A_168, %add3A_90, %add3A_124], %gather3A_165 : memref<64x8x128xf32, #tpu.memory_space<vmem>>[vector<16xi32>, vector<16xi32>, vector<16xi32>], vector<16xf32>,
            %add3A_169 = arith.addi %shift_left3A_133, %and3A_145 : vector<16xi32>
            %add3A_170 = arith.constant 48 : i32
            %add3A_171 = vector.broadcast %add3A_170 : i32 to vector<16xi32>
            %add3A_172 = arith.addi %add3A_169, %add3A_171 : vector<16xi32>
            %gather3A_173 = tpu.vector_load_idx %arg7[%add3A_124, %add3A_172] : memref<128x128xf32, #tpu.memory_space<vmem>>[vector<16xi32>, vector<16xi32>], vector<16xf32>,
            %add3A_174 = arith.constant 48 : i32
            %add3A_175 = vector.broadcast %add3A_174 : i32 to vector<16xi32>
            %add3A_176 = arith.addi %and3A_145, %add3A_175 : vector<16xi32>
            tpu.vector_store_idx %arg9[%add3A_176, %add3A_90, %add3A_124], %gather3A_173 : memref<64x8x128xf32, #tpu.memory_space<vmem>>[vector<16xi32>, vector<16xi32>, vector<16xi32>], vector<16xf32>,
            %scan3A_177 = arith.constant 1 : i32
            %scan3A_178 = arith.addi %scan3A_140, %scan3A_177 : i32
            %add3A_179 = vector.broadcast %scan3A_178 : i32 to vector<16xi32>
            %add3A_180 = arith.addi %iota3A, %add3A_179 : vector<16xi32>
            %and3A_181 = arith.constant 15 : i32
            %and3A_182 = vector.broadcast %and3A_181 : i32 to vector<16xi32>
            %and3A_183 = arith.andi %add3A_180, %and3A_182 : vector<16xi32>
            %add3A_184 = arith.addi %shift_left3A_133, %and3A_183 : vector<16xi32>
            %add3A_185 = arith.constant 0 : i32
            %add3A_186 = vector.broadcast %add3A_185 : i32 to vector<16xi32>
            %add3A_187 = arith.addi %add3A_184, %add3A_186 : vector<16xi32>
            %gather3A_188 = tpu.vector_load_idx %arg7[%add3A_124, %add3A_187] : memref<128x128xf32, #tpu.memory_space<vmem>>[vector<16xi32>, vector<16xi32>], vector<16xf32>,
            %add3A_189 = arith.constant 0 : i32
            %add3A_190 = vector.broadcast %add3A_189 : i32 to vector<16xi32>
            %add3A_191 = arith.addi %and3A_183, %add3A_190 : vector<16xi32>
            tpu.vector_store_idx %arg9[%add3A_191, %add3A_90, %add3A_124], %gather3A_188 : memref<64x8x128xf32, #tpu.memory_space<vmem>>[vector<16xi32>, vector<16xi32>, vector<16xi32>], vector<16xf32>,
            %add3A_192 = arith.addi %shift_left3A_133, %and3A_183 : vector<16xi32>
            %add3A_193 = arith.constant 16 : i32
            %add3A_194 = vector.broadcast %add3A_193 : i32 to vector<16xi32>
            %add3A_195 = arith.addi %add3A_192, %add3A_194 : vector<16xi32>
            %gather3A_196 = tpu.vector_load_idx %arg7[%add3A_124, %add3A_195] : memref<128x128xf32, #tpu.memory_space<vmem>>[vector<16xi32>, vector<16xi32>], vector<16xf32>,
            %add3A_197 = arith.constant 16 : i32
            %add3A_198 = vector.broadcast %add3A_197 : i32 to vector<16xi32>
            %add3A_199 = arith.addi %and3A_183, %add3A_198 : vector<16xi32>
            tpu.vector_store_idx %arg9[%add3A_199, %add3A_90, %add3A_124], %gather3A_196 : memref<64x8x128xf32, #tpu.memory_space<vmem>>[vector<16xi32>, vector<16xi32>, vector<16xi32>], vector<16xf32>,
            %add3A_200 = arith.addi %shift_left3A_133, %and3A_183 : vector<16xi32>
            %add3A_201 = arith.constant 32 : i32
            %add3A_202 = vector.broadcast %add3A_201 : i32 to vector<16xi32>
            %add3A_203 = arith.addi %add3A_200, %add3A_202 : vector<16xi32>
            %gather3A_204 = tpu.vector_load_idx %arg7[%add3A_124, %add3A_203] : memref<128x128xf32, #tpu.memory_space<vmem>>[vector<16xi32>, vector<16xi32>], vector<16xf32>,
            %add3A_205 = arith.constant 32 : i32
            %add3A_206 = vector.broadcast %add3A_205 : i32 to vector<16xi32>
            %add3A_207 = arith.addi %and3A_183, %add3A_206 : vector<16xi32>
            tpu.vector_store_idx %arg9[%add3A_207, %add3A_90, %add3A_124], %gather3A_204 : memref<64x8x128xf32, #tpu.memory_space<vmem>>[vector<16xi32>, vector<16xi32>, vector<16xi32>], vector<16xf32>,
            %add3A_208 = arith.addi %shift_left3A_133, %and3A_183 : vector<16xi32>
            %add3A_209 = arith.constant 48 : i32
            %add3A_210 = vector.broadcast %add3A_209 : i32 to vector<16xi32>
            %add3A_211 = arith.addi %add3A_208, %add3A_210 : vector<16xi32>
            %gather3A_212 = tpu.vector_load_idx %arg7[%add3A_124, %add3A_211] : memref<128x128xf32, #tpu.memory_space<vmem>>[vector<16xi32>, vector<16xi32>], vector<16xf32>,
            %add3A_213 = arith.constant 48 : i32
            %add3A_214 = vector.broadcast %add3A_213 : i32 to vector<16xi32>
            %add3A_215 = arith.addi %and3A_183, %add3A_214 : vector<16xi32>
            tpu.vector_store_idx %arg9[%add3A_215, %add3A_90, %add3A_124], %gather3A_212 : memref<64x8x128xf32, #tpu.memory_space<vmem>>[vector<16xi32>, vector<16xi32>, vector<16xi32>], vector<16xf32>,
            %scan3A_216 = arith.constant 2 : i32
            %scan3A_217 = arith.addi %scan3A_140, %scan3A_216 : i32
            %add3A_218 = vector.broadcast %scan3A_217 : i32 to vector<16xi32>
            %add3A_219 = arith.addi %iota3A, %add3A_218 : vector<16xi32>
            %and3A_220 = arith.constant 15 : i32
            %and3A_221 = vector.broadcast %and3A_220 : i32 to vector<16xi32>
            %and3A_222 = arith.andi %add3A_219, %and3A_221 : vector<16xi32>
            %add3A_223 = arith.addi %shift_left3A_133, %and3A_222 : vector<16xi32>
            %add3A_224 = arith.constant 0 : i32
            %add3A_225 = vector.broadcast %add3A_224 : i32 to vector<16xi32>
            %add3A_226 = arith.addi %add3A_223, %add3A_225 : vector<16xi32>
            %gather3A_227 = tpu.vector_load_idx %arg7[%add3A_124, %add3A_226] : memref<128x128xf32, #tpu.memory_space<vmem>>[vector<16xi32>, vector<16xi32>], vector<16xf32>,
            %add3A_228 = arith.constant 0 : i32
            %add3A_229 = vector.broadcast %add3A_228 : i32 to vector<16xi32>
            %add3A_230 = arith.addi %and3A_222, %add3A_229 : vector<16xi32>
            tpu.vector_store_idx %arg9[%add3A_230, %add3A_90, %add3A_124], %gather3A_227 : memref<64x8x128xf32, #tpu.memory_space<vmem>>[vector<16xi32>, vector<16xi32>, vector<16xi32>], vector<16xf32>,
            %add3A_231 = arith.addi %shift_left3A_133, %and3A_222 : vector<16xi32>
            %add3A_232 = arith.constant 16 : i32
            %add3A_233 = vector.broadcast %add3A_232 : i32 to vector<16xi32>
            %add3A_234 = arith.addi %add3A_231, %add3A_233 : vector<16xi32>
            %gather3A_235 = tpu.vector_load_idx %arg7[%add3A_124, %add3A_234] : memref<128x128xf32, #tpu.memory_space<vmem>>[vector<16xi32>, vector<16xi32>], vector<16xf32>,
            %add3A_236 = arith.constant 16 : i32
            %add3A_237 = vector.broadcast %add3A_236 : i32 to vector<16xi32>
            %add3A_238 = arith.addi %and3A_222, %add3A_237 : vector<16xi32>
            tpu.vector_store_idx %arg9[%add3A_238, %add3A_90, %add3A_124], %gather3A_235 : memref<64x8x128xf32, #tpu.memory_space<vmem>>[vector<16xi32>, vector<16xi32>, vector<16xi32>], vector<16xf32>,
            %add3A_239 = arith.addi %shift_left3A_133, %and3A_222 : vector<16xi32>
            %add3A_240 = arith.constant 32 : i32
            %add3A_241 = vector.broadcast %add3A_240 : i32 to vector<16xi32>
            %add3A_242 = arith.addi %add3A_239, %add3A_241 : vector<16xi32>
            %gather3A_243 = tpu.vector_load_idx %arg7[%add3A_124, %add3A_242] : memref<128x128xf32, #tpu.memory_space<vmem>>[vector<16xi32>, vector<16xi32>], vector<16xf32>,
            %add3A_244 = arith.constant 32 : i32
            %add3A_245 = vector.broadcast %add3A_244 : i32 to vector<16xi32>
            %add3A_246 = arith.addi %and3A_222, %add3A_245 : vector<16xi32>
            tpu.vector_store_idx %arg9[%add3A_246, %add3A_90, %add3A_124], %gather3A_243 : memref<64x8x128xf32, #tpu.memory_space<vmem>>[vector<16xi32>, vector<16xi32>, vector<16xi32>], vector<16xf32>,
            %add3A_247 = arith.addi %shift_left3A_133, %and3A_222 : vector<16xi32>
            %add3A_248 = arith.constant 48 : i32
            %add3A_249 = vector.broadcast %add3A_248 : i32 to vector<16xi32>
            %add3A_250 = arith.addi %add3A_247, %add3A_249 : vector<16xi32>
            %gather3A_251 = tpu.vector_load_idx %arg7[%add3A_124, %add3A_250] : memref<128x128xf32, #tpu.memory_space<vmem>>[vector<16xi32>, vector<16xi32>], vector<16xf32>,
            %add3A_252 = arith.constant 48 : i32
            %add3A_253 = vector.broadcast %add3A_252 : i32 to vector<16xi32>
            %add3A_254 = arith.addi %and3A_222, %add3A_253 : vector<16xi32>
            tpu.vector_store_idx %arg9[%add3A_254, %add3A_90, %add3A_124], %gather3A_251 : memref<64x8x128xf32, #tpu.memory_space<vmem>>[vector<16xi32>, vector<16xi32>, vector<16xi32>], vector<16xf32>,
            %scan3A_255 = arith.constant 3 : i32
            %scan3A_256 = arith.addi %scan3A_140, %scan3A_255 : i32
            %add3A_257 = vector.broadcast %scan3A_256 : i32 to vector<16xi32>
            %add3A_258 = arith.addi %iota3A, %add3A_257 : vector<16xi32>
            %and3A_259 = arith.constant 15 : i32
            %and3A_260 = vector.broadcast %and3A_259 : i32 to vector<16xi32>
            %and3A_261 = arith.andi %add3A_258, %and3A_260 : vector<16xi32>
            %add3A_262 = arith.addi %shift_left3A_133, %and3A_261 : vector<16xi32>
            %add3A_263 = arith.constant 0 : i32
            %add3A_264 = vector.broadcast %add3A_263 : i32 to vector<16xi32>
            %add3A_265 = arith.addi %add3A_262, %add3A_264 : vector<16xi32>
            %gather3A_266 = tpu.vector_load_idx %arg7[%add3A_124, %add3A_265] : memref<128x128xf32, #tpu.memory_space<vmem>>[vector<16xi32>, vector<16xi32>], vector<16xf32>,
            %add3A_267 = arith.constant 0 : i32
            %add3A_268 = vector.broadcast %add3A_267 : i32 to vector<16xi32>
            %add3A_269 = arith.addi %and3A_261, %add3A_268 : vector<16xi32>
            tpu.vector_store_idx %arg9[%add3A_269, %add3A_90, %add3A_124], %gather3A_266 : memref<64x8x128xf32, #tpu.memory_space<vmem>>[vector<16xi32>, vector<16xi32>, vector<16xi32>], vector<16xf32>,
            %add3A_270 = arith.addi %shift_left3A_133, %and3A_261 : vector<16xi32>
            %add3A_271 = arith.constant 16 : i32
            %add3A_272 = vector.broadcast %add3A_271 : i32 to vector<16xi32>
            %add3A_273 = arith.addi %add3A_270, %add3A_272 : vector<16xi32>
            %gather3A_274 = tpu.vector_load_idx %arg7[%add3A_124, %add3A_273] : memref<128x128xf32, #tpu.memory_space<vmem>>[vector<16xi32>, vector<16xi32>], vector<16xf32>,
            %add3A_275 = arith.constant 16 : i32
            %add3A_276 = vector.broadcast %add3A_275 : i32 to vector<16xi32>
            %add3A_277 = arith.addi %and3A_261, %add3A_276 : vector<16xi32>
            tpu.vector_store_idx %arg9[%add3A_277, %add3A_90, %add3A_124], %gather3A_274 : memref<64x8x128xf32, #tpu.memory_space<vmem>>[vector<16xi32>, vector<16xi32>, vector<16xi32>], vector<16xf32>,
            %add3A_278 = arith.addi %shift_left3A_133, %and3A_261 : vector<16xi32>
            %add3A_279 = arith.constant 32 : i32
            %add3A_280 = vector.broadcast %add3A_279 : i32 to vector<16xi32>
            %add3A_281 = arith.addi %add3A_278, %add3A_280 : vector<16xi32>
            %gather3A_282 = tpu.vector_load_idx %arg7[%add3A_124, %add3A_281] : memref<128x128xf32, #tpu.memory_space<vmem>>[vector<16xi32>, vector<16xi32>], vector<16xf32>,
            %add3A_283 = arith.constant 32 : i32
            %add3A_284 = vector.broadcast %add3A_283 : i32 to vector<16xi32>
            %add3A_285 = arith.addi %and3A_261, %add3A_284 : vector<16xi32>
            tpu.vector_store_idx %arg9[%add3A_285, %add3A_90, %add3A_124], %gather3A_282 : memref<64x8x128xf32, #tpu.memory_space<vmem>>[vector<16xi32>, vector<16xi32>, vector<16xi32>], vector<16xf32>,
            %add3A_286 = arith.addi %shift_left3A_133, %and3A_261 : vector<16xi32>
            %add3A_287 = arith.constant 48 : i32
            %add3A_288 = vector.broadcast %add3A_287 : i32 to vector<16xi32>
            %add3A_289 = arith.addi %add3A_286, %add3A_288 : vector<16xi32>
            %gather3A_290 = tpu.vector_load_idx %arg7[%add3A_124, %add3A_289] : memref<128x128xf32, #tpu.memory_space<vmem>>[vector<16xi32>, vector<16xi32>], vector<16xf32>,
            %add3A_291 = arith.constant 48 : i32
            %add3A_292 = vector.broadcast %add3A_291 : i32 to vector<16xi32>
            %add3A_293 = arith.addi %and3A_261, %add3A_292 : vector<16xi32>
            tpu.vector_store_idx %arg9[%add3A_293, %add3A_90, %add3A_124], %gather3A_290 : memref<64x8x128xf32, #tpu.memory_space<vmem>>[vector<16xi32>, vector<16xi32>, vector<16xi32>], vector<16xf32>,
          }
          %scan3A_139 = arith.constant 16 : i32
        }
        %scan3A_96 = arith.constant 8 : i32
        %lt3A_97 = arith.constant 3 : i32
        %lt3A_98 = arith.cmpi slt, %scan3A_72, %lt3A_97 : i32
        %convert_element_type3A = arith.extui %lt3A_98 : i1 to i32
        %cond3A = arith.constant 0 : i32
        %cond3A_99 = arith.cmpi ne, %convert_element_type3A, %cond3A : i32
        scf.if %cond3A_99 {
          %add3A_120 = arith.constant 2 : i32
          %add3A_121 = arith.addi %mul3A_74, %add3A_120 : i32
          %dma_start3A_122 = arith.constant 0 : i32
          %dma_start3A_123 = tpu.memref_slice %arg6[%add3A_121, %dma_start3A_122] : memref<8x128xi32, #tpu.memory_space<vmem>> -> memref<1x128xi32, #tpu.memory_space<vmem>>
          %dma_start3A_124 = tpu.memref_squeeze %dma_start3A_123 : memref<1x128xi32, #tpu.memory_space<vmem>> -> memref<128xi32, #tpu.memory_space<vmem>>
          %dma_start3A_125 = arith.constant 0 : i32
          %dma_start3A_126 = arith.constant 0 : i32
          %dma_start3A_127 = tpu.memref_slice %arg3[%dma_start3A_125, %dma_start3A_126] : memref<500000x128xf32, #tpu.memory_space<hbm>> -> memref<500000x128xf32, #tpu.memory_space<hbm>>
          tpu.enqueue_indirect_dma source(%dma_start3A_127 : memref<500000x128xf32, #tpu.memory_space<hbm>>) target(%arg7 : memref<128x128xf32, #tpu.memory_space<vmem>>) offsets(%dma_start3A_124 : memref<128xi32, #tpu.memory_space<vmem>>) semaphore(%arg10 : memref<!tpu.dma_semaphore, #tpu.memory_space<semaphore_mem>>)
        } else {
        }
        %add3A_100 = arith.constant 1 : i32
        %add3A_101 = arith.addi %mul3A_74, %add3A_100 : i32
        %dma_wait3A_102 = arith.constant 0 : i32
        %dma_wait3A_103 = tpu.memref_slice %arg6[%add3A_101, %dma_wait3A_102] : memref<8x128xi32, #tpu.memory_space<vmem>> -> memref<1x128xi32, #tpu.memory_space<vmem>>
        %dma_wait3A_104 = tpu.memref_squeeze %dma_wait3A_103 : memref<1x128xi32, #tpu.memory_space<vmem>> -> memref<128xi32, #tpu.memory_space<vmem>>
        %dma_wait3A_105 = arith.constant 0 : i32
        %dma_wait3A_106 = arith.constant 0 : i32
        %dma_wait3A_107 = tpu.memref_slice %arg3[%dma_wait3A_105, %dma_wait3A_106] : memref<500000x128xf32, #tpu.memory_space<hbm>> -> memref<500000x128xf32, #tpu.memory_space<hbm>>
        tpu.wait_indirect_dma semaphore(%arg11 : memref<!tpu.dma_semaphore, #tpu.memory_space<semaphore_mem>>) src(%dma_wait3A_107 : memref<500000x128xf32, #tpu.memory_space<hbm>>) dst(%arg8 : memref<128x128xf32, #tpu.memory_space<vmem>>)
        %add3A_108 = arith.constant 1 : i32
        %add3A_109 = arith.addi %mul3A_74, %add3A_108 : i32
        %broadcast_in_dim3A_110 = arith.constant 0 : i32
        %broadcast_in_dim3A_111 = vector.broadcast %broadcast_in_dim3A_110 : i32 to vector<16xi32>
        %add3A_112 = vector.broadcast %add3A_109 : i32 to vector<16xi32>
        %add3A_113 = arith.addi %broadcast_in_dim3A_111, %add3A_112 : vector<16xi32>
        %scan3A_114 = arith.constant 0 : i32
        %scan3A_115 = arith.constant 0 : i32
        %scan3A_116 = arith.constant 8 : i32
        %scan3A_117 = arith.addi %scan3A_115, %scan3A_116 : i32
        %scan3A_118 = arith.constant 1 : i32
        scf.for %scan3A_120 = %scan3A_115 to %scan3A_117 step %scan3A_118  : i32 {
          %mul3A_121 = arith.constant 16 : i32
          %mul3A_122 = arith.muli %scan3A_120, %mul3A_121 : i32
          %add3A_123 = vector.broadcast %mul3A_122 : i32 to vector<16xi32>
          %add3A_124 = arith.addi %iota3A, %add3A_123 : vector<16xi32>
          %mul3A_125 = arith.constant 16 : i32
          %mul3A_126 = arith.muli %scan3A_120, %mul3A_125 : i32
          %get3A = arith.index_cast %add3A_109 : i32 to index
          %get3A_127 = arith.index_cast %mul3A_126 : i32 to index
          %get3A_128 = tpu.vector_load %arg5[%get3A, %get3A_127] {strides = array<i32>} : memref<8x128xi32, #tpu.memory_space<vmem>>, vector<16xi32>,
          %and3A_129 = arith.constant 1 : i32
          %and3A_130 = vector.broadcast %and3A_129 : i32 to vector<16xi32>
          %and3A_131 = arith.andi %get3A_128, %and3A_130 : vector<16xi32>
          %shift_left3A = arith.constant 6 : i32
          %shift_left3A_132 = vector.broadcast %shift_left3A : i32 to vector<16xi32>
          %shift_left3A_133 = arith.shli %and3A_131, %shift_left3A_132 : vector<16xi32>
          %scan3A_134 = arith.constant 0 : i32
          %scan3A_135 = arith.constant 0 : i32
          %scan3A_136 = arith.constant 16 : i32
          %scan3A_137 = arith.addi %scan3A_135, %scan3A_136 : i32
          %scan3A_138 = arith.constant 4 : i32
          scf.for %scan3A_140 = %scan3A_135 to %scan3A_137 step %scan3A_138  : i32 {
            %add3A_141 = vector.broadcast %scan3A_140 : i32 to vector<16xi32>
            %add3A_142 = arith.addi %iota3A, %add3A_141 : vector<16xi32>
            %and3A_143 = arith.constant 15 : i32
            %and3A_144 = vector.broadcast %and3A_143 : i32 to vector<16xi32>
            %and3A_145 = arith.andi %add3A_142, %and3A_144 : vector<16xi32>
            %add3A_146 = arith.addi %shift_left3A_133, %and3A_145 : vector<16xi32>
            %add3A_147 = arith.constant 0 : i32
            %add3A_148 = vector.broadcast %add3A_147 : i32 to vector<16xi32>
            %add3A_149 = arith.addi %add3A_146, %add3A_148 : vector<16xi32>
            %gather3A = tpu.vector_load_idx %arg8[%add3A_124, %add3A_149] : memref<128x128xf32, #tpu.memory_space<vmem>>[vector<16xi32>, vector<16xi32>], vector<16xf32>,
            %add3A_150 = arith.constant 0 : i32
            %add3A_151 = vector.broadcast %add3A_150 : i32 to vector<16xi32>
            %add3A_152 = arith.addi %and3A_145, %add3A_151 : vector<16xi32>
            tpu.vector_store_idx %arg9[%add3A_152, %add3A_113, %add3A_124], %gather3A : memref<64x8x128xf32, #tpu.memory_space<vmem>>[vector<16xi32>, vector<16xi32>, vector<16xi32>], vector<16xf32>,
            %add3A_153 = arith.addi %shift_left3A_133, %and3A_145 : vector<16xi32>
            %add3A_154 = arith.constant 16 : i32
            %add3A_155 = vector.broadcast %add3A_154 : i32 to vector<16xi32>
            %add3A_156 = arith.addi %add3A_153, %add3A_155 : vector<16xi32>
            %gather3A_157 = tpu.vector_load_idx %arg8[%add3A_124, %add3A_156] : memref<128x128xf32, #tpu.memory_space<vmem>>[vector<16xi32>, vector<16xi32>], vector<16xf32>,
            %add3A_158 = arith.constant 16 : i32
            %add3A_159 = vector.broadcast %add3A_158 : i32 to vector<16xi32>
            %add3A_160 = arith.addi %and3A_145, %add3A_159 : vector<16xi32>
            tpu.vector_store_idx %arg9[%add3A_160, %add3A_113, %add3A_124], %gather3A_157 : memref<64x8x128xf32, #tpu.memory_space<vmem>>[vector<16xi32>, vector<16xi32>, vector<16xi32>], vector<16xf32>,
            %add3A_161 = arith.addi %shift_left3A_133, %and3A_145 : vector<16xi32>
            %add3A_162 = arith.constant 32 : i32
            %add3A_163 = vector.broadcast %add3A_162 : i32 to vector<16xi32>
            %add3A_164 = arith.addi %add3A_161, %add3A_163 : vector<16xi32>
            %gather3A_165 = tpu.vector_load_idx %arg8[%add3A_124, %add3A_164] : memref<128x128xf32, #tpu.memory_space<vmem>>[vector<16xi32>, vector<16xi32>], vector<16xf32>,
            %add3A_166 = arith.constant 32 : i32
            %add3A_167 = vector.broadcast %add3A_166 : i32 to vector<16xi32>
            %add3A_168 = arith.addi %and3A_145, %add3A_167 : vector<16xi32>
            tpu.vector_store_idx %arg9[%add3A_168, %add3A_113, %add3A_124], %gather3A_165 : memref<64x8x128xf32, #tpu.memory_space<vmem>>[vector<16xi32>, vector<16xi32>, vector<16xi32>], vector<16xf32>,
            %add3A_169 = arith.addi %shift_left3A_133, %and3A_145 : vector<16xi32>
            %add3A_170 = arith.constant 48 : i32
            %add3A_171 = vector.broadcast %add3A_170 : i32 to vector<16xi32>
            %add3A_172 = arith.addi %add3A_169, %add3A_171 : vector<16xi32>
            %gather3A_173 = tpu.vector_load_idx %arg8[%add3A_124, %add3A_172] : memref<128x128xf32, #tpu.memory_space<vmem>>[vector<16xi32>, vector<16xi32>], vector<16xf32>,
            %add3A_174 = arith.constant 48 : i32
            %add3A_175 = vector.broadcast %add3A_174 : i32 to vector<16xi32>
            %add3A_176 = arith.addi %and3A_145, %add3A_175 : vector<16xi32>
            tpu.vector_store_idx %arg9[%add3A_176, %add3A_113, %add3A_124], %gather3A_173 : memref<64x8x128xf32, #tpu.memory_space<vmem>>[vector<16xi32>, vector<16xi32>, vector<16xi32>], vector<16xf32>,
            %scan3A_177 = arith.constant 1 : i32
            %scan3A_178 = arith.addi %scan3A_140, %scan3A_177 : i32
            %add3A_179 = vector.broadcast %scan3A_178 : i32 to vector<16xi32>
            %add3A_180 = arith.addi %iota3A, %add3A_179 : vector<16xi32>
            %and3A_181 = arith.constant 15 : i32
            %and3A_182 = vector.broadcast %and3A_181 : i32 to vector<16xi32>
            %and3A_183 = arith.andi %add3A_180, %and3A_182 : vector<16xi32>
            %add3A_184 = arith.addi %shift_left3A_133, %and3A_183 : vector<16xi32>
            %add3A_185 = arith.constant 0 : i32
            %add3A_186 = vector.broadcast %add3A_185 : i32 to vector<16xi32>
            %add3A_187 = arith.addi %add3A_184, %add3A_186 : vector<16xi32>
            %gather3A_188 = tpu.vector_load_idx %arg8[%add3A_124, %add3A_187] : memref<128x128xf32, #tpu.memory_space<vmem>>[vector<16xi32>, vector<16xi32>], vector<16xf32>,
            %add3A_189 = arith.constant 0 : i32
            %add3A_190 = vector.broadcast %add3A_189 : i32 to vector<16xi32>
            %add3A_191 = arith.addi %and3A_183, %add3A_190 : vector<16xi32>
            tpu.vector_store_idx %arg9[%add3A_191, %add3A_113, %add3A_124], %gather3A_188 : memref<64x8x128xf32, #tpu.memory_space<vmem>>[vector<16xi32>, vector<16xi32>, vector<16xi32>], vector<16xf32>,
            %add3A_192 = arith.addi %shift_left3A_133, %and3A_183 : vector<16xi32>
            %add3A_193 = arith.constant 16 : i32
            %add3A_194 = vector.broadcast %add3A_193 : i32 to vector<16xi32>
            %add3A_195 = arith.addi %add3A_192, %add3A_194 : vector<16xi32>
            %gather3A_196 = tpu.vector_load_idx %arg8[%add3A_124, %add3A_195] : memref<128x128xf32, #tpu.memory_space<vmem>>[vector<16xi32>, vector<16xi32>], vector<16xf32>,
            %add3A_197 = arith.constant 16 : i32
            %add3A_198 = vector.broadcast %add3A_197 : i32 to vector<16xi32>
            %add3A_199 = arith.addi %and3A_183, %add3A_198 : vector<16xi32>
            tpu.vector_store_idx %arg9[%add3A_199, %add3A_113, %add3A_124], %gather3A_196 : memref<64x8x128xf32, #tpu.memory_space<vmem>>[vector<16xi32>, vector<16xi32>, vector<16xi32>], vector<16xf32>,
            %add3A_200 = arith.addi %shift_left3A_133, %and3A_183 : vector<16xi32>
            %add3A_201 = arith.constant 32 : i32
            %add3A_202 = vector.broadcast %add3A_201 : i32 to vector<16xi32>
            %add3A_203 = arith.addi %add3A_200, %add3A_202 : vector<16xi32>
            %gather3A_204 = tpu.vector_load_idx %arg8[%add3A_124, %add3A_203] : memref<128x128xf32, #tpu.memory_space<vmem>>[vector<16xi32>, vector<16xi32>], vector<16xf32>,
            %add3A_205 = arith.constant 32 : i32
            %add3A_206 = vector.broadcast %add3A_205 : i32 to vector<16xi32>
            %add3A_207 = arith.addi %and3A_183, %add3A_206 : vector<16xi32>
            tpu.vector_store_idx %arg9[%add3A_207, %add3A_113, %add3A_124], %gather3A_204 : memref<64x8x128xf32, #tpu.memory_space<vmem>>[vector<16xi32>, vector<16xi32>, vector<16xi32>], vector<16xf32>,
            %add3A_208 = arith.addi %shift_left3A_133, %and3A_183 : vector<16xi32>
            %add3A_209 = arith.constant 48 : i32
            %add3A_210 = vector.broadcast %add3A_209 : i32 to vector<16xi32>
            %add3A_211 = arith.addi %add3A_208, %add3A_210 : vector<16xi32>
            %gather3A_212 = tpu.vector_load_idx %arg8[%add3A_124, %add3A_211] : memref<128x128xf32, #tpu.memory_space<vmem>>[vector<16xi32>, vector<16xi32>], vector<16xf32>,
            %add3A_213 = arith.constant 48 : i32
            %add3A_214 = vector.broadcast %add3A_213 : i32 to vector<16xi32>
            %add3A_215 = arith.addi %and3A_183, %add3A_214 : vector<16xi32>
            tpu.vector_store_idx %arg9[%add3A_215, %add3A_113, %add3A_124], %gather3A_212 : memref<64x8x128xf32, #tpu.memory_space<vmem>>[vector<16xi32>, vector<16xi32>, vector<16xi32>], vector<16xf32>,
            %scan3A_216 = arith.constant 2 : i32
            %scan3A_217 = arith.addi %scan3A_140, %scan3A_216 : i32
            %add3A_218 = vector.broadcast %scan3A_217 : i32 to vector<16xi32>
            %add3A_219 = arith.addi %iota3A, %add3A_218 : vector<16xi32>
            %and3A_220 = arith.constant 15 : i32
            %and3A_221 = vector.broadcast %and3A_220 : i32 to vector<16xi32>
            %and3A_222 = arith.andi %add3A_219, %and3A_221 : vector<16xi32>
            %add3A_223 = arith.addi %shift_left3A_133, %and3A_222 : vector<16xi32>
            %add3A_224 = arith.constant 0 : i32
            %add3A_225 = vector.broadcast %add3A_224 : i32 to vector<16xi32>
            %add3A_226 = arith.addi %add3A_223, %add3A_225 : vector<16xi32>
            %gather3A_227 = tpu.vector_load_idx %arg8[%add3A_124, %add3A_226] : memref<128x128xf32, #tpu.memory_space<vmem>>[vector<16xi32>, vector<16xi32>], vector<16xf32>,
            %add3A_228 = arith.constant 0 : i32
            %add3A_229 = vector.broadcast %add3A_228 : i32 to vector<16xi32>
            %add3A_230 = arith.addi %and3A_222, %add3A_229 : vector<16xi32>
            tpu.vector_store_idx %arg9[%add3A_230, %add3A_113, %add3A_124], %gather3A_227 : memref<64x8x128xf32, #tpu.memory_space<vmem>>[vector<16xi32>, vector<16xi32>, vector<16xi32>], vector<16xf32>,
            %add3A_231 = arith.addi %shift_left3A_133, %and3A_222 : vector<16xi32>
            %add3A_232 = arith.constant 16 : i32
            %add3A_233 = vector.broadcast %add3A_232 : i32 to vector<16xi32>
            %add3A_234 = arith.addi %add3A_231, %add3A_233 : vector<16xi32>
            %gather3A_235 = tpu.vector_load_idx %arg8[%add3A_124, %add3A_234] : memref<128x128xf32, #tpu.memory_space<vmem>>[vector<16xi32>, vector<16xi32>], vector<16xf32>,
            %add3A_236 = arith.constant 16 : i32
            %add3A_237 = vector.broadcast %add3A_236 : i32 to vector<16xi32>
            %add3A_238 = arith.addi %and3A_222, %add3A_237 : vector<16xi32>
            tpu.vector_store_idx %arg9[%add3A_238, %add3A_113, %add3A_124], %gather3A_235 : memref<64x8x128xf32, #tpu.memory_space<vmem>>[vector<16xi32>, vector<16xi32>, vector<16xi32>], vector<16xf32>,
            %add3A_239 = arith.addi %shift_left3A_133, %and3A_222 : vector<16xi32>
            %add3A_240 = arith.constant 32 : i32
            %add3A_241 = vector.broadcast %add3A_240 : i32 to vector<16xi32>
            %add3A_242 = arith.addi %add3A_239, %add3A_241 : vector<16xi32>
            %gather3A_243 = tpu.vector_load_idx %arg8[%add3A_124, %add3A_242] : memref<128x128xf32, #tpu.memory_space<vmem>>[vector<16xi32>, vector<16xi32>], vector<16xf32>,
            %add3A_244 = arith.constant 32 : i32
            %add3A_245 = vector.broadcast %add3A_244 : i32 to vector<16xi32>
            %add3A_246 = arith.addi %and3A_222, %add3A_245 : vector<16xi32>
            tpu.vector_store_idx %arg9[%add3A_246, %add3A_113, %add3A_124], %gather3A_243 : memref<64x8x128xf32, #tpu.memory_space<vmem>>[vector<16xi32>, vector<16xi32>, vector<16xi32>], vector<16xf32>,
            %add3A_247 = arith.addi %shift_left3A_133, %and3A_222 : vector<16xi32>
            %add3A_248 = arith.constant 48 : i32
            %add3A_249 = vector.broadcast %add3A_248 : i32 to vector<16xi32>
            %add3A_250 = arith.addi %add3A_247, %add3A_249 : vector<16xi32>
            %gather3A_251 = tpu.vector_load_idx %arg8[%add3A_124, %add3A_250] : memref<128x128xf32, #tpu.memory_space<vmem>>[vector<16xi32>, vector<16xi32>], vector<16xf32>,
            %add3A_252 = arith.constant 48 : i32
            %add3A_253 = vector.broadcast %add3A_252 : i32 to vector<16xi32>
            %add3A_254 = arith.addi %and3A_222, %add3A_253 : vector<16xi32>
            tpu.vector_store_idx %arg9[%add3A_254, %add3A_113, %add3A_124], %gather3A_251 : memref<64x8x128xf32, #tpu.memory_space<vmem>>[vector<16xi32>, vector<16xi32>, vector<16xi32>], vector<16xf32>,
            %scan3A_255 = arith.constant 3 : i32
            %scan3A_256 = arith.addi %scan3A_140, %scan3A_255 : i32
            %add3A_257 = vector.broadcast %scan3A_256 : i32 to vector<16xi32>
            %add3A_258 = arith.addi %iota3A, %add3A_257 : vector<16xi32>
            %and3A_259 = arith.constant 15 : i32
            %and3A_260 = vector.broadcast %and3A_259 : i32 to vector<16xi32>
            %and3A_261 = arith.andi %add3A_258, %and3A_260 : vector<16xi32>
            %add3A_262 = arith.addi %shift_left3A_133, %and3A_261 : vector<16xi32>
            %add3A_263 = arith.constant 0 : i32
            %add3A_264 = vector.broadcast %add3A_263 : i32 to vector<16xi32>
            %add3A_265 = arith.addi %add3A_262, %add3A_264 : vector<16xi32>
            %gather3A_266 = tpu.vector_load_idx %arg8[%add3A_124, %add3A_265] : memref<128x128xf32, #tpu.memory_space<vmem>>[vector<16xi32>, vector<16xi32>], vector<16xf32>,
            %add3A_267 = arith.constant 0 : i32
            %add3A_268 = vector.broadcast %add3A_267 : i32 to vector<16xi32>
            %add3A_269 = arith.addi %and3A_261, %add3A_268 : vector<16xi32>
            tpu.vector_store_idx %arg9[%add3A_269, %add3A_113, %add3A_124], %gather3A_266 : memref<64x8x128xf32, #tpu.memory_space<vmem>>[vector<16xi32>, vector<16xi32>, vector<16xi32>], vector<16xf32>,
            %add3A_270 = arith.addi %shift_left3A_133, %and3A_261 : vector<16xi32>
            %add3A_271 = arith.constant 16 : i32
            %add3A_272 = vector.broadcast %add3A_271 : i32 to vector<16xi32>
            %add3A_273 = arith.addi %add3A_270, %add3A_272 : vector<16xi32>
            %gather3A_274 = tpu.vector_load_idx %arg8[%add3A_124, %add3A_273] : memref<128x128xf32, #tpu.memory_space<vmem>>[vector<16xi32>, vector<16xi32>], vector<16xf32>,
            %add3A_275 = arith.constant 16 : i32
            %add3A_276 = vector.broadcast %add3A_275 : i32 to vector<16xi32>
            %add3A_277 = arith.addi %and3A_261, %add3A_276 : vector<16xi32>
            tpu.vector_store_idx %arg9[%add3A_277, %add3A_113, %add3A_124], %gather3A_274 : memref<64x8x128xf32, #tpu.memory_space<vmem>>[vector<16xi32>, vector<16xi32>, vector<16xi32>], vector<16xf32>,
            %add3A_278 = arith.addi %shift_left3A_133, %and3A_261 : vector<16xi32>
            %add3A_279 = arith.constant 32 : i32
            %add3A_280 = vector.broadcast %add3A_279 : i32 to vector<16xi32>
            %add3A_281 = arith.addi %add3A_278, %add3A_280 : vector<16xi32>
            %gather3A_282 = tpu.vector_load_idx %arg8[%add3A_124, %add3A_281] : memref<128x128xf32, #tpu.memory_space<vmem>>[vector<16xi32>, vector<16xi32>], vector<16xf32>,
            %add3A_283 = arith.constant 32 : i32
            %add3A_284 = vector.broadcast %add3A_283 : i32 to vector<16xi32>
            %add3A_285 = arith.addi %and3A_261, %add3A_284 : vector<16xi32>
            tpu.vector_store_idx %arg9[%add3A_285, %add3A_113, %add3A_124], %gather3A_282 : memref<64x8x128xf32, #tpu.memory_space<vmem>>[vector<16xi32>, vector<16xi32>, vector<16xi32>], vector<16xf32>,
            %add3A_286 = arith.addi %shift_left3A_133, %and3A_261 : vector<16xi32>
            %add3A_287 = arith.constant 48 : i32
            %add3A_288 = vector.broadcast %add3A_287 : i32 to vector<16xi32>
            %add3A_289 = arith.addi %add3A_286, %add3A_288 : vector<16xi32>
            %gather3A_290 = tpu.vector_load_idx %arg8[%add3A_124, %add3A_289] : memref<128x128xf32, #tpu.memory_space<vmem>>[vector<16xi32>, vector<16xi32>], vector<16xf32>,
            %add3A_291 = arith.constant 48 : i32
            %add3A_292 = vector.broadcast %add3A_291 : i32 to vector<16xi32>
            %add3A_293 = arith.addi %and3A_261, %add3A_292 : vector<16xi32>
            tpu.vector_store_idx %arg9[%add3A_293, %add3A_113, %add3A_124], %gather3A_290 : memref<64x8x128xf32, #tpu.memory_space<vmem>>[vector<16xi32>, vector<16xi32>, vector<16xi32>], vector<16xf32>,
          }
          %scan3A_139 = arith.constant 16 : i32
        }
        %scan3A_119 = arith.constant 8 : i32
      }
      %scan3A_70 = arith.constant 4 : i32
      %multiple_of3A_71 = tpu.assume_multiple %mul3A_52, 8 : i32
      "tpu.region"() ({
        %run_scoped3A = tpu.sem_alloc : memref<!tpu.dma_semaphore, #tpu.memory_space<semaphore_mem>>
        %dma_start3A_72 = arith.constant 0 : i32
        %dma_start3A_73 = tpu.memref_slice %arg4[%dma_start3A_72, %multiple_of3A_71, %multiple_of3A] : memref<64x200x1024xf32, #tpu.memory_space<hbm>> -> memref<64x8x128xf32, #tpu.memory_space<hbm>>
        %dma_start3A_74 = arith.constant 0 : i32
        %dma_start3A_75 = tpu.memref_slice %arg4[%dma_start3A_74, %multiple_of3A_71, %multiple_of3A] : memref<64x200x1024xf32, #tpu.memory_space<hbm>> -> memref<64x8x128xf32, #tpu.memory_space<hbm>>
        tpu.enqueue_dma source(%arg9 : memref<64x8x128xf32, #tpu.memory_space<vmem>>) target(%dma_start3A_75 : memref<64x8x128xf32, #tpu.memory_space<hbm>>) target_semaphore(%run_scoped3A : memref<!tpu.dma_semaphore, #tpu.memory_space<semaphore_mem>>)
        %dma_wait3A = arith.constant 0 : i32
        %dma_wait3A_76 = tpu.memref_slice %arg4[%dma_wait3A, %multiple_of3A_71, %multiple_of3A] : memref<64x200x1024xf32, #tpu.memory_space<hbm>> -> memref<64x8x128xf32, #tpu.memory_space<hbm>>
        %dma_wait3A_77 = arith.constant 0 : i32
        %dma_wait3A_78 = tpu.memref_slice %arg4[%dma_wait3A_77, %multiple_of3A_71, %multiple_of3A] : memref<64x200x1024xf32, #tpu.memory_space<hbm>> -> memref<64x8x128xf32, #tpu.memory_space<hbm>>
        tpu.wait_dma2 semaphore(%run_scoped3A : memref<!tpu.dma_semaphore, #tpu.memory_space<semaphore_mem>>) src(%arg9 : memref<64x8x128xf32, #tpu.memory_space<vmem>>) dst(%dma_wait3A_78 : memref<64x8x128xf32, #tpu.memory_space<hbm>>)
        tpu.yield
      }) : () -> ()
    }
    %while3A_46 = arith.constant 1 : i32
    scf.for %while3A_47 = %while3A_44 to %while3A_40 step %while3A_46  : i32 {
      %mul3A_48 = arith.constant 4 : i32
      %mul3A_49 = arith.muli %mul3A_48, %while3A_47 : i32
      %add3A_50 = arith.addi %select_n3A_30, %mul3A_49 : i32
      %mul3A_51 = arith.constant 8 : i32
      %mul3A_52 = arith.muli %add3A_50, %mul3A_51 : i32
      %multiple_of3A_53 = tpu.assume_multiple %mul3A_52, 8 : i32
      "tpu.region"() ({
        %run_scoped3A = tpu.sem_alloc : memref<!tpu.dma_semaphore, #tpu.memory_space<semaphore_mem>>
        %dma_start3A_72 = tpu.memref_slice %arg2[%multiple_of3A_53, %multiple_of3A] : memref<200x1024xi32, #tpu.memory_space<hbm>> -> memref<8x128xi32, #tpu.memory_space<hbm>>
        %dma_start3A_73 = tpu.memref_slice %arg2[%multiple_of3A_53, %multiple_of3A] : memref<200x1024xi32, #tpu.memory_space<hbm>> -> memref<8x128xi32, #tpu.memory_space<hbm>>
        tpu.enqueue_dma source(%dma_start3A_73 : memref<8x128xi32, #tpu.memory_space<hbm>>) target(%arg5 : memref<8x128xi32, #tpu.memory_space<vmem>>) target_semaphore(%run_scoped3A : memref<!tpu.dma_semaphore, #tpu.memory_space<semaphore_mem>>)
        %dma_wait3A = tpu.memref_slice %arg2[%multiple_of3A_53, %multiple_of3A] : memref<200x1024xi32, #tpu.memory_space<hbm>> -> memref<8x128xi32, #tpu.memory_space<hbm>>
        %dma_wait3A_74 = tpu.memref_slice %arg2[%multiple_of3A_53, %multiple_of3A] : memref<200x1024xi32, #tpu.memory_space<hbm>> -> memref<8x128xi32, #tpu.memory_space<hbm>>
        tpu.wait_dma2 semaphore(%run_scoped3A : memref<!tpu.dma_semaphore, #tpu.memory_space<semaphore_mem>>) src(%dma_wait3A_74 : memref<8x128xi32, #tpu.memory_space<hbm>>) dst(%arg5 : memref<8x128xi32, #tpu.memory_space<vmem>>)
        tpu.yield
      }) : () -> ()
      %scan3A = arith.constant 0 : i32
      %scan3A_54 = arith.constant 0 : i32
      %scan3A_55 = arith.constant 8 : i32
      %scan3A_56 = arith.addi %scan3A_54, %scan3A_55 : i32
      %scan3A_57 = arith.constant 1 : i32
      scf.for %scan3A_72 = %scan3A_54 to %scan3A_56 step %scan3A_57  : i32 {
        %get3A = arith.index_cast %scan3A_72 : i32 to index
        %get3A_73 = arith.constant 0 : index
        %get3A_74 = tpu.vector_load %arg5[%get3A, %get3A_73] {strides = array<i32>} : memref<8x128xi32, #tpu.memory_space<vmem>>, vector<16xi32>,
        %shift_right_logical3A = arith.constant 1 : i32
        %shift_right_logical3A_75 = vector.broadcast %shift_right_logical3A : i32 to vector<16xi32>
        %shift_right_logical3A_76 = arith.shrui %get3A_74, %shift_right_logical3A_75 : vector<16xi32>
        %swap3A = arith.index_cast %scan3A_72 : i32 to index
        %swap3A_77 = arith.constant 0 : index
        %swap3A_78 = tpu.vector_load %arg6[%swap3A, %swap3A_77] {strides = array<i32>} : memref<8x128xi32, #tpu.memory_space<vmem>>, vector<16xi32>,
        tpu.vector_store %arg6[%swap3A, %swap3A_77], %shift_right_logical3A_76 {strides = array<i32>} : memref<8x128xi32, #tpu.memory_space<vmem>>, vector<16xi32>,
        %get3A_79 = arith.index_cast %scan3A_72 : i32 to index
        %get3A_80 = arith.constant 16 : index
        %get3A_81 = tpu.vector_load %arg5[%get3A_79, %get3A_80] {strides = array<i32>} : memref<8x128xi32, #tpu.memory_space<vmem>>, vector<16xi32>,
        %shift_right_logical3A_82 = arith.constant 1 : i32
        %shift_right_logical3A_83 = vector.broadcast %shift_right_logical3A_82 : i32 to vector<16xi32>
        %shift_right_logical3A_84 = arith.shrui %get3A_81, %shift_right_logical3A_83 : vector<16xi32>
        %swap3A_85 = arith.index_cast %scan3A_72 : i32 to index
        %swap3A_86 = arith.constant 16 : index
        %swap3A_87 = tpu.vector_load %arg6[%swap3A_85, %swap3A_86] {strides = array<i32>} : memref<8x128xi32, #tpu.memory_space<vmem>>, vector<16xi32>,
        tpu.vector_store %arg6[%swap3A_85, %swap3A_86], %shift_right_logical3A_84 {strides = array<i32>} : memref<8x128xi32, #tpu.memory_space<vmem>>, vector<16xi32>,
        %get3A_88 = arith.index_cast %scan3A_72 : i32 to index
        %get3A_89 = arith.constant 32 : index
        %get3A_90 = tpu.vector_load %arg5[%get3A_88, %get3A_89] {strides = array<i32>} : memref<8x128xi32, #tpu.memory_space<vmem>>, vector<16xi32>,
        %shift_right_logical3A_91 = arith.constant 1 : i32
        %shift_right_logical3A_92 = vector.broadcast %shift_right_logical3A_91 : i32 to vector<16xi32>
        %shift_right_logical3A_93 = arith.shrui %get3A_90, %shift_right_logical3A_92 : vector<16xi32>
        %swap3A_94 = arith.index_cast %scan3A_72 : i32 to index
        %swap3A_95 = arith.constant 32 : index
        %swap3A_96 = tpu.vector_load %arg6[%swap3A_94, %swap3A_95] {strides = array<i32>} : memref<8x128xi32, #tpu.memory_space<vmem>>, vector<16xi32>,
        tpu.vector_store %arg6[%swap3A_94, %swap3A_95], %shift_right_logical3A_93 {strides = array<i32>} : memref<8x128xi32, #tpu.memory_space<vmem>>, vector<16xi32>,
        %get3A_97 = arith.index_cast %scan3A_72 : i32 to index
        %get3A_98 = arith.constant 48 : index
        %get3A_99 = tpu.vector_load %arg5[%get3A_97, %get3A_98] {strides = array<i32>} : memref<8x128xi32, #tpu.memory_space<vmem>>, vector<16xi32>,
        %shift_right_logical3A_100 = arith.constant 1 : i32
        %shift_right_logical3A_101 = vector.broadcast %shift_right_logical3A_100 : i32 to vector<16xi32>
        %shift_right_logical3A_102 = arith.shrui %get3A_99, %shift_right_logical3A_101 : vector<16xi32>
        %swap3A_103 = arith.index_cast %scan3A_72 : i32 to index
        %swap3A_104 = arith.constant 48 : index
        %swap3A_105 = tpu.vector_load %arg6[%swap3A_103, %swap3A_104] {strides = array<i32>} : memref<8x128xi32, #tpu.memory_space<vmem>>, vector<16xi32>,
        tpu.vector_store %arg6[%swap3A_103, %swap3A_104], %shift_right_logical3A_102 {strides = array<i32>} : memref<8x128xi32, #tpu.memory_space<vmem>>, vector<16xi32>,
        %get3A_106 = arith.index_cast %scan3A_72 : i32 to index
        %get3A_107 = arith.constant 64 : index
        %get3A_108 = tpu.vector_load %arg5[%get3A_106, %get3A_107] {strides = array<i32>} : memref<8x128xi32, #tpu.memory_space<vmem>>, vector<16xi32>,
        %shift_right_logical3A_109 = arith.constant 1 : i32
        %shift_right_logical3A_110 = vector.broadcast %shift_right_logical3A_109 : i32 to vector<16xi32>
        %shift_right_logical3A_111 = arith.shrui %get3A_108, %shift_right_logical3A_110 : vector<16xi32>
        %swap3A_112 = arith.index_cast %scan3A_72 : i32 to index
        %swap3A_113 = arith.constant 64 : index
        %swap3A_114 = tpu.vector_load %arg6[%swap3A_112, %swap3A_113] {strides = array<i32>} : memref<8x128xi32, #tpu.memory_space<vmem>>, vector<16xi32>,
        tpu.vector_store %arg6[%swap3A_112, %swap3A_113], %shift_right_logical3A_111 {strides = array<i32>} : memref<8x128xi32, #tpu.memory_space<vmem>>, vector<16xi32>,
        %get3A_115 = arith.index_cast %scan3A_72 : i32 to index
        %get3A_116 = arith.constant 80 : index
        %get3A_117 = tpu.vector_load %arg5[%get3A_115, %get3A_116] {strides = array<i32>} : memref<8x128xi32, #tpu.memory_space<vmem>>, vector<16xi32>,
        %shift_right_logical3A_118 = arith.constant 1 : i32
        %shift_right_logical3A_119 = vector.broadcast %shift_right_logical3A_118 : i32 to vector<16xi32>
        %shift_right_logical3A_120 = arith.shrui %get3A_117, %shift_right_logical3A_119 : vector<16xi32>
        %swap3A_121 = arith.index_cast %scan3A_72 : i32 to index
        %swap3A_122 = arith.constant 80 : index
        %swap3A_123 = tpu.vector_load %arg6[%swap3A_121, %swap3A_122] {strides = array<i32>} : memref<8x128xi32, #tpu.memory_space<vmem>>, vector<16xi32>,
        tpu.vector_store %arg6[%swap3A_121, %swap3A_122], %shift_right_logical3A_120 {strides = array<i32>} : memref<8x128xi32, #tpu.memory_space<vmem>>, vector<16xi32>,
        %get3A_124 = arith.index_cast %scan3A_72 : i32 to index
        %get3A_125 = arith.constant 96 : index
        %get3A_126 = tpu.vector_load %arg5[%get3A_124, %get3A_125] {strides = array<i32>} : memref<8x128xi32, #tpu.memory_space<vmem>>, vector<16xi32>,
        %shift_right_logical3A_127 = arith.constant 1 : i32
        %shift_right_logical3A_128 = vector.broadcast %shift_right_logical3A_127 : i32 to vector<16xi32>
        %shift_right_logical3A_129 = arith.shrui %get3A_126, %shift_right_logical3A_128 : vector<16xi32>
        %swap3A_130 = arith.index_cast %scan3A_72 : i32 to index
        %swap3A_131 = arith.constant 96 : index
        %swap3A_132 = tpu.vector_load %arg6[%swap3A_130, %swap3A_131] {strides = array<i32>} : memref<8x128xi32, #tpu.memory_space<vmem>>, vector<16xi32>,
        tpu.vector_store %arg6[%swap3A_130, %swap3A_131], %shift_right_logical3A_129 {strides = array<i32>} : memref<8x128xi32, #tpu.memory_space<vmem>>, vector<16xi32>,
        %get3A_133 = arith.index_cast %scan3A_72 : i32 to index
        %get3A_134 = arith.constant 112 : index
        %get3A_135 = tpu.vector_load %arg5[%get3A_133, %get3A_134] {strides = array<i32>} : memref<8x128xi32, #tpu.memory_space<vmem>>, vector<16xi32>,
        %shift_right_logical3A_136 = arith.constant 1 : i32
        %shift_right_logical3A_137 = vector.broadcast %shift_right_logical3A_136 : i32 to vector<16xi32>
        %shift_right_logical3A_138 = arith.shrui %get3A_135, %shift_right_logical3A_137 : vector<16xi32>
        %swap3A_139 = arith.index_cast %scan3A_72 : i32 to index
        %swap3A_140 = arith.constant 112 : index
        %swap3A_141 = tpu.vector_load %arg6[%swap3A_139, %swap3A_140] {strides = array<i32>} : memref<8x128xi32, #tpu.memory_space<vmem>>, vector<16xi32>,
        tpu.vector_store %arg6[%swap3A_139, %swap3A_140], %shift_right_logical3A_138 {strides = array<i32>} : memref<8x128xi32, #tpu.memory_space<vmem>>, vector<16xi32>,
      }
      %scan3A_58 = arith.constant 8 : i32
      %dma_start3A = arith.constant 0 : i32
      %dma_start3A_59 = arith.constant 0 : i32
      %dma_start3A_60 = tpu.memref_slice %arg6[%dma_start3A, %dma_start3A_59] : memref<8x128xi32, #tpu.memory_space<vmem>> -> memref<1x128xi32, #tpu.memory_space<vmem>>
      %dma_start3A_61 = tpu.memref_squeeze %dma_start3A_60 : memref<1x128xi32, #tpu.memory_space<vmem>> -> memref<128xi32, #tpu.memory_space<vmem>>
      %dma_start3A_62 = arith.constant 0 : i32
      %dma_start3A_63 = arith.constant 0 : i32
      %dma_start3A_64 = tpu.memref_slice %arg3[%dma_start3A_62, %dma_start3A_63] : memref<500000x128xf32, #tpu.memory_space<hbm>> -> memref<500000x128xf32, #tpu.memory_space<hbm>>
      tpu.enqueue_indirect_dma source(%dma_start3A_64 : memref<500000x128xf32, #tpu.memory_space<hbm>>) target(%arg7 : memref<128x128xf32, #tpu.memory_space<vmem>>) offsets(%dma_start3A_61 : memref<128xi32, #tpu.memory_space<vmem>>) semaphore(%arg10 : memref<!tpu.dma_semaphore, #tpu.memory_space<semaphore_mem>>)
      %scan3A_65 = arith.constant 0 : i32
      %scan3A_66 = arith.constant 0 : i32
      %scan3A_67 = arith.constant 4 : i32
      %scan3A_68 = arith.addi %scan3A_66, %scan3A_67 : i32
      %scan3A_69 = arith.constant 1 : i32
      scf.for %scan3A_72 = %scan3A_66 to %scan3A_68 step %scan3A_69  : i32 {
        %mul3A_73 = arith.constant 2 : i32
        %mul3A_74 = arith.muli %mul3A_73, %scan3A_72 : i32
        %dma_wait3A = arith.constant 0 : i32
        %dma_wait3A_75 = tpu.memref_slice %arg6[%mul3A_74, %dma_wait3A] : memref<8x128xi32, #tpu.memory_space<vmem>> -> memref<1x128xi32, #tpu.memory_space<vmem>>
        %dma_wait3A_76 = tpu.memref_squeeze %dma_wait3A_75 : memref<1x128xi32, #tpu.memory_space<vmem>> -> memref<128xi32, #tpu.memory_space<vmem>>
        %dma_wait3A_77 = arith.constant 0 : i32
        %dma_wait3A_78 = arith.constant 0 : i32
        %dma_wait3A_79 = tpu.memref_slice %arg3[%dma_wait3A_77, %dma_wait3A_78] : memref<500000x128xf32, #tpu.memory_space<hbm>> -> memref<500000x128xf32, #tpu.memory_space<hbm>>
        tpu.wait_indirect_dma semaphore(%arg10 : memref<!tpu.dma_semaphore, #tpu.memory_space<semaphore_mem>>) src(%dma_wait3A_79 : memref<500000x128xf32, #tpu.memory_space<hbm>>) dst(%arg7 : memref<128x128xf32, #tpu.memory_space<vmem>>)
        %add3A_80 = arith.constant 1 : i32
        %add3A_81 = arith.addi %mul3A_74, %add3A_80 : i32
        %dma_start3A_82 = arith.constant 0 : i32
        %dma_start3A_83 = tpu.memref_slice %arg6[%add3A_81, %dma_start3A_82] : memref<8x128xi32, #tpu.memory_space<vmem>> -> memref<1x128xi32, #tpu.memory_space<vmem>>
        %dma_start3A_84 = tpu.memref_squeeze %dma_start3A_83 : memref<1x128xi32, #tpu.memory_space<vmem>> -> memref<128xi32, #tpu.memory_space<vmem>>
        %dma_start3A_85 = arith.constant 0 : i32
        %dma_start3A_86 = arith.constant 0 : i32
        %dma_start3A_87 = tpu.memref_slice %arg3[%dma_start3A_85, %dma_start3A_86] : memref<500000x128xf32, #tpu.memory_space<hbm>> -> memref<500000x128xf32, #tpu.memory_space<hbm>>
        tpu.enqueue_indirect_dma source(%dma_start3A_87 : memref<500000x128xf32, #tpu.memory_space<hbm>>) target(%arg8 : memref<128x128xf32, #tpu.memory_space<vmem>>) offsets(%dma_start3A_84 : memref<128xi32, #tpu.memory_space<vmem>>) semaphore(%arg11 : memref<!tpu.dma_semaphore, #tpu.memory_space<semaphore_mem>>)
        %broadcast_in_dim3A = arith.constant 0 : i32
        %broadcast_in_dim3A_88 = vector.broadcast %broadcast_in_dim3A : i32 to vector<16xi32>
        %add3A_89 = vector.broadcast %mul3A_74 : i32 to vector<16xi32>
        %add3A_90 = arith.addi %broadcast_in_dim3A_88, %add3A_89 : vector<16xi32>
        %scan3A_91 = arith.constant 0 : i32
        %scan3A_92 = arith.constant 0 : i32
        %scan3A_93 = arith.constant 8 : i32
        %scan3A_94 = arith.addi %scan3A_92, %scan3A_93 : i32
        %scan3A_95 = arith.constant 1 : i32
        scf.for %scan3A_120 = %scan3A_92 to %scan3A_94 step %scan3A_95  : i32 {
          %mul3A_121 = arith.constant 16 : i32
          %mul3A_122 = arith.muli %scan3A_120, %mul3A_121 : i32
          %add3A_123 = vector.broadcast %mul3A_122 : i32 to vector<16xi32>
          %add3A_124 = arith.addi %iota3A, %add3A_123 : vector<16xi32>
          %mul3A_125 = arith.constant 16 : i32
          %mul3A_126 = arith.muli %scan3A_120, %mul3A_125 : i32
          %get3A = arith.index_cast %mul3A_74 : i32 to index
          %get3A_127 = arith.index_cast %mul3A_126 : i32 to index
          %get3A_128 = tpu.vector_load %arg5[%get3A, %get3A_127] {strides = array<i32>} : memref<8x128xi32, #tpu.memory_space<vmem>>, vector<16xi32>,
          %and3A_129 = arith.constant 1 : i32
          %and3A_130 = vector.broadcast %and3A_129 : i32 to vector<16xi32>
          %and3A_131 = arith.andi %get3A_128, %and3A_130 : vector<16xi32>
          %shift_left3A = arith.constant 6 : i32
          %shift_left3A_132 = vector.broadcast %shift_left3A : i32 to vector<16xi32>
          %shift_left3A_133 = arith.shli %and3A_131, %shift_left3A_132 : vector<16xi32>
          %scan3A_134 = arith.constant 0 : i32
          %scan3A_135 = arith.constant 0 : i32
          %scan3A_136 = arith.constant 16 : i32
          %scan3A_137 = arith.addi %scan3A_135, %scan3A_136 : i32
          %scan3A_138 = arith.constant 4 : i32
          scf.for %scan3A_140 = %scan3A_135 to %scan3A_137 step %scan3A_138  : i32 {
            %add3A_141 = vector.broadcast %scan3A_140 : i32 to vector<16xi32>
            %add3A_142 = arith.addi %iota3A, %add3A_141 : vector<16xi32>
            %and3A_143 = arith.constant 15 : i32
            %and3A_144 = vector.broadcast %and3A_143 : i32 to vector<16xi32>
            %and3A_145 = arith.andi %add3A_142, %and3A_144 : vector<16xi32>
            %add3A_146 = arith.addi %shift_left3A_133, %and3A_145 : vector<16xi32>
            %add3A_147 = arith.constant 0 : i32
            %add3A_148 = vector.broadcast %add3A_147 : i32 to vector<16xi32>
            %add3A_149 = arith.addi %add3A_146, %add3A_148 : vector<16xi32>
            %gather3A = tpu.vector_load_idx %arg7[%add3A_124, %add3A_149] : memref<128x128xf32, #tpu.memory_space<vmem>>[vector<16xi32>, vector<16xi32>], vector<16xf32>,
            %add3A_150 = arith.constant 0 : i32
            %add3A_151 = vector.broadcast %add3A_150 : i32 to vector<16xi32>
            %add3A_152 = arith.addi %and3A_145, %add3A_151 : vector<16xi32>
            tpu.vector_store_idx %arg9[%add3A_152, %add3A_90, %add3A_124], %gather3A : memref<64x8x128xf32, #tpu.memory_space<vmem>>[vector<16xi32>, vector<16xi32>, vector<16xi32>], vector<16xf32>,
            %add3A_153 = arith.addi %shift_left3A_133, %and3A_145 : vector<16xi32>
            %add3A_154 = arith.constant 16 : i32
            %add3A_155 = vector.broadcast %add3A_154 : i32 to vector<16xi32>
            %add3A_156 = arith.addi %add3A_153, %add3A_155 : vector<16xi32>
            %gather3A_157 = tpu.vector_load_idx %arg7[%add3A_124, %add3A_156] : memref<128x128xf32, #tpu.memory_space<vmem>>[vector<16xi32>, vector<16xi32>], vector<16xf32>,
            %add3A_158 = arith.constant 16 : i32
            %add3A_159 = vector.broadcast %add3A_158 : i32 to vector<16xi32>
            %add3A_160 = arith.addi %and3A_145, %add3A_159 : vector<16xi32>
            tpu.vector_store_idx %arg9[%add3A_160, %add3A_90, %add3A_124], %gather3A_157 : memref<64x8x128xf32, #tpu.memory_space<vmem>>[vector<16xi32>, vector<16xi32>, vector<16xi32>], vector<16xf32>,
            %add3A_161 = arith.addi %shift_left3A_133, %and3A_145 : vector<16xi32>
            %add3A_162 = arith.constant 32 : i32
            %add3A_163 = vector.broadcast %add3A_162 : i32 to vector<16xi32>
            %add3A_164 = arith.addi %add3A_161, %add3A_163 : vector<16xi32>
            %gather3A_165 = tpu.vector_load_idx %arg7[%add3A_124, %add3A_164] : memref<128x128xf32, #tpu.memory_space<vmem>>[vector<16xi32>, vector<16xi32>], vector<16xf32>,
            %add3A_166 = arith.constant 32 : i32
            %add3A_167 = vector.broadcast %add3A_166 : i32 to vector<16xi32>
            %add3A_168 = arith.addi %and3A_145, %add3A_167 : vector<16xi32>
            tpu.vector_store_idx %arg9[%add3A_168, %add3A_90, %add3A_124], %gather3A_165 : memref<64x8x128xf32, #tpu.memory_space<vmem>>[vector<16xi32>, vector<16xi32>, vector<16xi32>], vector<16xf32>,
            %add3A_169 = arith.addi %shift_left3A_133, %and3A_145 : vector<16xi32>
            %add3A_170 = arith.constant 48 : i32
            %add3A_171 = vector.broadcast %add3A_170 : i32 to vector<16xi32>
            %add3A_172 = arith.addi %add3A_169, %add3A_171 : vector<16xi32>
            %gather3A_173 = tpu.vector_load_idx %arg7[%add3A_124, %add3A_172] : memref<128x128xf32, #tpu.memory_space<vmem>>[vector<16xi32>, vector<16xi32>], vector<16xf32>,
            %add3A_174 = arith.constant 48 : i32
            %add3A_175 = vector.broadcast %add3A_174 : i32 to vector<16xi32>
            %add3A_176 = arith.addi %and3A_145, %add3A_175 : vector<16xi32>
            tpu.vector_store_idx %arg9[%add3A_176, %add3A_90, %add3A_124], %gather3A_173 : memref<64x8x128xf32, #tpu.memory_space<vmem>>[vector<16xi32>, vector<16xi32>, vector<16xi32>], vector<16xf32>,
            %scan3A_177 = arith.constant 1 : i32
            %scan3A_178 = arith.addi %scan3A_140, %scan3A_177 : i32
            %add3A_179 = vector.broadcast %scan3A_178 : i32 to vector<16xi32>
            %add3A_180 = arith.addi %iota3A, %add3A_179 : vector<16xi32>
            %and3A_181 = arith.constant 15 : i32
            %and3A_182 = vector.broadcast %and3A_181 : i32 to vector<16xi32>
            %and3A_183 = arith.andi %add3A_180, %and3A_182 : vector<16xi32>
            %add3A_184 = arith.addi %shift_left3A_133, %and3A_183 : vector<16xi32>
            %add3A_185 = arith.constant 0 : i32
            %add3A_186 = vector.broadcast %add3A_185 : i32 to vector<16xi32>
            %add3A_187 = arith.addi %add3A_184, %add3A_186 : vector<16xi32>
            %gather3A_188 = tpu.vector_load_idx %arg7[%add3A_124, %add3A_187] : memref<128x128xf32, #tpu.memory_space<vmem>>[vector<16xi32>, vector<16xi32>], vector<16xf32>,
            %add3A_189 = arith.constant 0 : i32
            %add3A_190 = vector.broadcast %add3A_189 : i32 to vector<16xi32>
            %add3A_191 = arith.addi %and3A_183, %add3A_190 : vector<16xi32>
            tpu.vector_store_idx %arg9[%add3A_191, %add3A_90, %add3A_124], %gather3A_188 : memref<64x8x128xf32, #tpu.memory_space<vmem>>[vector<16xi32>, vector<16xi32>, vector<16xi32>], vector<16xf32>,
            %add3A_192 = arith.addi %shift_left3A_133, %and3A_183 : vector<16xi32>
            %add3A_193 = arith.constant 16 : i32
            %add3A_194 = vector.broadcast %add3A_193 : i32 to vector<16xi32>
            %add3A_195 = arith.addi %add3A_192, %add3A_194 : vector<16xi32>
            %gather3A_196 = tpu.vector_load_idx %arg7[%add3A_124, %add3A_195] : memref<128x128xf32, #tpu.memory_space<vmem>>[vector<16xi32>, vector<16xi32>], vector<16xf32>,
            %add3A_197 = arith.constant 16 : i32
            %add3A_198 = vector.broadcast %add3A_197 : i32 to vector<16xi32>
            %add3A_199 = arith.addi %and3A_183, %add3A_198 : vector<16xi32>
            tpu.vector_store_idx %arg9[%add3A_199, %add3A_90, %add3A_124], %gather3A_196 : memref<64x8x128xf32, #tpu.memory_space<vmem>>[vector<16xi32>, vector<16xi32>, vector<16xi32>], vector<16xf32>,
            %add3A_200 = arith.addi %shift_left3A_133, %and3A_183 : vector<16xi32>
            %add3A_201 = arith.constant 32 : i32
            %add3A_202 = vector.broadcast %add3A_201 : i32 to vector<16xi32>
            %add3A_203 = arith.addi %add3A_200, %add3A_202 : vector<16xi32>
            %gather3A_204 = tpu.vector_load_idx %arg7[%add3A_124, %add3A_203] : memref<128x128xf32, #tpu.memory_space<vmem>>[vector<16xi32>, vector<16xi32>], vector<16xf32>,
            %add3A_205 = arith.constant 32 : i32
            %add3A_206 = vector.broadcast %add3A_205 : i32 to vector<16xi32>
            %add3A_207 = arith.addi %and3A_183, %add3A_206 : vector<16xi32>
            tpu.vector_store_idx %arg9[%add3A_207, %add3A_90, %add3A_124], %gather3A_204 : memref<64x8x128xf32, #tpu.memory_space<vmem>>[vector<16xi32>, vector<16xi32>, vector<16xi32>], vector<16xf32>,
            %add3A_208 = arith.addi %shift_left3A_133, %and3A_183 : vector<16xi32>
            %add3A_209 = arith.constant 48 : i32
            %add3A_210 = vector.broadcast %add3A_209 : i32 to vector<16xi32>
            %add3A_211 = arith.addi %add3A_208, %add3A_210 : vector<16xi32>
            %gather3A_212 = tpu.vector_load_idx %arg7[%add3A_124, %add3A_211] : memref<128x128xf32, #tpu.memory_space<vmem>>[vector<16xi32>, vector<16xi32>], vector<16xf32>,
            %add3A_213 = arith.constant 48 : i32
            %add3A_214 = vector.broadcast %add3A_213 : i32 to vector<16xi32>
            %add3A_215 = arith.addi %and3A_183, %add3A_214 : vector<16xi32>
            tpu.vector_store_idx %arg9[%add3A_215, %add3A_90, %add3A_124], %gather3A_212 : memref<64x8x128xf32, #tpu.memory_space<vmem>>[vector<16xi32>, vector<16xi32>, vector<16xi32>], vector<16xf32>,
            %scan3A_216 = arith.constant 2 : i32
            %scan3A_217 = arith.addi %scan3A_140, %scan3A_216 : i32
            %add3A_218 = vector.broadcast %scan3A_217 : i32 to vector<16xi32>
            %add3A_219 = arith.addi %iota3A, %add3A_218 : vector<16xi32>
            %and3A_220 = arith.constant 15 : i32
            %and3A_221 = vector.broadcast %and3A_220 : i32 to vector<16xi32>
            %and3A_222 = arith.andi %add3A_219, %and3A_221 : vector<16xi32>
            %add3A_223 = arith.addi %shift_left3A_133, %and3A_222 : vector<16xi32>
            %add3A_224 = arith.constant 0 : i32
            %add3A_225 = vector.broadcast %add3A_224 : i32 to vector<16xi32>
            %add3A_226 = arith.addi %add3A_223, %add3A_225 : vector<16xi32>
            %gather3A_227 = tpu.vector_load_idx %arg7[%add3A_124, %add3A_226] : memref<128x128xf32, #tpu.memory_space<vmem>>[vector<16xi32>, vector<16xi32>], vector<16xf32>,
            %add3A_228 = arith.constant 0 : i32
            %add3A_229 = vector.broadcast %add3A_228 : i32 to vector<16xi32>
            %add3A_230 = arith.addi %and3A_222, %add3A_229 : vector<16xi32>
            tpu.vector_store_idx %arg9[%add3A_230, %add3A_90, %add3A_124], %gather3A_227 : memref<64x8x128xf32, #tpu.memory_space<vmem>>[vector<16xi32>, vector<16xi32>, vector<16xi32>], vector<16xf32>,
            %add3A_231 = arith.addi %shift_left3A_133, %and3A_222 : vector<16xi32>
            %add3A_232 = arith.constant 16 : i32
            %add3A_233 = vector.broadcast %add3A_232 : i32 to vector<16xi32>
            %add3A_234 = arith.addi %add3A_231, %add3A_233 : vector<16xi32>
            %gather3A_235 = tpu.vector_load_idx %arg7[%add3A_124, %add3A_234] : memref<128x128xf32, #tpu.memory_space<vmem>>[vector<16xi32>, vector<16xi32>], vector<16xf32>,
            %add3A_236 = arith.constant 16 : i32
            %add3A_237 = vector.broadcast %add3A_236 : i32 to vector<16xi32>
            %add3A_238 = arith.addi %and3A_222, %add3A_237 : vector<16xi32>
            tpu.vector_store_idx %arg9[%add3A_238, %add3A_90, %add3A_124], %gather3A_235 : memref<64x8x128xf32, #tpu.memory_space<vmem>>[vector<16xi32>, vector<16xi32>, vector<16xi32>], vector<16xf32>,
            %add3A_239 = arith.addi %shift_left3A_133, %and3A_222 : vector<16xi32>
            %add3A_240 = arith.constant 32 : i32
            %add3A_241 = vector.broadcast %add3A_240 : i32 to vector<16xi32>
            %add3A_242 = arith.addi %add3A_239, %add3A_241 : vector<16xi32>
            %gather3A_243 = tpu.vector_load_idx %arg7[%add3A_124, %add3A_242] : memref<128x128xf32, #tpu.memory_space<vmem>>[vector<16xi32>, vector<16xi32>], vector<16xf32>,
            %add3A_244 = arith.constant 32 : i32
            %add3A_245 = vector.broadcast %add3A_244 : i32 to vector<16xi32>
            %add3A_246 = arith.addi %and3A_222, %add3A_245 : vector<16xi32>
            tpu.vector_store_idx %arg9[%add3A_246, %add3A_90, %add3A_124], %gather3A_243 : memref<64x8x128xf32, #tpu.memory_space<vmem>>[vector<16xi32>, vector<16xi32>, vector<16xi32>], vector<16xf32>,
            %add3A_247 = arith.addi %shift_left3A_133, %and3A_222 : vector<16xi32>
            %add3A_248 = arith.constant 48 : i32
            %add3A_249 = vector.broadcast %add3A_248 : i32 to vector<16xi32>
            %add3A_250 = arith.addi %add3A_247, %add3A_249 : vector<16xi32>
            %gather3A_251 = tpu.vector_load_idx %arg7[%add3A_124, %add3A_250] : memref<128x128xf32, #tpu.memory_space<vmem>>[vector<16xi32>, vector<16xi32>], vector<16xf32>,
            %add3A_252 = arith.constant 48 : i32
            %add3A_253 = vector.broadcast %add3A_252 : i32 to vector<16xi32>
            %add3A_254 = arith.addi %and3A_222, %add3A_253 : vector<16xi32>
            tpu.vector_store_idx %arg9[%add3A_254, %add3A_90, %add3A_124], %gather3A_251 : memref<64x8x128xf32, #tpu.memory_space<vmem>>[vector<16xi32>, vector<16xi32>, vector<16xi32>], vector<16xf32>,
            %scan3A_255 = arith.constant 3 : i32
            %scan3A_256 = arith.addi %scan3A_140, %scan3A_255 : i32
            %add3A_257 = vector.broadcast %scan3A_256 : i32 to vector<16xi32>
            %add3A_258 = arith.addi %iota3A, %add3A_257 : vector<16xi32>
            %and3A_259 = arith.constant 15 : i32
            %and3A_260 = vector.broadcast %and3A_259 : i32 to vector<16xi32>
            %and3A_261 = arith.andi %add3A_258, %and3A_260 : vector<16xi32>
            %add3A_262 = arith.addi %shift_left3A_133, %and3A_261 : vector<16xi32>
            %add3A_263 = arith.constant 0 : i32
            %add3A_264 = vector.broadcast %add3A_263 : i32 to vector<16xi32>
            %add3A_265 = arith.addi %add3A_262, %add3A_264 : vector<16xi32>
            %gather3A_266 = tpu.vector_load_idx %arg7[%add3A_124, %add3A_265] : memref<128x128xf32, #tpu.memory_space<vmem>>[vector<16xi32>, vector<16xi32>], vector<16xf32>,
            %add3A_267 = arith.constant 0 : i32
            %add3A_268 = vector.broadcast %add3A_267 : i32 to vector<16xi32>
            %add3A_269 = arith.addi %and3A_261, %add3A_268 : vector<16xi32>
            tpu.vector_store_idx %arg9[%add3A_269, %add3A_90, %add3A_124], %gather3A_266 : memref<64x8x128xf32, #tpu.memory_space<vmem>>[vector<16xi32>, vector<16xi32>, vector<16xi32>], vector<16xf32>,
            %add3A_270 = arith.addi %shift_left3A_133, %and3A_261 : vector<16xi32>
            %add3A_271 = arith.constant 16 : i32
            %add3A_272 = vector.broadcast %add3A_271 : i32 to vector<16xi32>
            %add3A_273 = arith.addi %add3A_270, %add3A_272 : vector<16xi32>
            %gather3A_274 = tpu.vector_load_idx %arg7[%add3A_124, %add3A_273] : memref<128x128xf32, #tpu.memory_space<vmem>>[vector<16xi32>, vector<16xi32>], vector<16xf32>,
            %add3A_275 = arith.constant 16 : i32
            %add3A_276 = vector.broadcast %add3A_275 : i32 to vector<16xi32>
            %add3A_277 = arith.addi %and3A_261, %add3A_276 : vector<16xi32>
            tpu.vector_store_idx %arg9[%add3A_277, %add3A_90, %add3A_124], %gather3A_274 : memref<64x8x128xf32, #tpu.memory_space<vmem>>[vector<16xi32>, vector<16xi32>, vector<16xi32>], vector<16xf32>,
            %add3A_278 = arith.addi %shift_left3A_133, %and3A_261 : vector<16xi32>
            %add3A_279 = arith.constant 32 : i32
            %add3A_280 = vector.broadcast %add3A_279 : i32 to vector<16xi32>
            %add3A_281 = arith.addi %add3A_278, %add3A_280 : vector<16xi32>
            %gather3A_282 = tpu.vector_load_idx %arg7[%add3A_124, %add3A_281] : memref<128x128xf32, #tpu.memory_space<vmem>>[vector<16xi32>, vector<16xi32>], vector<16xf32>,
            %add3A_283 = arith.constant 32 : i32
            %add3A_284 = vector.broadcast %add3A_283 : i32 to vector<16xi32>
            %add3A_285 = arith.addi %and3A_261, %add3A_284 : vector<16xi32>
            tpu.vector_store_idx %arg9[%add3A_285, %add3A_90, %add3A_124], %gather3A_282 : memref<64x8x128xf32, #tpu.memory_space<vmem>>[vector<16xi32>, vector<16xi32>, vector<16xi32>], vector<16xf32>,
            %add3A_286 = arith.addi %shift_left3A_133, %and3A_261 : vector<16xi32>
            %add3A_287 = arith.constant 48 : i32
            %add3A_288 = vector.broadcast %add3A_287 : i32 to vector<16xi32>
            %add3A_289 = arith.addi %add3A_286, %add3A_288 : vector<16xi32>
            %gather3A_290 = tpu.vector_load_idx %arg7[%add3A_124, %add3A_289] : memref<128x128xf32, #tpu.memory_space<vmem>>[vector<16xi32>, vector<16xi32>], vector<16xf32>,
            %add3A_291 = arith.constant 48 : i32
            %add3A_292 = vector.broadcast %add3A_291 : i32 to vector<16xi32>
            %add3A_293 = arith.addi %and3A_261, %add3A_292 : vector<16xi32>
            tpu.vector_store_idx %arg9[%add3A_293, %add3A_90, %add3A_124], %gather3A_290 : memref<64x8x128xf32, #tpu.memory_space<vmem>>[vector<16xi32>, vector<16xi32>, vector<16xi32>], vector<16xf32>,
          }
          %scan3A_139 = arith.constant 16 : i32
        }
        %scan3A_96 = arith.constant 8 : i32
        %lt3A_97 = arith.constant 3 : i32
        %lt3A_98 = arith.cmpi slt, %scan3A_72, %lt3A_97 : i32
        %convert_element_type3A = arith.extui %lt3A_98 : i1 to i32
        %cond3A = arith.constant 0 : i32
        %cond3A_99 = arith.cmpi ne, %convert_element_type3A, %cond3A : i32
        scf.if %cond3A_99 {
          %add3A_120 = arith.constant 2 : i32
          %add3A_121 = arith.addi %mul3A_74, %add3A_120 : i32
          %dma_start3A_122 = arith.constant 0 : i32
          %dma_start3A_123 = tpu.memref_slice %arg6[%add3A_121, %dma_start3A_122] : memref<8x128xi32, #tpu.memory_space<vmem>> -> memref<1x128xi32, #tpu.memory_space<vmem>>
          %dma_start3A_124 = tpu.memref_squeeze %dma_start3A_123 : memref<1x128xi32, #tpu.memory_space<vmem>> -> memref<128xi32, #tpu.memory_space<vmem>>
          %dma_start3A_125 = arith.constant 0 : i32
          %dma_start3A_126 = arith.constant 0 : i32
          %dma_start3A_127 = tpu.memref_slice %arg3[%dma_start3A_125, %dma_start3A_126] : memref<500000x128xf32, #tpu.memory_space<hbm>> -> memref<500000x128xf32, #tpu.memory_space<hbm>>
          tpu.enqueue_indirect_dma source(%dma_start3A_127 : memref<500000x128xf32, #tpu.memory_space<hbm>>) target(%arg7 : memref<128x128xf32, #tpu.memory_space<vmem>>) offsets(%dma_start3A_124 : memref<128xi32, #tpu.memory_space<vmem>>) semaphore(%arg10 : memref<!tpu.dma_semaphore, #tpu.memory_space<semaphore_mem>>)
        } else {
        }
        %add3A_100 = arith.constant 1 : i32
        %add3A_101 = arith.addi %mul3A_74, %add3A_100 : i32
        %dma_wait3A_102 = arith.constant 0 : i32
        %dma_wait3A_103 = tpu.memref_slice %arg6[%add3A_101, %dma_wait3A_102] : memref<8x128xi32, #tpu.memory_space<vmem>> -> memref<1x128xi32, #tpu.memory_space<vmem>>
        %dma_wait3A_104 = tpu.memref_squeeze %dma_wait3A_103 : memref<1x128xi32, #tpu.memory_space<vmem>> -> memref<128xi32, #tpu.memory_space<vmem>>
        %dma_wait3A_105 = arith.constant 0 : i32
        %dma_wait3A_106 = arith.constant 0 : i32
        %dma_wait3A_107 = tpu.memref_slice %arg3[%dma_wait3A_105, %dma_wait3A_106] : memref<500000x128xf32, #tpu.memory_space<hbm>> -> memref<500000x128xf32, #tpu.memory_space<hbm>>
        tpu.wait_indirect_dma semaphore(%arg11 : memref<!tpu.dma_semaphore, #tpu.memory_space<semaphore_mem>>) src(%dma_wait3A_107 : memref<500000x128xf32, #tpu.memory_space<hbm>>) dst(%arg8 : memref<128x128xf32, #tpu.memory_space<vmem>>)
        %add3A_108 = arith.constant 1 : i32
        %add3A_109 = arith.addi %mul3A_74, %add3A_108 : i32
        %broadcast_in_dim3A_110 = arith.constant 0 : i32
        %broadcast_in_dim3A_111 = vector.broadcast %broadcast_in_dim3A_110 : i32 to vector<16xi32>
        %add3A_112 = vector.broadcast %add3A_109 : i32 to vector<16xi32>
        %add3A_113 = arith.addi %broadcast_in_dim3A_111, %add3A_112 : vector<16xi32>
        %scan3A_114 = arith.constant 0 : i32
        %scan3A_115 = arith.constant 0 : i32
        %scan3A_116 = arith.constant 8 : i32
        %scan3A_117 = arith.addi %scan3A_115, %scan3A_116 : i32
        %scan3A_118 = arith.constant 1 : i32
        scf.for %scan3A_120 = %scan3A_115 to %scan3A_117 step %scan3A_118  : i32 {
          %mul3A_121 = arith.constant 16 : i32
          %mul3A_122 = arith.muli %scan3A_120, %mul3A_121 : i32
          %add3A_123 = vector.broadcast %mul3A_122 : i32 to vector<16xi32>
          %add3A_124 = arith.addi %iota3A, %add3A_123 : vector<16xi32>
          %mul3A_125 = arith.constant 16 : i32
          %mul3A_126 = arith.muli %scan3A_120, %mul3A_125 : i32
          %get3A = arith.index_cast %add3A_109 : i32 to index
          %get3A_127 = arith.index_cast %mul3A_126 : i32 to index
          %get3A_128 = tpu.vector_load %arg5[%get3A, %get3A_127] {strides = array<i32>} : memref<8x128xi32, #tpu.memory_space<vmem>>, vector<16xi32>,
          %and3A_129 = arith.constant 1 : i32
          %and3A_130 = vector.broadcast %and3A_129 : i32 to vector<16xi32>
          %and3A_131 = arith.andi %get3A_128, %and3A_130 : vector<16xi32>
          %shift_left3A = arith.constant 6 : i32
          %shift_left3A_132 = vector.broadcast %shift_left3A : i32 to vector<16xi32>
          %shift_left3A_133 = arith.shli %and3A_131, %shift_left3A_132 : vector<16xi32>
          %scan3A_134 = arith.constant 0 : i32
          %scan3A_135 = arith.constant 0 : i32
          %scan3A_136 = arith.constant 16 : i32
          %scan3A_137 = arith.addi %scan3A_135, %scan3A_136 : i32
          %scan3A_138 = arith.constant 4 : i32
          scf.for %scan3A_140 = %scan3A_135 to %scan3A_137 step %scan3A_138  : i32 {
            %add3A_141 = vector.broadcast %scan3A_140 : i32 to vector<16xi32>
            %add3A_142 = arith.addi %iota3A, %add3A_141 : vector<16xi32>
            %and3A_143 = arith.constant 15 : i32
            %and3A_144 = vector.broadcast %and3A_143 : i32 to vector<16xi32>
            %and3A_145 = arith.andi %add3A_142, %and3A_144 : vector<16xi32>
            %add3A_146 = arith.addi %shift_left3A_133, %and3A_145 : vector<16xi32>
            %add3A_147 = arith.constant 0 : i32
            %add3A_148 = vector.broadcast %add3A_147 : i32 to vector<16xi32>
            %add3A_149 = arith.addi %add3A_146, %add3A_148 : vector<16xi32>
            %gather3A = tpu.vector_load_idx %arg8[%add3A_124, %add3A_149] : memref<128x128xf32, #tpu.memory_space<vmem>>[vector<16xi32>, vector<16xi32>], vector<16xf32>,
            %add3A_150 = arith.constant 0 : i32
            %add3A_151 = vector.broadcast %add3A_150 : i32 to vector<16xi32>
            %add3A_152 = arith.addi %and3A_145, %add3A_151 : vector<16xi32>
            tpu.vector_store_idx %arg9[%add3A_152, %add3A_113, %add3A_124], %gather3A : memref<64x8x128xf32, #tpu.memory_space<vmem>>[vector<16xi32>, vector<16xi32>, vector<16xi32>], vector<16xf32>,
            %add3A_153 = arith.addi %shift_left3A_133, %and3A_145 : vector<16xi32>
            %add3A_154 = arith.constant 16 : i32
            %add3A_155 = vector.broadcast %add3A_154 : i32 to vector<16xi32>
            %add3A_156 = arith.addi %add3A_153, %add3A_155 : vector<16xi32>
            %gather3A_157 = tpu.vector_load_idx %arg8[%add3A_124, %add3A_156] : memref<128x128xf32, #tpu.memory_space<vmem>>[vector<16xi32>, vector<16xi32>], vector<16xf32>,
            %add3A_158 = arith.constant 16 : i32
            %add3A_159 = vector.broadcast %add3A_158 : i32 to vector<16xi32>
            %add3A_160 = arith.addi %and3A_145, %add3A_159 : vector<16xi32>
            tpu.vector_store_idx %arg9[%add3A_160, %add3A_113, %add3A_124], %gather3A_157 : memref<64x8x128xf32, #tpu.memory_space<vmem>>[vector<16xi32>, vector<16xi32>, vector<16xi32>], vector<16xf32>,
            %add3A_161 = arith.addi %shift_left3A_133, %and3A_145 : vector<16xi32>
            %add3A_162 = arith.constant 32 : i32
            %add3A_163 = vector.broadcast %add3A_162 : i32 to vector<16xi32>
            %add3A_164 = arith.addi %add3A_161, %add3A_163 : vector<16xi32>
            %gather3A_165 = tpu.vector_load_idx %arg8[%add3A_124, %add3A_164] : memref<128x128xf32, #tpu.memory_space<vmem>>[vector<16xi32>, vector<16xi32>], vector<16xf32>,
            %add3A_166 = arith.constant 32 : i32
            %add3A_167 = vector.broadcast %add3A_166 : i32 to vector<16xi32>
            %add3A_168 = arith.addi %and3A_145, %add3A_167 : vector<16xi32>
            tpu.vector_store_idx %arg9[%add3A_168, %add3A_113, %add3A_124], %gather3A_165 : memref<64x8x128xf32, #tpu.memory_space<vmem>>[vector<16xi32>, vector<16xi32>, vector<16xi32>], vector<16xf32>,
            %add3A_169 = arith.addi %shift_left3A_133, %and3A_145 : vector<16xi32>
            %add3A_170 = arith.constant 48 : i32
            %add3A_171 = vector.broadcast %add3A_170 : i32 to vector<16xi32>
            %add3A_172 = arith.addi %add3A_169, %add3A_171 : vector<16xi32>
            %gather3A_173 = tpu.vector_load_idx %arg8[%add3A_124, %add3A_172] : memref<128x128xf32, #tpu.memory_space<vmem>>[vector<16xi32>, vector<16xi32>], vector<16xf32>,
            %add3A_174 = arith.constant 48 : i32
            %add3A_175 = vector.broadcast %add3A_174 : i32 to vector<16xi32>
            %add3A_176 = arith.addi %and3A_145, %add3A_175 : vector<16xi32>
            tpu.vector_store_idx %arg9[%add3A_176, %add3A_113, %add3A_124], %gather3A_173 : memref<64x8x128xf32, #tpu.memory_space<vmem>>[vector<16xi32>, vector<16xi32>, vector<16xi32>], vector<16xf32>,
            %scan3A_177 = arith.constant 1 : i32
            %scan3A_178 = arith.addi %scan3A_140, %scan3A_177 : i32
            %add3A_179 = vector.broadcast %scan3A_178 : i32 to vector<16xi32>
            %add3A_180 = arith.addi %iota3A, %add3A_179 : vector<16xi32>
            %and3A_181 = arith.constant 15 : i32
            %and3A_182 = vector.broadcast %and3A_181 : i32 to vector<16xi32>
            %and3A_183 = arith.andi %add3A_180, %and3A_182 : vector<16xi32>
            %add3A_184 = arith.addi %shift_left3A_133, %and3A_183 : vector<16xi32>
            %add3A_185 = arith.constant 0 : i32
            %add3A_186 = vector.broadcast %add3A_185 : i32 to vector<16xi32>
            %add3A_187 = arith.addi %add3A_184, %add3A_186 : vector<16xi32>
            %gather3A_188 = tpu.vector_load_idx %arg8[%add3A_124, %add3A_187] : memref<128x128xf32, #tpu.memory_space<vmem>>[vector<16xi32>, vector<16xi32>], vector<16xf32>,
            %add3A_189 = arith.constant 0 : i32
            %add3A_190 = vector.broadcast %add3A_189 : i32 to vector<16xi32>
            %add3A_191 = arith.addi %and3A_183, %add3A_190 : vector<16xi32>
            tpu.vector_store_idx %arg9[%add3A_191, %add3A_113, %add3A_124], %gather3A_188 : memref<64x8x128xf32, #tpu.memory_space<vmem>>[vector<16xi32>, vector<16xi32>, vector<16xi32>], vector<16xf32>,
            %add3A_192 = arith.addi %shift_left3A_133, %and3A_183 : vector<16xi32>
            %add3A_193 = arith.constant 16 : i32
            %add3A_194 = vector.broadcast %add3A_193 : i32 to vector<16xi32>
            %add3A_195 = arith.addi %add3A_192, %add3A_194 : vector<16xi32>
            %gather3A_196 = tpu.vector_load_idx %arg8[%add3A_124, %add3A_195] : memref<128x128xf32, #tpu.memory_space<vmem>>[vector<16xi32>, vector<16xi32>], vector<16xf32>,
            %add3A_197 = arith.constant 16 : i32
            %add3A_198 = vector.broadcast %add3A_197 : i32 to vector<16xi32>
            %add3A_199 = arith.addi %and3A_183, %add3A_198 : vector<16xi32>
            tpu.vector_store_idx %arg9[%add3A_199, %add3A_113, %add3A_124], %gather3A_196 : memref<64x8x128xf32, #tpu.memory_space<vmem>>[vector<16xi32>, vector<16xi32>, vector<16xi32>], vector<16xf32>,
            %add3A_200 = arith.addi %shift_left3A_133, %and3A_183 : vector<16xi32>
            %add3A_201 = arith.constant 32 : i32
            %add3A_202 = vector.broadcast %add3A_201 : i32 to vector<16xi32>
            %add3A_203 = arith.addi %add3A_200, %add3A_202 : vector<16xi32>
            %gather3A_204 = tpu.vector_load_idx %arg8[%add3A_124, %add3A_203] : memref<128x128xf32, #tpu.memory_space<vmem>>[vector<16xi32>, vector<16xi32>], vector<16xf32>,
            %add3A_205 = arith.constant 32 : i32
            %add3A_206 = vector.broadcast %add3A_205 : i32 to vector<16xi32>
            %add3A_207 = arith.addi %and3A_183, %add3A_206 : vector<16xi32>
            tpu.vector_store_idx %arg9[%add3A_207, %add3A_113, %add3A_124], %gather3A_204 : memref<64x8x128xf32, #tpu.memory_space<vmem>>[vector<16xi32>, vector<16xi32>, vector<16xi32>], vector<16xf32>,
            %add3A_208 = arith.addi %shift_left3A_133, %and3A_183 : vector<16xi32>
            %add3A_209 = arith.constant 48 : i32
            %add3A_210 = vector.broadcast %add3A_209 : i32 to vector<16xi32>
            %add3A_211 = arith.addi %add3A_208, %add3A_210 : vector<16xi32>
            %gather3A_212 = tpu.vector_load_idx %arg8[%add3A_124, %add3A_211] : memref<128x128xf32, #tpu.memory_space<vmem>>[vector<16xi32>, vector<16xi32>], vector<16xf32>,
            %add3A_213 = arith.constant 48 : i32
            %add3A_214 = vector.broadcast %add3A_213 : i32 to vector<16xi32>
            %add3A_215 = arith.addi %and3A_183, %add3A_214 : vector<16xi32>
            tpu.vector_store_idx %arg9[%add3A_215, %add3A_113, %add3A_124], %gather3A_212 : memref<64x8x128xf32, #tpu.memory_space<vmem>>[vector<16xi32>, vector<16xi32>, vector<16xi32>], vector<16xf32>,
            %scan3A_216 = arith.constant 2 : i32
            %scan3A_217 = arith.addi %scan3A_140, %scan3A_216 : i32
            %add3A_218 = vector.broadcast %scan3A_217 : i32 to vector<16xi32>
            %add3A_219 = arith.addi %iota3A, %add3A_218 : vector<16xi32>
            %and3A_220 = arith.constant 15 : i32
            %and3A_221 = vector.broadcast %and3A_220 : i32 to vector<16xi32>
            %and3A_222 = arith.andi %add3A_219, %and3A_221 : vector<16xi32>
            %add3A_223 = arith.addi %shift_left3A_133, %and3A_222 : vector<16xi32>
            %add3A_224 = arith.constant 0 : i32
            %add3A_225 = vector.broadcast %add3A_224 : i32 to vector<16xi32>
            %add3A_226 = arith.addi %add3A_223, %add3A_225 : vector<16xi32>
            %gather3A_227 = tpu.vector_load_idx %arg8[%add3A_124, %add3A_226] : memref<128x128xf32, #tpu.memory_space<vmem>>[vector<16xi32>, vector<16xi32>], vector<16xf32>,
            %add3A_228 = arith.constant 0 : i32
            %add3A_229 = vector.broadcast %add3A_228 : i32 to vector<16xi32>
            %add3A_230 = arith.addi %and3A_222, %add3A_229 : vector<16xi32>
            tpu.vector_store_idx %arg9[%add3A_230, %add3A_113, %add3A_124], %gather3A_227 : memref<64x8x128xf32, #tpu.memory_space<vmem>>[vector<16xi32>, vector<16xi32>, vector<16xi32>], vector<16xf32>,
            %add3A_231 = arith.addi %shift_left3A_133, %and3A_222 : vector<16xi32>
            %add3A_232 = arith.constant 16 : i32
            %add3A_233 = vector.broadcast %add3A_232 : i32 to vector<16xi32>
            %add3A_234 = arith.addi %add3A_231, %add3A_233 : vector<16xi32>
            %gather3A_235 = tpu.vector_load_idx %arg8[%add3A_124, %add3A_234] : memref<128x128xf32, #tpu.memory_space<vmem>>[vector<16xi32>, vector<16xi32>], vector<16xf32>,
            %add3A_236 = arith.constant 16 : i32
            %add3A_237 = vector.broadcast %add3A_236 : i32 to vector<16xi32>
            %add3A_238 = arith.addi %and3A_222, %add3A_237 : vector<16xi32>
            tpu.vector_store_idx %arg9[%add3A_238, %add3A_113, %add3A_124], %gather3A_235 : memref<64x8x128xf32, #tpu.memory_space<vmem>>[vector<16xi32>, vector<16xi32>, vector<16xi32>], vector<16xf32>,
            %add3A_239 = arith.addi %shift_left3A_133, %and3A_222 : vector<16xi32>
            %add3A_240 = arith.constant 32 : i32
            %add3A_241 = vector.broadcast %add3A_240 : i32 to vector<16xi32>
            %add3A_242 = arith.addi %add3A_239, %add3A_241 : vector<16xi32>
            %gather3A_243 = tpu.vector_load_idx %arg8[%add3A_124, %add3A_242] : memref<128x128xf32, #tpu.memory_space<vmem>>[vector<16xi32>, vector<16xi32>], vector<16xf32>,
            %add3A_244 = arith.constant 32 : i32
            %add3A_245 = vector.broadcast %add3A_244 : i32 to vector<16xi32>
            %add3A_246 = arith.addi %and3A_222, %add3A_245 : vector<16xi32>
            tpu.vector_store_idx %arg9[%add3A_246, %add3A_113, %add3A_124], %gather3A_243 : memref<64x8x128xf32, #tpu.memory_space<vmem>>[vector<16xi32>, vector<16xi32>, vector<16xi32>], vector<16xf32>,
            %add3A_247 = arith.addi %shift_left3A_133, %and3A_222 : vector<16xi32>
            %add3A_248 = arith.constant 48 : i32
            %add3A_249 = vector.broadcast %add3A_248 : i32 to vector<16xi32>
            %add3A_250 = arith.addi %add3A_247, %add3A_249 : vector<16xi32>
            %gather3A_251 = tpu.vector_load_idx %arg8[%add3A_124, %add3A_250] : memref<128x128xf32, #tpu.memory_space<vmem>>[vector<16xi32>, vector<16xi32>], vector<16xf32>,
            %add3A_252 = arith.constant 48 : i32
            %add3A_253 = vector.broadcast %add3A_252 : i32 to vector<16xi32>
            %add3A_254 = arith.addi %and3A_222, %add3A_253 : vector<16xi32>
            tpu.vector_store_idx %arg9[%add3A_254, %add3A_113, %add3A_124], %gather3A_251 : memref<64x8x128xf32, #tpu.memory_space<vmem>>[vector<16xi32>, vector<16xi32>, vector<16xi32>], vector<16xf32>,
            %scan3A_255 = arith.constant 3 : i32
            %scan3A_256 = arith.addi %scan3A_140, %scan3A_255 : i32
            %add3A_257 = vector.broadcast %scan3A_256 : i32 to vector<16xi32>
            %add3A_258 = arith.addi %iota3A, %add3A_257 : vector<16xi32>
            %and3A_259 = arith.constant 15 : i32
            %and3A_260 = vector.broadcast %and3A_259 : i32 to vector<16xi32>
            %and3A_261 = arith.andi %add3A_258, %and3A_260 : vector<16xi32>
            %add3A_262 = arith.addi %shift_left3A_133, %and3A_261 : vector<16xi32>
            %add3A_263 = arith.constant 0 : i32
            %add3A_264 = vector.broadcast %add3A_263 : i32 to vector<16xi32>
            %add3A_265 = arith.addi %add3A_262, %add3A_264 : vector<16xi32>
            %gather3A_266 = tpu.vector_load_idx %arg8[%add3A_124, %add3A_265] : memref<128x128xf32, #tpu.memory_space<vmem>>[vector<16xi32>, vector<16xi32>], vector<16xf32>,
            %add3A_267 = arith.constant 0 : i32
            %add3A_268 = vector.broadcast %add3A_267 : i32 to vector<16xi32>
            %add3A_269 = arith.addi %and3A_261, %add3A_268 : vector<16xi32>
            tpu.vector_store_idx %arg9[%add3A_269, %add3A_113, %add3A_124], %gather3A_266 : memref<64x8x128xf32, #tpu.memory_space<vmem>>[vector<16xi32>, vector<16xi32>, vector<16xi32>], vector<16xf32>,
            %add3A_270 = arith.addi %shift_left3A_133, %and3A_261 : vector<16xi32>
            %add3A_271 = arith.constant 16 : i32
            %add3A_272 = vector.broadcast %add3A_271 : i32 to vector<16xi32>
            %add3A_273 = arith.addi %add3A_270, %add3A_272 : vector<16xi32>
            %gather3A_274 = tpu.vector_load_idx %arg8[%add3A_124, %add3A_273] : memref<128x128xf32, #tpu.memory_space<vmem>>[vector<16xi32>, vector<16xi32>], vector<16xf32>,
            %add3A_275 = arith.constant 16 : i32
            %add3A_276 = vector.broadcast %add3A_275 : i32 to vector<16xi32>
            %add3A_277 = arith.addi %and3A_261, %add3A_276 : vector<16xi32>
            tpu.vector_store_idx %arg9[%add3A_277, %add3A_113, %add3A_124], %gather3A_274 : memref<64x8x128xf32, #tpu.memory_space<vmem>>[vector<16xi32>, vector<16xi32>, vector<16xi32>], vector<16xf32>,
            %add3A_278 = arith.addi %shift_left3A_133, %and3A_261 : vector<16xi32>
            %add3A_279 = arith.constant 32 : i32
            %add3A_280 = vector.broadcast %add3A_279 : i32 to vector<16xi32>
            %add3A_281 = arith.addi %add3A_278, %add3A_280 : vector<16xi32>
            %gather3A_282 = tpu.vector_load_idx %arg8[%add3A_124, %add3A_281] : memref<128x128xf32, #tpu.memory_space<vmem>>[vector<16xi32>, vector<16xi32>], vector<16xf32>,
            %add3A_283 = arith.constant 32 : i32
            %add3A_284 = vector.broadcast %add3A_283 : i32 to vector<16xi32>
            %add3A_285 = arith.addi %and3A_261, %add3A_284 : vector<16xi32>
            tpu.vector_store_idx %arg9[%add3A_285, %add3A_113, %add3A_124], %gather3A_282 : memref<64x8x128xf32, #tpu.memory_space<vmem>>[vector<16xi32>, vector<16xi32>, vector<16xi32>], vector<16xf32>,
            %add3A_286 = arith.addi %shift_left3A_133, %and3A_261 : vector<16xi32>
            %add3A_287 = arith.constant 48 : i32
            %add3A_288 = vector.broadcast %add3A_287 : i32 to vector<16xi32>
            %add3A_289 = arith.addi %add3A_286, %add3A_288 : vector<16xi32>
            %gather3A_290 = tpu.vector_load_idx %arg8[%add3A_124, %add3A_289] : memref<128x128xf32, #tpu.memory_space<vmem>>[vector<16xi32>, vector<16xi32>], vector<16xf32>,
            %add3A_291 = arith.constant 48 : i32
            %add3A_292 = vector.broadcast %add3A_291 : i32 to vector<16xi32>
            %add3A_293 = arith.addi %and3A_261, %add3A_292 : vector<16xi32>
            tpu.vector_store_idx %arg9[%add3A_293, %add3A_113, %add3A_124], %gather3A_290 : memref<64x8x128xf32, #tpu.memory_space<vmem>>[vector<16xi32>, vector<16xi32>, vector<16xi32>], vector<16xf32>,
          }
          %scan3A_139 = arith.constant 16 : i32
        }
        %scan3A_119 = arith.constant 8 : i32
      }
      %scan3A_70 = arith.constant 4 : i32
      %multiple_of3A_71 = tpu.assume_multiple %mul3A_52, 8 : i32
      "tpu.region"() ({
        %run_scoped3A = tpu.sem_alloc : memref<!tpu.dma_semaphore, #tpu.memory_space<semaphore_mem>>
        %dma_start3A_72 = arith.constant 0 : i32
        %dma_start3A_73 = tpu.memref_slice %arg4[%dma_start3A_72, %multiple_of3A_71, %multiple_of3A] : memref<64x200x1024xf32, #tpu.memory_space<hbm>> -> memref<64x8x128xf32, #tpu.memory_space<hbm>>
        %dma_start3A_74 = arith.constant 0 : i32
        %dma_start3A_75 = tpu.memref_slice %arg4[%dma_start3A_74, %multiple_of3A_71, %multiple_of3A] : memref<64x200x1024xf32, #tpu.memory_space<hbm>> -> memref<64x8x128xf32, #tpu.memory_space<hbm>>
        tpu.enqueue_dma source(%arg9 : memref<64x8x128xf32, #tpu.memory_space<vmem>>) target(%dma_start3A_75 : memref<64x8x128xf32, #tpu.memory_space<hbm>>) target_semaphore(%run_scoped3A : memref<!tpu.dma_semaphore, #tpu.memory_space<semaphore_mem>>)
        %dma_wait3A = arith.constant 0 : i32
        %dma_wait3A_76 = tpu.memref_slice %arg4[%dma_wait3A, %multiple_of3A_71, %multiple_of3A] : memref<64x200x1024xf32, #tpu.memory_space<hbm>> -> memref<64x8x128xf32, #tpu.memory_space<hbm>>
        %dma_wait3A_77 = arith.constant 0 : i32
        %dma_wait3A_78 = tpu.memref_slice %arg4[%dma_wait3A_77, %multiple_of3A_71, %multiple_of3A] : memref<64x200x1024xf32, #tpu.memory_space<hbm>> -> memref<64x8x128xf32, #tpu.memory_space<hbm>>
        tpu.wait_dma2 semaphore(%run_scoped3A : memref<!tpu.dma_semaphore, #tpu.memory_space<semaphore_mem>>) src(%arg9 : memref<64x8x128xf32, #tpu.memory_space<vmem>>) dst(%dma_wait3A_78 : memref<64x8x128xf32, #tpu.memory_space<hbm>>)
        tpu.yield
      }) : () -> ()
    }
    return
  }
}

</mosaic_0001>

<sc_bundles>
// kernel: kernel.4.cloned.1.call-start
scs
__scs_entry_jumppad:
0x0: {  	(pc) =	sbr.rel $0x88, $3  }
0x1: {  	(tag) =	ssettag $0x0;
	lr =	simm.s32 $0x1  }
0x2: {  	[smem:$0x3F9F] =	sst lr;
	_ =	strace $0xD0000000  }
0x3: {  	_ = 	snop  }
0x4: {  	_ = 	snop  }
0x5: {  	_ = 	snop  }
0x6: {  	_ = 	snop  }
0x7: {  	_ = 	snop  }
__scs_overlays_trampoline_lowered:
0x8: {  	[smem:$0x3FAE] =	sst s0  }
0x9: {  	[smem:$0x3FAF] =	sst s1  }
0xa: {  	[smem:$0x3FB0] =	sst s2  }
0xb: {  	[smem:$0x3FB1] =	sst s3  }
0xc: {  	[smem:$0x3FB2] =	sst s4  }
0xd: {  	[smem:$0x3FB3] =	sst s5  }
0xe: {  	[smem:$0x3FB4] =	sst s6  }
0xf: {  	[smem:$0x3FB5] =	sst s7  }
0x10: {  	[smem:$0x3FB6] =	sst s8  }
0x11: {  	[smem:$0x3FB7] =	sst s9;
	s0 =	simm.s32 @!p0 $0x0  }
0x12: {  	s1 =	sld [smem:$0x3F9D];
	s0 =	simm.s32 @p0 $0x1  }
0x13: {  	[smem:$0x3FB8] =	sst s0;
	s0 =	simm.s32 @!p1 $0x0  }
0x14: {  	s2 =	sld [smem:$0x3F9C];
	s0 =	simm.s32 @p1 $0x1  }
0x15: {  	[smem:$0x3FB9] =	sst s0;
	s0 =	simm.s32 @!p2 $0x0  }
0x16: {  	s3 =	sld [smem:$0x3FDB];
	s0 =	simm.s32 @p2 $0x1  }
0x17: {  	s4 =	simm.s32 $0x1BF5;
	[smem:$0x3FBB] =	sst s0  }
0x18: {  	s0 =	sld [smem:$0x3F9E];
	_ =	swait.ge [sflag:s4], $0x0  }
0x19: {  	s7 =	sld [smem:$0x3F9F]  }
0x1a: {  	s8 =	sadd.s32 $0xFFFFE003, lr  }
0x1b: {  	s9 =	sadd.s32 $0xFFFFFEF7, lr;
	s5 =	simm.s32 $0xFFFFFFFF;
	p2 =	slt.u32 s8, $0xFFFFF086  }
0x1c: {  	p1 =	slt.u32 s9, $0xF7A;
	s5 =	simm.s32 @!p2 $0x0  }
0x1d: {  	s5 =	simm.s32 @p1 $0x1;
	p0 =	seq.s32 s7, s2  }
0x1e: {  	s7 =	smul.u32 @!p0 $0xF7A, s2;
	p2 =	seq.s32 @!p0 s5, $0x0  }
0x1f: {  	s9 =	smul.u32 $0xF7A, s1;
	s8 =	simm.s32 @!p0 $0x1BF5;
	p2 =	por !p2, p0  }
0x20: {  	[sflag:s8] =	ssyncset.s32 @!p0 $0xFFFFF086;
	s6 =	sadd.s32 @!p0 s3, s7;
	s7 =	simm.s32 @!p0 $0x108  }
0x21: {  	s3 =	sadd.s32 s3, s9;
	s6 =	sadd.s32 @!p0 $0x88, s6;
	s7 =	simm.s32 @p2 $0x1082  }
0x22: {  	[simem:s7], [sflag:s8] =	dma.local @!p0 [hbm:s6], $0xF7A  }
0x23: {  	s9 =	sor.u32 $0xD0000000, s2;
	s6 =	simm.s32 $0x108;
	_ =	swait.ge @!p0 [sflag:s8], $0x0  }
0x24: {  	s3 =	sadd.s32 $0x88, s3;
	s6 =	simm.s32 @!p1 $0x1082;
	[sflag:s4] =	ssyncset.s32 $0xFFFFF086  }
0x25: {  	[simem:s6], [sflag:s4] =	dma.local [hbm:s3], $0xF7A  }
0x26: {  	[smem:$0x3F9F] =	sst s1;
	(tag) =	ssettag s2;
	_ =	strace s9  }
0x27: {  	s1 =	sld [smem:$0x3FAF]  }
0x28: {  	s2 =	sld [smem:$0x3FB0]  }
0x29: {  	s4 =	sld [smem:$0x3FB2]  }
0x2a: {  	p0 =	seq.s32 s5, $0x0;
	s5 =	sld [smem:$0x3FB3]  }
0x2b: {  	s6 =	sld [smem:$0x3FB4]  }
0x2c: {  	s7 =	sld [smem:$0x3FB5]  }
0x2d: {  	s3 =	simm.s32 $0x108;
	s8 =	sld [smem:$0x3FB6]  }
0x2e: {  	s3 =	simm.s32 @!p0 $0x1082;
	s9 =	sld [smem:$0x3FB7]  }
0x2f: {  	lr =	sadd.s32 s0, s3;
	s0 =	sld [smem:$0x3FAE]  }
0x30: {  	s3 =	sld [smem:$0x3FB1]  }
0x31: {  	[smem:$0x3FBA] =	sst s10  }
0x32: {  	s10 =	sld [smem:$0x3FB8];
	_ =	sdelay $0x3  }
0x33: {  	p0 =	seq.s32 s10, $0x1;
	s10 =	sld [smem:$0x3FBA];
	_ =	sdelay $0x3  }
0x34: {  	[smem:$0x3FBA] =	sst s10  }
0x35: {  	s10 =	sld [smem:$0x3FB9];
	_ =	sdelay $0x3  }
0x36: {  	p1 =	seq.s32 s10, $0x1;
	s10 =	sld [smem:$0x3FBA];
	_ =	sdelay $0x3  }
0x37: {  	[smem:$0x3FBA] =	sst s10  }
0x38: {  	s10 =	sld [smem:$0x3FBB]  }
0x39: {  	_ = 	snop;
	(pc) =	sbr.ind lr, $3  }
0x3a: {  	_ = 	snop  }
0x3b: {  	_ = 	snop  }
0x3c: {  	p2 =	seq.s32 s10, $0x1;
	s10 =	sld [smem:$0x3FBA]  }
0x3d: {  	_ =	shalt  }
0x3e: {  	_ =	shalt  }
0x3f: {  	_ =	shalt  }
0x40: {  	_ =	shalt  }
0x41: {  	_ =	shalt  }
0x42: {  	_ =	shalt  }
0x43: {  	_ =	shalt  }
0x44: {  	_ =	shalt  }
0x45: {  	_ =	shalt  }
0x46: {  	_ =	shalt  }
0x47: {  	_ =	shalt  }
0x48: {  	_ =	shalt  }
0x49: {  	_ =	shalt  }
0x4a: {  	_ =	shalt  }
0x4b: {  	_ =	shalt  }
0x4c: {  	_ =	shalt  }
0x4d: {  	_ =	shalt  }
0x4e: {  	_ =	shalt  }
0x4f: {  	_ =	shalt  }
0x50: {  	_ =	shalt  }
0x51: {  	_ =	shalt  }
0x52: {  	_ =	shalt  }
0x53: {  	_ =	shalt  }
0x54: {  	_ =	shalt  }
0x55: {  	_ =	shalt  }
0x56: {  	_ =	shalt  }
0x57: {  	_ =	shalt  }
0x58: {  	_ =	shalt  }
0x59: {  	_ =	shalt  }
0x5a: {  	_ =	shalt  }
0x5b: {  	_ =	shalt  }
0x5c: {  	_ =	shalt  }
0x5d: {  	_ =	shalt  }
0x5e: {  	_ =	shalt  }
0x5f: {  	_ =	shalt  }
0x60: {  	_ =	shalt  }
0x61: {  	_ =	shalt  }
0x62: {  	_ =	shalt  }
0x63: {  	_ =	shalt  }
0x64: {  	_ =	shalt  }
0x65: {  	_ =	shalt  }
0x66: {  	_ =	shalt  }
0x67: {  	_ =	shalt  }
0x68: {  	_ =	shalt  }
0x69: {  	_ =	shalt  }
0x6a: {  	_ =	shalt  }
0x6b: {  	_ =	shalt  }
0x6c: {  	_ =	shalt  }
0x6d: {  	_ =	shalt  }
0x6e: {  	_ =	shalt  }
0x6f: {  	_ =	shalt  }
0x70: {  	_ =	shalt  }
0x71: {  	_ =	shalt  }
0x72: {  	_ =	shalt  }
0x73: {  	_ =	shalt  }
0x74: {  	_ =	shalt  }
0x75: {  	_ =	shalt  }
0x76: {  	_ =	shalt  }
0x77: {  	_ =	shalt  }
0x78: {  	_ =	shalt  }
0x79: {  	_ =	shalt  }
0x7a: {  	_ =	shalt  }
0x7b: {  	_ =	shalt  }
0x7c: {  	_ =	shalt  }
0x7d: {  	_ =	shalt  }
0x7e: {  	_ =	shalt  }
0x7f: {  	_ =	shalt  }
0x80: {  	_ =	shalt  }
0x81: {  	_ =	shalt  }
0x82: {  	_ =	shalt  }
0x83: {  	_ =	shalt  }
0x84: {  	_ =	shalt  }
0x85: {  	_ =	shalt  }
0x86: {  	_ =	shalt  }
0x87: {  	_ =	shalt  }
.Lfunc_end0:
.L_simem_size_0:
called_computation_lowered:
.L_overlay_start_0:
0x88: {  	s2 =	sld [smem:$0x3FD9]  }
0x89: {  	s3 =	sld [smem:$0x3FFE];
	_ =	sdelay $0x1  }
0x8a: {  	s1 =	srdreg.scid  }
0x8b: {  	s0 =	sand.u32 $0x1, s1  }
0x8c: {  	s17 =	sshll.u32 s0, $0xA;
	s2 =	sadd.s32 s3, s2  }
0x8d: {  	s2 =	sadd.s32 s2, s17  }
0x8e: {  	[smem:$0x3FC6] =	sst s2  }
0x8f: {  	_ = 	snop  }
0x90: {  	s2 =	sld [smem:$0x3FC8]  }
0x91: {  	s18 =	sld [smem:$0x3FD0];
	(tm) =	ssettm $0x1  }
0x92: {  	s4 =	sld [smem:$0x3FFB];
	_ =	sdelay $0x3  }
0x93: {  	_ =	strace s4  }
0x94: {  	s4 =	sld [smem:$0x3FFC];
	_ =	sdelay $0x3  }
0x95: {  	_ =	strace s4  }
0x96: {  	s4 =	sld [smem:$0x3FFD];
	_ =	sdelay $0x3  }
0x97: {  	_ =	strace s4  }
0x98: {  	_ =	strace $0x8FFFFFFF  }
0x99: {  	s19 =	sld [smem:$0x3FDB];
	_ =	sdelay $0x1  }
0x9a: {  	s5 =	simm.s32 $_scs_section_size  }
0x9b: {  	s6 =	simm.s32 $_size__tile_overlayer_lowered;
	s7 =	simm.s32 $_tile_overlayer_lowered  }
0x9c: {  	s22 =	simm.s32 $0x1BFF;
	s21 =	sshll.u32 s7, $0x1;
	s4 =	sadd.s32 s5, s19  }
0x9d: {  	s8 =	simm.s32 $0x0;
	s20 =	sshll.u32 s6, $0x1;
	s6 =	sadd.s32 s21, s4  }
0x9e: {  	[timem:s8], [sflag:s22] =	dma.local [hbm:s6], s20  }
0x9f: {  	_ =	swait.ge [sflag:s22], s20  }
0xa0: {  	s5 =	ssub.s32 $0x0, s20;
	[sflag:s22] =	ssyncset.done $0x0  }
0xa1: {  	[sflag:s22] =	ssyncadd.s32 s5;
	_ =	sdelay $0x1  }
0xa2: {  	s23 =	simm.s32 $0x1B8B  }
0xa3: {  	_ =	swait.ge [sflag:s23], $0x1  }
0xa4: {  	[sflag:s23] =	ssyncset.done $0x0  }
0xa5: {  	s25 =	simm.s32 $0x1B8E;
	s24 =	sld [smem:$0x3FFE];
	[sflag:s23] =	ssyncadd.s32 $0xFFFFFFFF  }
0xa6: {  	s26 =	simm.s32 $execute0_lowered;
	[smem:$0x3FD2] =	sst s25  }
0xa7: {  	s6 =	sshll.u32 s26, $0x1;
	_ =	strace $0x80000046;
	[dreg:$0x1] =	wrdreg $0xFFFFFFFF  }
0xa8: {  	s28 =	simm.s32 $_size_execute0_lowered;
	s4 =	sadd.s32 s4, s6;
	[dreg:$0x0] =	wrdreg $0x0  }
0xa9: {  	s6 =	sshll.u32 s28, $0x1;
	[dreg:$0x2] =	wrdreg s4  }
0xaa: {  	[dreg:$0x3] =	wrdreg s6  }
0xab: {  	[dreg:$0x4] =	wrdreg $0xC0  }
0xac: {  	_ =	task [dreg:s8], $0x5FFFF  }
0xad: {  	[dreg:$0x1] =	wrdreg $0xFFFFFFFF  }
0xae: {  	[dreg:$0x0] =	wrdreg $0x60  }
0xaf: {  	[dreg:$0x2] =	wrdreg s2  }
0xb0: {  	[dreg:$0x3] =	wrdreg s18  }
0xb1: {  	[dreg:$0x4] =	wrdreg s24  }
0xb2: {  	[dreg:$0x5] =	wrdreg $0x9  }
0xb3: {  	_ =	task.clear_ibuf [dreg:s8], $0x6FFFF;
	_ =	strace $0x90000046  }
0xb4: {  	s29 =	simm.s32 $0x9;
	_ =	strace $0x80000048  }
0xb5: {  	_ =	swait.ge [sflag:s29], $0x1  }
0xb6: {  	[sflag:s29] =	ssyncadd.s32 $0xFFFFFFFF  }
0xb7: {  	_ =	strace $0x90000048  }
0xb8: {  	_ =	sfence  }
0xb9: {  	s30 =	sld [smem:$0x0];
	_ =	sdelay $0x2  }
0xba: {  	s31 =	sshll.u32 s1, $0xD;
	s1 =	sshrl.u32 s1, $0x2  }
0xbb: {  	s3 =	sand.u32 $0x4000, s31;
	s1 =	sadd.s32 s1, s30  }
0xbc: {  	s0 =	sor.u32 s3, s0;
	s1 =	sshll.u32 s1, $0x11  }
0xbd: {  	s0 =	sor.u32 s1, s0  }
0xbe: {  	s0 =	sadd.s32 $0x8F2B, s0  }
0xbf: {  	[sflag:s0] =	ssyncadd.remote.s32 $0x1  }
0xc0: {  	_ =	sfence.sel $0xFFFF  }
0xc1: {  	[dreg:$0x0] =	wrdreg $0xFFFFFFFF;
	(pc) =	sbr.abs _section_cstart, $3  }
0xc2: {  	[dreg:$0x1] =	wrdreg $0xFFFFFFFF  }
0xc3: {  	_ =	task.clear_ibuf [dreg:s8], $0x2FFFF;
	_ =	strace $0x9FFFFFFF  }
0xc4: {  	(tm) =	ssettm $0x7FFFFFFF  }
0xc5: {  	_ =	shalt  }
tec
execute0_lowered:
.L_overlay_start_1:
0x0: {  	(tag) =	ssettag $0x1  }
0x1: {  	v0 =	vimm.s32 $0xF80;
	vm14 =	vcmask $0x300  }
0x2: {  	vm13 =	vcmask $0x704;
	vm12 =	vcmask $0xB08;
	vm11 =	vcmask $0xF0C  }
0x3: {  	vm10 =	vcmask $0x1310;
	vm9 =	vcmask $0x1714;
	vm8 =	vcmask $0x1B18  }
0x4: {  	vm7 =	vcmask $0x1F1C;
	vm6 =	vcmask $0x2320;
	vm5 =	vcmask $0x2724  }
0x5: {  	vm4 =	vcmask $0x2B28;
	vm2 =	vcmask $0x2F2C;
	vm3 =	vcmask $0x3330  }
0x6: {  	vm1 =	vcmask $0x3734;
	vm0 =	vcmask $0x3B38;
	v1 =	vimm.s32 $0x2780  }
0x7: {  	v2 =	vimm.s32 $0x3F80;
	v3 =	vimm.s32 $0x5780;
	vm15 =	vcmask $0x1F10  }
0x8: {  	v7 =	vimm.s32 $0x47064504;
	v8 =	vimm.s32 $0x5B1A5918;
	v9 =	vimm.s32 $0x5F1E5D1C  }
0x9: {  	v10 =	vimm.s32 $0x53125110;
	v11 =	vimm.s32 $0x57165514;
	v0 =	vsel vm14, $0x0, v0  }
0xa: {  	v1 =	vsel vm14, $0x1800, v1;
	v2 =	vsel vm14, $0x3000, v2;
	v3 =	vsel vm14, $0x4800, v3  }
0xb: {  	v7 =	vunpack.c.0.s8.s32 v7;
	v8 =	vunpack.c.0.s8.s32 v8;
	v9 =	vunpack.c.0.s8.s32 v9  }
0xc: {  	v0 =	vsel vm13, $0x80, v0;
	v1 =	vsel vm13, $0x1880, v1;
	v2 =	vsel vm13, $0x3080, v2  }
0xd: {  	v3 =	vsel vm13, $0x4880, v3;
	v0 =	vsel vm12, $0x100, v0;
	v1 =	vsel vm12, $0x1900, v1  }
0xe: {  	v2 =	vsel vm12, $0x3100, v2;
	v3 =	vsel vm12, $0x4900, v3;
	v0 =	vsel vm11, $0x180, v0  }
0xf: {  	v1 =	vsel vm11, $0x1980, v1;
	v2 =	vsel vm11, $0x3180, v2;
	v3 =	vsel vm11, $0x4980, v3  }
0x10: {  	v0 =	vsel vm10, $0x200, v0;
	v1 =	vsel vm10, $0x1A00, v1;
	v2 =	vsel vm10, $0x3200, v2  }
0x11: {  	v3 =	vsel vm10, $0x4A00, v3;
	v0 =	vsel vm9, $0x280, v0;
	v1 =	vsel vm9, $0x1A80, v1  }
0x12: {  	v2 =	vsel vm9, $0x3280, v2;
	v3 =	vsel vm9, $0x4A80, v3;
	v0 =	vsel vm8, $0x300, v0  }
0x13: {  	v1 =	vsel vm8, $0x1B00, v1;
	v2 =	vsel vm8, $0x3300, v2;
	v3 =	vsel vm8, $0x4B00, v3  }
0x14: {  	v0 =	vsel vm7, $0x380, v0;
	v1 =	vsel vm7, $0x1B80, v1;
	v2 =	vsel vm7, $0x3380, v2  }
0x15: {  	v3 =	vsel vm7, $0x4B80, v3;
	v0 =	vsel vm6, $0xC00, v0;
	v1 =	vsel vm6, $0x2400, v1  }
0x16: {  	v2 =	vsel vm6, $0x3C00, v2;
	v3 =	vsel vm6, $0x5400, v3;
	v0 =	vsel vm5, $0xC80, v0  }
0x17: {  	v1 =	vsel vm5, $0x2480, v1;
	v2 =	vsel vm5, $0x3C80, v2;
	v3 =	vsel vm5, $0x5480, v3  }
0x18: {  	v0 =	vsel vm4, $0xD00, v0;
	v1 =	vsel vm4, $0x2500, v1;
	v2 =	vsel vm4, $0x3D00, v2  }
0x19: {  	v3 =	vsel vm4, $0x5500, v3;
	v0 =	vsel vm2, $0xD80, v0;
	v1 =	vsel vm2, $0x2580, v1  }
0x1a: {  	v2 =	vsel vm2, $0x3D80, v2;
	v0 =	vsel vm3, $0xE00, v0;
	v1 =	vsel vm3, $0x2600, v1  }
0x1b: {  	s0 =	rddreg [dreg:$0x0];
	v2 =	vsel vm3, $0x3E00, v2;
	v0 =	vsel vm1, $0xE80, v0;
	v4 =	vsel vm1, $0x2680, v1  }
0x1c: {  	s13 =	rddreg [dreg:$0x1];
	v5 =	vsel vm1, $0x3E80, v2;
	v1 =	vsel vm2, $0x5580, v3;
	v2 =	vimm.s32 $0x4F0E4D0C  }
0x1d: {  	s1 =	rddreg [dreg:$0x2];
	s3 =	simm.s32 $0x0;
	v3 =	vimm.s32 $0x43024100;
	v6 =	vsel vm3, $0x5600, v1;
	v1 =	vimm.s32 $0x4B0A4908  }
0x1e: {  	s2 =	srdreg.scid;
	s4 =	stileid.u32;
	s18 =	simm.s32 $0xC00;
	v2 =	vunpack.c.0.s8.s32 v2;
	v3 =	vunpack.c.0.s8.s32 v3;
	v1 =	vunpack.c.0.s8.s32 v1  }
0x1f: {  	s20 =	simm.s32 $0xC000;
	s28 =	simm.s32 $0x3;
	s29 =	simm.s32 $0x4;
	v10 =	vunpack.c.0.s8.s32 v10;
	v11 =	vunpack.c.0.s8.s32 v11;
	v0 =	vsel vm0, $0xF00, v0  }
0x20: {  	s30 =	simm.s32 $0x0;
	[smem:$0x7FF] =	sst s3;
	s2 =	sand.u32 $0x1, s2;
	v1 =	vsel vm15, v2, v1;
	v2 =	vsel vm15, v7, v3;
	v3 =	vimm.s32 $0x6B2A6928  }
0x21: {  	s6 =	sadd.s32 $0x800, s1;
	s1 =	sadd.s32 $0x7A1800, s1;
	s25 =	sadd.s32 $0x180, s13;
	v7 =	vsel vm15, v9, v8;
	v8 =	vsel vm15, v11, v10;
	v9 =	vimm.s32 $0x6F2E6D2C  }
0x22: {  	s4 =	sshll.u32 s4, $0x1;
	s26 =	sadd.s32 $0x200, s13;
	s31 =	sadd.s32 $0x280, s13;
	v10 =	vimm.s32 $0x63226120;
	v11 =	vimm.s32 $0x67266524;
	v3 =	vunpack.c.0.s8.s32 v3  }
0x23: {  	s16 =	sadd.s32 $0x300, s13;
	_ =	strace $0x80000047;
	[dreg:$0x4] =	wrdreg s1;
	v9 =	vunpack.c.0.s8.s32 v9;
	v10 =	vunpack.c.0.s8.s32 v10;
	v11 =	vunpack.c.0.s8.s32 v11  }
0x24: {  	s17 =	sadd.s32 $0x380, s13;
	s21 =	sadd.s32 $0x80, s13;
	[dreg:$0x5] =	wrdreg s25;
	v1 =	vcombine.low v2, v1;
	v2 =	vcombine.low v8, v7;
	v7 =	vimm.s32 $0x7B3A7938  }
0x25: {  	s22 =	sadd.s32 $0x100, s13;
	[dreg:$0x6] =	wrdreg s26;
	s25 =	simm.s32 $0x6000;
	v7 =	vunpack.c.0.s8.s32 v7;
	v8 =	vsel vm15, v9, v3;
	v9 =	vsel vm15, v11, v10  }
0x26: {  	s5 =	sor.u32 s2, s4;
	s2 =	ssub.s32 $0x2, s2;
	[dreg:$0x7] =	wrdreg s31;
	v3 =	vimm.s32 $0x7F3E7D3C;
	v10 =	vimm.s32 $0x73327130;
	v11 =	vimm.s32 $0x77367534  }
.Ltmp0:
0x27: {  	s26 =	simm.s32 $0x12000;
	s4 =	ssub.s32 $0xA4B, s5;
	v12 =	vunpack.c.0.s8.s32 v3;
	v10 =	vunpack.c.0.s8.s32 v10;
	v11 =	vunpack.c.0.s8.s32 v11;
	(pc) =	sbr.rel .LBB2_1-.Ltmp0, $4  }
0x28: {  	s23 =	smul.u32 $0x180, s5;
	s9 =	sshrl.u32 s2, $0x1;
	p0 =	sne.s32 s5, $0x1F;
	v3 =	vsel vm0, $0x2700, v4;
	v4 =	vsel vm0, $0x3F00, v5;
	v5 =	vsel vm1, $0x5680, v6  }
0x29: {  	s7 =	sshrl.u32 s4, $0x5;
	s24 =	ssub.s32 s2, s9;
	s4 =	simm.s32 $0x5;
	v6 =	vlaneseq.u32;
	v5 =	vsel vm0, $0x5700, v5;
	v12 =	vsel vm15, v12, v7  }
0x2a: {  	s8 =	sadd.s32 $0xFFFFFFFE, s7;
	s10 =	sadd.s32 s0, s23;
	s11 =	sadd.s32 $0xFFFFFFFF, s7;
	v10 =	vsel vm15, v11, v10;
	v7 =	vcombine.low v9, v8;
	v9 =	vor.u32 $0x10, v6  }
0x2b: {  	s12 =	smax.u32 s24, $0x1;
	s23 =	simm.s32 $0x1;
	s24 =	simm.s32 $0x2;
	v11 =	vor.u32 $0x30, v6;
	v8 =	vcombine.low v10, v12;
	v10 =	vor.u32 $0x20, v6  }
.LBB2_19:
0x2c: {  	s30 =	sadd.s32 $0x1, s30  }
0x2d: {  	p1 =	sne.s32 s30, s12  }
.Ltmp1:
0x2e: {  	_ = 	snop;
	(pc) =	sbr.rel @!p1 .LBB2_20-.Ltmp1, $1  }
0x2f: {  	_ =	sdelay $0x3  }
.LBB2_1:
.Ltmp2:
0x30: {  	(pc) =	sbr.rel .LBB2_2-.Ltmp2, $3  }
0x31: {  	_ =	sdelay $0x1  }
0x32: {  	s1 =	simm.s32 $0x7A1400;
	s31 =	simm.s32 $0x0  }
0x33: {  	[tilespmem:s3], [sflag:$0x1] =	stream.strided.gather [hbm4b:s10+s18], $0x6000, s1, s18, $0x38;
	[tilespmem:$0x18000] =	vst v63  }
.LBB2_12:
0x34: {  	s31 =	sadd.s32 $0x1, s31  }
0x35: {  	p1 =	sne.s32 s31, $0x29  }
.Ltmp3:
0x36: {  	_ = 	snop;
	(pc) =	sbr.rel @!p1 .LBB2_13-.Ltmp3, $1  }
0x37: {  	_ =	sdelay $0x3  }
.LBB2_2:
0x38: {  	s2 =	sshll.u32 s31, $0x1;
	s1 =	sshll.u32 s31, $0x6  }
0x39: {  	s1 =	sor.u32 s5, s1;
	p1 =	sge.u32 s2, s11  }
0x3a: {  	s9 =	smul.u32 @!p1 $0xC00, s1;
	_ =	sdelay $0x1  }
0x3b: {  	s9 =	sshrl.u32 @!p1 s9, $0x3  }
0x3c: {  	s13 =	simm.s32 @!p1 $0xC00;
	s9 =	sadd.s32 @!p1 s0, s9  }
0x3d: {  	s14 =	simm.s32 @!p1 $0x7A1400;
	s19 =	simm.s32 @!p1 $0x6000;
	s9 =	sadd.s32 @!p1 $0x3000, s9  }
0x3e: {  	[tilespmem:s19], [sflag:$0x2] =	stream.strided.gather @!p1 [hbm4b:s9+s13], $0x6000, s14, s13, $0x38;
	[tilespmem:$0x18000] =	vst v63  }
0x3f: {  	_ =	swait.ge [sflag:s23], $0x6000  }
0x40: {  	p1 =	seq.s32 s31, $0x0;
	[sflag:s23] =	ssyncset.done $0x0  }
0x41: {  	s9 =	simm.s32 @!p1 $0x3;
	[sflag:s23] =	ssyncadd.s32 $0xFFFFA000  }
0x42: {  	_ =	swait.ge @!p1 [sflag:s9], $0x6000  }
0x43: {  	[sflag:s9] =	ssyncset.done @!p1 $0x0  }
0x44: {  	s19 =	simm.s32 $0x0;
	[sflag:s9] =	ssyncadd.s32 @!p1 $0xFFFFA000;
	s9 =	simm.s32 $0x0  }
.LBB2_3:
0x45: {  	s13 =	sshll.u32 s9, $0x4  }
0x46: {  	v12 =	vadd.s32 s19, v6;
	v14 =	vmov s13  }
0x47: {  	v12 =	vand.u32 $0xF, v12;
	v13 =	vshll.u32 v14, $0x3  }
0x48: {  	v12 =	vor.u32 v14, v12;
	v15 =	vand.u32 $0xC00, v13  }
0x49: {  	v17 =	vand.u32 $0x7F, v12;
	v16 =	vadd.s32 v0, v15  }
0x4a: {  	v13 =	vor.u32 v16, v17;
	_ =	sdelay $0x2  }
0x4b: {  	v12 =	vshll.u32 v12, $0x6  }
0x4c: {  	v18 =	vand.u32 $0x7F80, v12  }
0x4d: {  	v12 =	vadd.s32 v3, v15;
	v19 =	vor.u32 v1, v18;
	v13 =	vld.idx.msk [tilespmem:v13+s3+$0x0], $0xffff  }
0x4e: {  	v20 =	vor.u32 v12, v17;
	_ =	sdelay $0x3  }
0x4f: {  	[tilespmem:v19+s20+$0x0] =	vst.idx.msk $0xffff, v13  }
0x50: {  	v13 =	vadd.s32 v4, v15;
	v19 =	vld.idx.msk [tilespmem:v20+s3+$0x0], $0xffff;
	v20 =	vor.u32 v2, v18  }
0x51: {  	v21 =	vor.u32 v13, v17;
	_ =	sdelay $0x3  }
0x52: {  	[tilespmem:v20+s20+$0x0] =	vst.idx.msk $0xffff, v19  }
0x53: {  	v15 =	vadd.s32 v5, v15;
	v20 =	vor.u32 v7, v18;
	v19 =	vld.idx.msk [tilespmem:v21+s3+$0x0], $0xffff  }
0x54: {  	v17 =	vor.u32 v15, v17  }
0x55: {  	s15 =	simm.s32 $0x1  }
0x56: {  	v21 =	vadd.s32 s15, v6  }
0x57: {  	v22 =	vand.u32 $0xF, v21  }
0x58: {  	[tilespmem:v20+s20+$0x0] =	vst.idx.msk $0xffff, v19;
	v19 =	vor.u32 v14, v22  }
0x59: {  	v18 =	vor.u32 v8, v18;
	v17 =	vld.idx.msk [tilespmem:v17+s3+$0x0], $0xffff;
	v20 =	vand.u32 $0x7F, v19  }
0x5a: {  	v22 =	vor.u32 v16, v20;
	_ =	sdelay $0x1  }
0x5b: {  	v21 =	vshll.u32 v21, $0x6;
	v19 =	vshll.u32 v19, $0x6  }
0x5c: {  	v21 =	vand.u32 $0x40, v21;
	v19 =	vand.u32 $0x7F80, v19  }
0x5d: {  	[tilespmem:v18+s20+$0x0] =	vst.idx.msk $0xffff, v17;
	v17 =	vor.u32 v21, v19  }
0x5e: {  	v18 =	vld.idx.msk [tilespmem:v22+s3+$0x0], $0xffff;
	v19 =	vor.u32 v6, v17  }
0x5f: {  	v21 =	vor.u32 v12, v20;
	_ =	sdelay $0x3  }
0x60: {  	[tilespmem:v19+s20+$0x0] =	vst.idx.msk $0xffff, v18  }
0x61: {  	v19 =	vor.u32 v9, v17;
	v18 =	vld.idx.msk [tilespmem:v21+s3+$0x0], $0xffff  }
0x62: {  	v21 =	vor.u32 v13, v20;
	_ =	sdelay $0x3  }
0x63: {  	[tilespmem:v19+s20+$0x0] =	vst.idx.msk $0xffff, v18  }
0x64: {  	v19 =	vor.u32 v10, v17;
	v18 =	vld.idx.msk [tilespmem:v21+s3+$0x0], $0xffff  }
0x65: {  	v20 =	vor.u32 v15, v20  }
0x66: {  	s14 =	simm.s32 $0x2  }
0x67: {  	v21 =	vadd.s32 s14, v6  }
0x68: {  	v21 =	vand.u32 $0xF, v21  }
0x69: {  	[tilespmem:v19+s20+$0x0] =	vst.idx.msk $0xffff, v18;
	v18 =	vor.u32 v14, v21  }
0x6a: {  	v17 =	vor.u32 v11, v17;
	v19 =	vld.idx.msk [tilespmem:v20+s3+$0x0], $0xffff;
	v20 =	vand.u32 $0x7F, v18  }
0x6b: {  	v21 =	vor.u32 v16, v20;
	_ =	sdelay $0x2  }
0x6c: {  	v18 =	vshll.u32 v18, $0x6  }
0x6d: {  	[tilespmem:v17+s20+$0x0] =	vst.idx.msk $0xffff, v19;
	v17 =	vand.u32 $0x7F80, v18  }
0x6e: {  	v18 =	vld.idx.msk [tilespmem:v21+s3+$0x0], $0xffff;
	v19 =	vor.u32 v1, v17  }
0x6f: {  	v21 =	vor.u32 v12, v20;
	_ =	sdelay $0x3  }
0x70: {  	[tilespmem:v19+s20+$0x0] =	vst.idx.msk $0xffff, v18  }
0x71: {  	v19 =	vor.u32 v2, v17;
	v18 =	vld.idx.msk [tilespmem:v21+s3+$0x0], $0xffff  }
0x72: {  	v21 =	vor.u32 v13, v20;
	_ =	sdelay $0x3  }
0x73: {  	[tilespmem:v19+s20+$0x0] =	vst.idx.msk $0xffff, v18  }
0x74: {  	v19 =	vor.u32 v7, v17;
	v18 =	vld.idx.msk [tilespmem:v21+s3+$0x0], $0xffff  }
0x75: {  	v20 =	vor.u32 v15, v20  }
0x76: {  	s15 =	simm.s32 $0x3  }
0x77: {  	v21 =	vadd.s32 s15, v6  }
0x78: {  	v22 =	vand.u32 $0xF, v21  }
0x79: {  	[tilespmem:v19+s20+$0x0] =	vst.idx.msk $0xffff, v18;
	v18 =	vor.u32 v14, v22  }
0x7a: {  	v17 =	vor.u32 v8, v17;
	v19 =	vld.idx.msk [tilespmem:v20+s3+$0x0], $0xffff;
	v22 =	vand.u32 $0x7F, v18  }
0x7b: {  	v20 =	vor.u32 v16, v22;
	_ =	sdelay $0x1  }
0x7c: {  	v21 =	vshll.u32 v21, $0x6;
	v18 =	vshll.u32 v18, $0x6  }
0x7d: {  	v21 =	vand.u32 $0x40, v21;
	v18 =	vand.u32 $0x7F80, v18  }
0x7e: {  	[tilespmem:v17+s20+$0x0] =	vst.idx.msk $0xffff, v19;
	v17 =	vor.u32 v21, v18  }
0x7f: {  	v18 =	vld.idx.msk [tilespmem:v20+s3+$0x0], $0xffff;
	v19 =	vor.u32 v6, v17  }
0x80: {  	v20 =	vor.u32 v12, v22;
	_ =	sdelay $0x3  }
0x81: {  	[tilespmem:v19+s20+$0x0] =	vst.idx.msk $0xffff, v18  }
0x82: {  	v19 =	vor.u32 v9, v17;
	v18 =	vld.idx.msk [tilespmem:v20+s3+$0x0], $0xffff  }
0x83: {  	v20 =	vor.u32 v13, v22;
	_ =	sdelay $0x3  }
0x84: {  	[tilespmem:v19+s20+$0x0] =	vst.idx.msk $0xffff, v18  }
0x85: {  	v18 =	vld.idx.msk [tilespmem:v20+s3+$0x0], $0xffff;
	v20 =	vor.u32 v10, v17  }
0x86: {  	v19 =	vor.u32 v15, v22;
	_ =	sdelay $0x1  }
0x87: {  	s13 =	simm.s32 $0x4  }
0x88: {  	s14 =	simm.s32 $0x8;
	v21 =	vadd.s32 s13, v6  }
.LBB2_4:
0x89: {  	p2 =	slt.u32 s14, $0xC;
	v21 =	vand.u32 $0xF, v21;
	[tilespmem:v20+s20+$0x0] =	vst.idx.msk $0xffff, v18  }
0x8a: {  	v18 =	vor.u32 v14, v21;
	v19 =	vld.idx.msk [tilespmem:v19+s3+$0x0], $0xffff  }
0x8b: {  	v17 =	vor.u32 v11, v17;
	v20 =	vand.u32 $0x7F, v18  }
0x8c: {  	v21 =	vor.u32 v16, v20;
	_ =	sdelay $0x3  }
0x8d: {  	v18 =	vshll.u32 v18, $0x6;
	[tilespmem:v17+s20+$0x0] =	vst.idx.msk $0xffff, v19  }
0x8e: {  	v18 =	vand.u32 $0x7F80, v18;
	v17 =	vld.idx.msk [tilespmem:v21+s3+$0x0], $0xffff  }
0x8f: {  	v19 =	vor.u32 v1, v18  }
0x90: {  	v21 =	vor.u32 v12, v20;
	_ =	sdelay $0x3  }
0x91: {  	[tilespmem:v19+s20+$0x0] =	vst.idx.msk $0xffff, v17  }
0x92: {  	v17 =	vld.idx.msk [tilespmem:v21+s3+$0x0], $0xffff  }
0x93: {  	v19 =	vor.u32 v2, v18  }
0x94: {  	v21 =	vor.u32 v13, v20;
	_ =	sdelay $0x3  }
0x95: {  	[tilespmem:v19+s20+$0x0] =	vst.idx.msk $0xffff, v17  }
0x96: {  	v17 =	vld.idx.msk [tilespmem:v21+s3+$0x0], $0xffff  }
0x97: {  	v19 =	vor.u32 v7, v18  }
0x98: {  	v20 =	vor.u32 v15, v20;
	_ =	sdelay $0x1  }
0x99: {  	s15 =	sadd.s32 $0x1, s13  }
0x9a: {  	v21 =	vadd.s32 s15, v6  }
0x9b: {  	[tilespmem:v19+s20+$0x0] =	vst.idx.msk $0xffff, v17;
	v17 =	vand.u32 $0xF, v21  }
0x9c: {  	v19 =	vld.idx.msk [tilespmem:v20+s3+$0x0], $0xffff;
	v17 =	vor.u32 v14, v17  }
0x9d: {  	v18 =	vor.u32 v8, v18;
	v20 =	vand.u32 $0x7F, v17  }
0x9e: {  	v22 =	vor.u32 v16, v20;
	_ =	sdelay $0x2  }
0x9f: {  	v21 =	vshll.u32 v21, $0x6;
	v17 =	vshll.u32 v17, $0x6  }
0xa0: {  	v17 =	vand.u32 $0x7F80, v17;
	[tilespmem:v18+s20+$0x0] =	vst.idx.msk $0xffff, v19;
	v18 =	vand.u32 $0x40, v21  }
0xa1: {  	v19 =	vld.idx.msk [tilespmem:v22+s3+$0x0], $0xffff;
	v17 =	vor.u32 v18, v17  }
0xa2: {  	v18 =	vor.u32 v6, v17  }
0xa3: {  	v21 =	vor.u32 v12, v20;
	_ =	sdelay $0x3  }
0xa4: {  	[tilespmem:v18+s20+$0x0] =	vst.idx.msk $0xffff, v19  }
0xa5: {  	v18 =	vld.idx.msk [tilespmem:v21+s3+$0x0], $0xffff  }
0xa6: {  	v19 =	vor.u32 v9, v17  }
0xa7: {  	v21 =	vor.u32 v13, v20;
	_ =	sdelay $0x3  }
0xa8: {  	[tilespmem:v19+s20+$0x0] =	vst.idx.msk $0xffff, v18  }
0xa9: {  	v18 =	vld.idx.msk [tilespmem:v21+s3+$0x0], $0xffff  }
0xaa: {  	v19 =	vor.u32 v10, v17  }
0xab: {  	v20 =	vor.u32 v15, v20;
	_ =	sdelay $0x1  }
0xac: {  	s15 =	sadd.s32 $0x2, s13  }
0xad: {  	v21 =	vadd.s32 s15, v6  }
0xae: {  	[tilespmem:v19+s20+$0x0] =	vst.idx.msk $0xffff, v18;
	v18 =	vand.u32 $0xF, v21  }
0xaf: {  	v19 =	vld.idx.msk [tilespmem:v20+s3+$0x0], $0xffff;
	v18 =	vor.u32 v14, v18  }
0xb0: {  	v17 =	vor.u32 v11, v17;
	v20 =	vand.u32 $0x7F, v18  }
0xb1: {  	v21 =	vor.u32 v16, v20;
	_ =	sdelay $0x3  }
0xb2: {  	[tilespmem:v17+s20+$0x0] =	vst.idx.msk $0xffff, v19;
	v17 =	vshll.u32 v18, $0x6  }
0xb3: {  	v18 =	vld.idx.msk [tilespmem:v21+s3+$0x0], $0xffff;
	v17 =	vand.u32 $0x7F80, v17  }
0xb4: {  	v19 =	vor.u32 v1, v17  }
0xb5: {  	v21 =	vor.u32 v12, v20;
	_ =	sdelay $0x3  }
0xb6: {  	[tilespmem:v19+s20+$0x0] =	vst.idx.msk $0xffff, v18  }
0xb7: {  	v18 =	vld.idx.msk [tilespmem:v21+s3+$0x0], $0xffff  }
0xb8: {  	v19 =	vor.u32 v2, v17  }
0xb9: {  	v21 =	vor.u32 v13, v20;
	_ =	sdelay $0x3  }
0xba: {  	[tilespmem:v19+s20+$0x0] =	vst.idx.msk $0xffff, v18  }
0xbb: {  	v18 =	vld.idx.msk [tilespmem:v21+s3+$0x0], $0xffff  }
0xbc: {  	v19 =	vor.u32 v7, v17  }
0xbd: {  	v20 =	vor.u32 v15, v20;
	_ =	sdelay $0x1  }
0xbe: {  	s15 =	sadd.s32 $0x3, s13;
	s13 =	smov.u32 s14  }
0xbf: {  	v21 =	vadd.s32 s15, v6  }
0xc0: {  	[tilespmem:v19+s20+$0x0] =	vst.idx.msk $0xffff, v18;
	v18 =	vand.u32 $0xF, v21  }
0xc1: {  	v19 =	vld.idx.msk [tilespmem:v20+s3+$0x0], $0xffff;
	v18 =	vor.u32 v14, v18  }
0xc2: {  	v17 =	vor.u32 v8, v17;
	v22 =	vand.u32 $0x7F, v18  }
0xc3: {  	v20 =	vor.u32 v16, v22;
	_ =	sdelay $0x2  }
0xc4: {  	v21 =	vshll.u32 v21, $0x6;
	v18 =	vshll.u32 v18, $0x6  }
0xc5: {  	v18 =	vand.u32 $0x7F80, v18;
	[tilespmem:v17+s20+$0x0] =	vst.idx.msk $0xffff, v19;
	v17 =	vand.u32 $0x40, v21  }
0xc6: {  	v19 =	vld.idx.msk [tilespmem:v20+s3+$0x0], $0xffff;
	v17 =	vor.u32 v17, v18  }
0xc7: {  	v18 =	vor.u32 v6, v17  }
0xc8: {  	v20 =	vor.u32 v12, v22;
	_ =	sdelay $0x3  }
0xc9: {  	[tilespmem:v18+s20+$0x0] =	vst.idx.msk $0xffff, v19  }
0xca: {  	v18 =	vld.idx.msk [tilespmem:v20+s3+$0x0], $0xffff  }
0xcb: {  	v19 =	vor.u32 v9, v17  }
0xcc: {  	v20 =	vor.u32 v13, v22;
	_ =	sdelay $0x3  }
0xcd: {  	[tilespmem:v19+s20+$0x0] =	vst.idx.msk $0xffff, v18  }
0xce: {  	v18 =	vld.idx.msk [tilespmem:v20+s3+$0x0], $0xffff  }
.Ltmp4:
0xcf: {  	v20 =	vor.u32 v10, v17;
	(pc) =	sbr.rel @p2 .LBB2_4-.Ltmp4, $2  }
0xd0: {  	v19 =	vor.u32 v15, v22;
	_ =	sdelay $0x2  }
0xd1: {  	s14 =	sadd.s32 $0x4, s14;
	v21 =	vadd.s32 s13, v6  }
0xd2: {  	_ =	sdelay $0x2  }
0xd3: {  	v21 =	vand.u32 $0xF, v21  }
0xd4: {  	[tilespmem:v20+s20+$0x0] =	vst.idx.msk $0xffff, v18;
	v59 =	vor.u32 v14, v21  }
0xd5: {  	v17 =	vor.u32 v11, v17;
	v19 =	vld.idx.msk [tilespmem:v19+s3+$0x0], $0xffff;
	v60 =	vand.u32 $0x7F, v59  }
0xd6: {  	v61 =	vor.u32 v16, v60;
	_ =	sdelay $0x2  }
0xd7: {  	v18 =	vshll.u32 v59, $0x6  }
0xd8: {  	v62 =	vand.u32 $0x7F80, v18;
	[tilespmem:v17+s20+$0x0] =	vst.idx.msk $0xffff, v19  }
0xd9: {  	v24 =	vor.u32 v1, v62;
	v63 =	vld.idx.msk [tilespmem:v61+s3+$0x0], $0xffff  }
0xda: {  	v25 =	vor.u32 v12, v60;
	_ =	sdelay $0x3  }
0xdb: {  	[tilespmem:v24+s20+$0x0] =	vst.idx.msk $0xffff, v63  }
0xdc: {  	v26 =	vor.u32 v2, v62;
	v18 =	vld.idx.msk [tilespmem:v25+s3+$0x0], $0xffff  }
0xdd: {  	v27 =	vor.u32 v13, v60;
	_ =	sdelay $0x3  }
0xde: {  	[tilespmem:v26+s20+$0x0] =	vst.idx.msk $0xffff, v18  }
0xdf: {  	v28 =	vor.u32 v7, v62;
	v18 =	vld.idx.msk [tilespmem:v27+s3+$0x0], $0xffff  }
0xe0: {  	v20 =	vor.u32 v15, v60  }
0xe1: {  	s14 =	sadd.s32 $0x1, s13  }
0xe2: {  	v29 =	vadd.s32 s14, v6  }
0xe3: {  	v22 =	vand.u32 $0xF, v29  }
0xe4: {  	v30 =	vor.u32 v14, v22;
	[tilespmem:v28+s20+$0x0] =	vst.idx.msk $0xffff, v18  }
0xe5: {  	v31 =	vand.u32 $0x7F, v30;
	v17 =	vor.u32 v8, v62;
	v19 =	vld.idx.msk [tilespmem:v20+s3+$0x0], $0xffff  }
0xe6: {  	v32 =	vor.u32 v16, v31;
	_ =	sdelay $0x1  }
0xe7: {  	v21 =	vshll.u32 v29, $0x6;
	v18 =	vshll.u32 v30, $0x6  }
0xe8: {  	v21 =	vand.u32 $0x40, v21;
	v18 =	vand.u32 $0x7F80, v18  }
0xe9: {  	v33 =	vor.u32 v21, v18;
	[tilespmem:v17+s20+$0x0] =	vst.idx.msk $0xffff, v19  }
0xea: {  	v35 =	vor.u32 v6, v33;
	v34 =	vld.idx.msk [tilespmem:v32+s3+$0x0], $0xffff  }
0xeb: {  	v36 =	vor.u32 v12, v31;
	_ =	sdelay $0x3  }
0xec: {  	[tilespmem:v35+s20+$0x0] =	vst.idx.msk $0xffff, v34  }
0xed: {  	v37 =	vor.u32 v9, v33;
	v18 =	vld.idx.msk [tilespmem:v36+s3+$0x0], $0xffff  }
0xee: {  	v38 =	vor.u32 v13, v31;
	_ =	sdelay $0x3  }
0xef: {  	[tilespmem:v37+s20+$0x0] =	vst.idx.msk $0xffff, v18  }
0xf0: {  	v39 =	vor.u32 v10, v33;
	v18 =	vld.idx.msk [tilespmem:v38+s3+$0x0], $0xffff  }
0xf1: {  	v20 =	vor.u32 v15, v31  }
0xf2: {  	s15 =	sadd.s32 $0x2, s13  }
0xf3: {  	v40 =	vadd.s32 s15, v6  }
0xf4: {  	v21 =	vand.u32 $0xF, v40  }
0xf5: {  	v41 =	vor.u32 v14, v21;
	[tilespmem:v39+s20+$0x0] =	vst.idx.msk $0xffff, v18  }
0xf6: {  	v42 =	vand.u32 $0x7F, v41;
	v17 =	vor.u32 v11, v33;
	v19 =	vld.idx.msk [tilespmem:v20+s3+$0x0], $0xffff  }
0xf7: {  	v43 =	vor.u32 v16, v42;
	_ =	sdelay $0x2  }
0xf8: {  	v18 =	vshll.u32 v41, $0x6  }
0xf9: {  	v44 =	vand.u32 $0x7F80, v18;
	[tilespmem:v17+s20+$0x0] =	vst.idx.msk $0xffff, v19  }
0xfa: {  	v46 =	vor.u32 v1, v44;
	v45 =	vld.idx.msk [tilespmem:v43+s3+$0x0], $0xffff  }
0xfb: {  	v47 =	vor.u32 v12, v42;
	_ =	sdelay $0x3  }
0xfc: {  	[tilespmem:v46+s20+$0x0] =	vst.idx.msk $0xffff, v45  }
0xfd: {  	v48 =	vor.u32 v2, v44;
	v18 =	vld.idx.msk [tilespmem:v47+s3+$0x0], $0xffff  }
0xfe: {  	v49 =	vor.u32 v13, v42;
	_ =	sdelay $0x3  }
0xff: {  	[tilespmem:v48+s20+$0x0] =	vst.idx.msk $0xffff, v18  }
0x100: {  	v50 =	vor.u32 v7, v44;
	v18 =	vld.idx.msk [tilespmem:v49+s3+$0x0], $0xffff  }
0x101: {  	v20 =	vor.u32 v15, v42  }
0x102: {  	s15 =	sadd.s32 $0x3, s13  }
0x103: {  	v51 =	vadd.s32 s15, v6  }
0x104: {  	v52 =	vand.u32 $0xF, v51  }
0x105: {  	v53 =	vor.u32 v14, v52;
	[tilespmem:v50+s20+$0x0] =	vst.idx.msk $0xffff, v18  }
0x106: {  	v54 =	vand.u32 $0x7F, v53;
	v17 =	vor.u32 v8, v44;
	v18 =	vld.idx.msk [tilespmem:v20+s3+$0x0], $0xffff  }
0x107: {  	v55 =	vor.u32 v16, v54;
	_ =	sdelay $0x1  }
0x108: {  	v56 =	vshll.u32 v51, $0x6;
	v14 =	vshll.u32 v53, $0x6  }
0x109: {  	v14 =	vand.u32 $0x7F80, v14;
	v20 =	vand.u32 $0x40, v56  }
0x10a: {  	v14 =	vor.u32 v20, v14;
	[tilespmem:v17+s20+$0x0] =	vst.idx.msk $0xffff, v18  }
0x10b: {  	v57 =	vor.u32 v6, v14;
	v16 =	vld.idx.msk [tilespmem:v55+s3+$0x0], $0xffff  }
0x10c: {  	v58 =	vor.u32 v12, v54;
	_ =	sdelay $0x3  }
0x10d: {  	[tilespmem:v57+s20+$0x0] =	vst.idx.msk $0xffff, v16  }
0x10e: {  	v59 =	vor.u32 v9, v14;
	v12 =	vld.idx.msk [tilespmem:v58+s3+$0x0], $0xffff  }
0x10f: {  	v60 =	vor.u32 v13, v54;
	_ =	sdelay $0x3  }
0x110: {  	[tilespmem:v59+s20+$0x0] =	vst.idx.msk $0xffff, v12  }
0x111: {  	v61 =	vor.u32 v10, v14;
	v12 =	vld.idx.msk [tilespmem:v60+s3+$0x0], $0xffff  }
0x112: {  	v62 =	vor.u32 v15, v54;
	_ =	sdelay $0x3  }
0x113: {  	s9 =	sadd.s32 $0x1, s9;
	[tilespmem:v61+s20+$0x0] =	vst.idx.msk $0xffff, v12  }
0x114: {  	p2 =	sne.s32 s9, $0x18;
	v63 =	vor.u32 v11, v14;
	v12 =	vld.idx.msk [tilespmem:v62+s3+$0x0], $0xffff  }
.Ltmp5:
0x115: {  	_ = 	snop;
	(pc) =	sbr.rel @p2 .LBB2_3-.Ltmp5, $2  }
0x116: {  	_ =	sdelay $0x2  }
0x117: {  	[tilespmem:v63+s20+$0x0] =	vst.idx.msk $0xffff, v12  }
0x118: {  	s1 =	smul.u32 $0xC00, s1;
	_ =	sdelay $0x1  }
0x119: {  	s1 =	sadd.s32 s6, s1  }
0x11a: {  	[hbm4b:s1+s3] =	stream.linear.scatter [tilespmem:s20], [sflag:$0x3], $0x6000, $0x38;
	[tilespmem:$0x18000] =	vst v63  }
0x11b: {  	s1 =	sor.u32 $0x1, s2  }
0x11c: {  	p2 =	sge.u32 s1, s7  }
.Ltmp6:
0x11d: {  	_ = 	snop;
	(pc) =	sbr.rel @p2 .LBB2_12-.Ltmp6, $1  }
0x11e: {  	_ =	sdelay $0x3  }
0x11f: {  	s1 =	sshll.u32 s1, $0x5  }
0x120: {  	p2 =	sge.u32 s2, s8;
	s1 =	sor.u32 s5, s1  }
0x121: {  	s2 =	smul.u32 @!p2 $0xC00, s1;
	_ =	sdelay $0x1  }
0x122: {  	s2 =	sshrl.u32 @!p2 s2, $0x3  }
0x123: {  	s9 =	simm.s32 @!p2 $0xC00;
	s2 =	sadd.s32 @!p2 s0, s2  }
0x124: {  	s13 =	simm.s32 @!p2 $0x7A1400;
	s14 =	simm.s32 @!p2 $0x0;
	s2 =	sadd.s32 @!p2 $0x3000, s2  }
0x125: {  	[tilespmem:s14], [sflag:$0x1] =	stream.strided.gather @!p2 [hbm4b:s2+s9], $0x6000, s13, s9, $0x38;
	[tilespmem:$0x18000] =	vst v63  }
0x126: {  	_ =	swait.ge [sflag:s24], $0x6000  }
0x127: {  	[sflag:s24] =	ssyncset.done $0x0  }
0x128: {  	s2 =	simm.s32 @!p1 $0x4;
	[sflag:s24] =	ssyncadd.s32 $0xFFFFA000  }
0x129: {  	_ =	swait.ge @!p1 [sflag:s2], $0x6000  }
0x12a: {  	[sflag:s2] =	ssyncset.done @!p1 $0x0  }
0x12b: {  	s9 =	simm.s32 $0x0;
	[sflag:s2] =	ssyncadd.s32 @!p1 $0xFFFFA000;
	s2 =	simm.s32 $0x0  }
.LBB2_8:
0x12c: {  	s13 =	sshll.u32 s9, $0x4  }
0x12d: {  	v12 =	vadd.s32 s2, v6;
	v14 =	vmov s13  }
0x12e: {  	v12 =	vand.u32 $0xF, v12;
	v13 =	vshll.u32 v14, $0x3  }
0x12f: {  	v12 =	vor.u32 v14, v12;
	v15 =	vand.u32 $0xC00, v13  }
0x130: {  	v17 =	vand.u32 $0x7F, v12;
	v16 =	vadd.s32 v0, v15  }
0x131: {  	v13 =	vor.u32 v16, v17;
	_ =	sdelay $0x2  }
0x132: {  	v12 =	vshll.u32 v12, $0x6  }
0x133: {  	v18 =	vand.u32 $0x7F80, v12  }
0x134: {  	v12 =	vadd.s32 v3, v15;
	v19 =	vor.u32 v1, v18;
	v13 =	vld.idx.msk [tilespmem:v13+s25+$0x0], $0xffff  }
0x135: {  	v20 =	vor.u32 v12, v17;
	_ =	sdelay $0x3  }
0x136: {  	[tilespmem:v19+s26+$0x0] =	vst.idx.msk $0xffff, v13  }
0x137: {  	v13 =	vadd.s32 v4, v15;
	v19 =	vld.idx.msk [tilespmem:v20+s25+$0x0], $0xffff;
	v20 =	vor.u32 v2, v18  }
0x138: {  	v21 =	vor.u32 v13, v17;
	_ =	sdelay $0x3  }
0x139: {  	[tilespmem:v20+s26+$0x0] =	vst.idx.msk $0xffff, v19  }
0x13a: {  	v15 =	vadd.s32 v5, v15;
	v20 =	vor.u32 v7, v18;
	v19 =	vld.idx.msk [tilespmem:v21+s25+$0x0], $0xffff  }
0x13b: {  	v17 =	vor.u32 v15, v17  }
0x13c: {  	s14 =	simm.s32 $0x1  }
0x13d: {  	v21 =	vadd.s32 s14, v6  }
0x13e: {  	v22 =	vand.u32 $0xF, v21  }
0x13f: {  	[tilespmem:v20+s26+$0x0] =	vst.idx.msk $0xffff, v19;
	v19 =	vor.u32 v14, v22  }
0x140: {  	v18 =	vor.u32 v8, v18;
	v17 =	vld.idx.msk [tilespmem:v17+s25+$0x0], $0xffff;
	v20 =	vand.u32 $0x7F, v19  }
0x141: {  	v22 =	vor.u32 v16, v20;
	_ =	sdelay $0x1  }
0x142: {  	v21 =	vshll.u32 v21, $0x6;
	v19 =	vshll.u32 v19, $0x6  }
0x143: {  	v21 =	vand.u32 $0x40, v21;
	v19 =	vand.u32 $0x7F80, v19  }
0x144: {  	[tilespmem:v18+s26+$0x0] =	vst.idx.msk $0xffff, v17;
	v17 =	vor.u32 v21, v19  }
0x145: {  	v18 =	vld.idx.msk [tilespmem:v22+s25+$0x0], $0xffff;
	v19 =	vor.u32 v6, v17  }
0x146: {  	v21 =	vor.u32 v12, v20;
	_ =	sdelay $0x3  }
0x147: {  	[tilespmem:v19+s26+$0x0] =	vst.idx.msk $0xffff, v18  }
0x148: {  	v19 =	vor.u32 v9, v17;
	v18 =	vld.idx.msk [tilespmem:v21+s25+$0x0], $0xffff  }
0x149: {  	v21 =	vor.u32 v13, v20;
	_ =	sdelay $0x3  }
0x14a: {  	[tilespmem:v19+s26+$0x0] =	vst.idx.msk $0xffff, v18  }
0x14b: {  	v19 =	vor.u32 v10, v17;
	v18 =	vld.idx.msk [tilespmem:v21+s25+$0x0], $0xffff  }
0x14c: {  	v20 =	vor.u32 v15, v20  }
0x14d: {  	s15 =	simm.s32 $0x2  }
0x14e: {  	v21 =	vadd.s32 s15, v6  }
0x14f: {  	v21 =	vand.u32 $0xF, v21  }
0x150: {  	[tilespmem:v19+s26+$0x0] =	vst.idx.msk $0xffff, v18;
	v18 =	vor.u32 v14, v21  }
0x151: {  	v17 =	vor.u32 v11, v17;
	v19 =	vld.idx.msk [tilespmem:v20+s25+$0x0], $0xffff;
	v20 =	vand.u32 $0x7F, v18  }
0x152: {  	v21 =	vor.u32 v16, v20;
	_ =	sdelay $0x2  }
0x153: {  	v18 =	vshll.u32 v18, $0x6  }
0x154: {  	[tilespmem:v17+s26+$0x0] =	vst.idx.msk $0xffff, v19;
	v17 =	vand.u32 $0x7F80, v18  }
0x155: {  	v18 =	vld.idx.msk [tilespmem:v21+s25+$0x0], $0xffff;
	v19 =	vor.u32 v1, v17  }
0x156: {  	v21 =	vor.u32 v12, v20;
	_ =	sdelay $0x3  }
0x157: {  	[tilespmem:v19+s26+$0x0] =	vst.idx.msk $0xffff, v18  }
0x158: {  	v19 =	vor.u32 v2, v17;
	v18 =	vld.idx.msk [tilespmem:v21+s25+$0x0], $0xffff  }
0x159: {  	v21 =	vor.u32 v13, v20;
	_ =	sdelay $0x3  }
0x15a: {  	[tilespmem:v19+s26+$0x0] =	vst.idx.msk $0xffff, v18  }
0x15b: {  	v19 =	vor.u32 v7, v17;
	v18 =	vld.idx.msk [tilespmem:v21+s25+$0x0], $0xffff  }
0x15c: {  	v20 =	vor.u32 v15, v20  }
0x15d: {  	s19 =	simm.s32 $0x3  }
0x15e: {  	v21 =	vadd.s32 s19, v6  }
0x15f: {  	v22 =	vand.u32 $0xF, v21  }
0x160: {  	[tilespmem:v19+s26+$0x0] =	vst.idx.msk $0xffff, v18;
	v18 =	vor.u32 v14, v22  }
0x161: {  	v17 =	vor.u32 v8, v17;
	v19 =	vld.idx.msk [tilespmem:v20+s25+$0x0], $0xffff;
	v22 =	vand.u32 $0x7F, v18  }
0x162: {  	v20 =	vor.u32 v16, v22;
	_ =	sdelay $0x1  }
0x163: {  	v21 =	vshll.u32 v21, $0x6;
	v18 =	vshll.u32 v18, $0x6  }
0x164: {  	v21 =	vand.u32 $0x40, v21;
	v18 =	vand.u32 $0x7F80, v18  }
0x165: {  	[tilespmem:v17+s26+$0x0] =	vst.idx.msk $0xffff, v19;
	v17 =	vor.u32 v21, v18  }
0x166: {  	v18 =	vld.idx.msk [tilespmem:v20+s25+$0x0], $0xffff;
	v19 =	vor.u32 v6, v17  }
0x167: {  	v20 =	vor.u32 v12, v22;
	_ =	sdelay $0x3  }
0x168: {  	[tilespmem:v19+s26+$0x0] =	vst.idx.msk $0xffff, v18  }
0x169: {  	v19 =	vor.u32 v9, v17;
	v18 =	vld.idx.msk [tilespmem:v20+s25+$0x0], $0xffff  }
0x16a: {  	v20 =	vor.u32 v13, v22;
	_ =	sdelay $0x3  }
0x16b: {  	[tilespmem:v19+s26+$0x0] =	vst.idx.msk $0xffff, v18  }
0x16c: {  	v18 =	vld.idx.msk [tilespmem:v20+s25+$0x0], $0xffff;
	v20 =	vor.u32 v10, v17  }
0x16d: {  	v19 =	vor.u32 v15, v22;
	_ =	sdelay $0x1  }
0x16e: {  	s13 =	simm.s32 $0x4  }
0x16f: {  	s14 =	simm.s32 $0x8;
	v21 =	vadd.s32 s13, v6  }
.LBB2_9:
0x170: {  	p1 =	slt.u32 s14, $0xC;
	v21 =	vand.u32 $0xF, v21;
	[tilespmem:v20+s26+$0x0] =	vst.idx.msk $0xffff, v18  }
0x171: {  	v18 =	vor.u32 v14, v21;
	v19 =	vld.idx.msk [tilespmem:v19+s25+$0x0], $0xffff  }
0x172: {  	v17 =	vor.u32 v11, v17;
	v20 =	vand.u32 $0x7F, v18  }
0x173: {  	v21 =	vor.u32 v16, v20;
	_ =	sdelay $0x3  }
0x174: {  	v18 =	vshll.u32 v18, $0x6;
	[tilespmem:v17+s26+$0x0] =	vst.idx.msk $0xffff, v19  }
0x175: {  	v18 =	vand.u32 $0x7F80, v18;
	v17 =	vld.idx.msk [tilespmem:v21+s25+$0x0], $0xffff  }
0x176: {  	v19 =	vor.u32 v1, v18  }
0x177: {  	v21 =	vor.u32 v12, v20;
	_ =	sdelay $0x3  }
0x178: {  	[tilespmem:v19+s26+$0x0] =	vst.idx.msk $0xffff, v17  }
0x179: {  	v17 =	vld.idx.msk [tilespmem:v21+s25+$0x0], $0xffff  }
0x17a: {  	v19 =	vor.u32 v2, v18  }
0x17b: {  	v21 =	vor.u32 v13, v20;
	_ =	sdelay $0x3  }
0x17c: {  	[tilespmem:v19+s26+$0x0] =	vst.idx.msk $0xffff, v17  }
0x17d: {  	v17 =	vld.idx.msk [tilespmem:v21+s25+$0x0], $0xffff  }
0x17e: {  	v19 =	vor.u32 v7, v18  }
0x17f: {  	v20 =	vor.u32 v15, v20;
	_ =	sdelay $0x1  }
0x180: {  	s15 =	sadd.s32 $0x1, s13  }
0x181: {  	v21 =	vadd.s32 s15, v6  }
0x182: {  	[tilespmem:v19+s26+$0x0] =	vst.idx.msk $0xffff, v17;
	v17 =	vand.u32 $0xF, v21  }
0x183: {  	v19 =	vld.idx.msk [tilespmem:v20+s25+$0x0], $0xffff;
	v17 =	vor.u32 v14, v17  }
0x184: {  	v18 =	vor.u32 v8, v18;
	v20 =	vand.u32 $0x7F, v17  }
0x185: {  	v22 =	vor.u32 v16, v20;
	_ =	sdelay $0x2  }
0x186: {  	v21 =	vshll.u32 v21, $0x6;
	v17 =	vshll.u32 v17, $0x6  }
0x187: {  	v17 =	vand.u32 $0x7F80, v17;
	[tilespmem:v18+s26+$0x0] =	vst.idx.msk $0xffff, v19;
	v18 =	vand.u32 $0x40, v21  }
0x188: {  	v19 =	vld.idx.msk [tilespmem:v22+s25+$0x0], $0xffff;
	v17 =	vor.u32 v18, v17  }
0x189: {  	v18 =	vor.u32 v6, v17  }
0x18a: {  	v21 =	vor.u32 v12, v20;
	_ =	sdelay $0x3  }
0x18b: {  	[tilespmem:v18+s26+$0x0] =	vst.idx.msk $0xffff, v19  }
0x18c: {  	v18 =	vld.idx.msk [tilespmem:v21+s25+$0x0], $0xffff  }
0x18d: {  	v19 =	vor.u32 v9, v17  }
0x18e: {  	v21 =	vor.u32 v13, v20;
	_ =	sdelay $0x3  }
0x18f: {  	[tilespmem:v19+s26+$0x0] =	vst.idx.msk $0xffff, v18  }
0x190: {  	v18 =	vld.idx.msk [tilespmem:v21+s25+$0x0], $0xffff  }
0x191: {  	v19 =	vor.u32 v10, v17  }
0x192: {  	v20 =	vor.u32 v15, v20;
	_ =	sdelay $0x1  }
0x193: {  	s15 =	sadd.s32 $0x2, s13  }
0x194: {  	v21 =	vadd.s32 s15, v6  }
0x195: {  	[tilespmem:v19+s26+$0x0] =	vst.idx.msk $0xffff, v18;
	v18 =	vand.u32 $0xF, v21  }
0x196: {  	v19 =	vld.idx.msk [tilespmem:v20+s25+$0x0], $0xffff;
	v18 =	vor.u32 v14, v18  }
0x197: {  	v17 =	vor.u32 v11, v17;
	v20 =	vand.u32 $0x7F, v18  }
0x198: {  	v21 =	vor.u32 v16, v20;
	_ =	sdelay $0x3  }
0x199: {  	[tilespmem:v17+s26+$0x0] =	vst.idx.msk $0xffff, v19;
	v17 =	vshll.u32 v18, $0x6  }
0x19a: {  	v18 =	vld.idx.msk [tilespmem:v21+s25+$0x0], $0xffff;
	v17 =	vand.u32 $0x7F80, v17  }
0x19b: {  	v19 =	vor.u32 v1, v17  }
0x19c: {  	v21 =	vor.u32 v12, v20;
	_ =	sdelay $0x3  }
0x19d: {  	[tilespmem:v19+s26+$0x0] =	vst.idx.msk $0xffff, v18  }
0x19e: {  	v18 =	vld.idx.msk [tilespmem:v21+s25+$0x0], $0xffff  }
0x19f: {  	v19 =	vor.u32 v2, v17  }
0x1a0: {  	v21 =	vor.u32 v13, v20;
	_ =	sdelay $0x3  }
0x1a1: {  	[tilespmem:v19+s26+$0x0] =	vst.idx.msk $0xffff, v18  }
0x1a2: {  	v18 =	vld.idx.msk [tilespmem:v21+s25+$0x0], $0xffff  }
0x1a3: {  	v19 =	vor.u32 v7, v17  }
0x1a4: {  	v20 =	vor.u32 v15, v20;
	_ =	sdelay $0x1  }
0x1a5: {  	s15 =	sadd.s32 $0x3, s13;
	s13 =	smov.u32 s14  }
0x1a6: {  	v21 =	vadd.s32 s15, v6  }
0x1a7: {  	[tilespmem:v19+s26+$0x0] =	vst.idx.msk $0xffff, v18;
	v18 =	vand.u32 $0xF, v21  }
0x1a8: {  	v19 =	vld.idx.msk [tilespmem:v20+s25+$0x0], $0xffff;
	v18 =	vor.u32 v14, v18  }
0x1a9: {  	v17 =	vor.u32 v8, v17;
	v22 =	vand.u32 $0x7F, v18  }
0x1aa: {  	v20 =	vor.u32 v16, v22;
	_ =	sdelay $0x2  }
0x1ab: {  	v21 =	vshll.u32 v21, $0x6;
	v18 =	vshll.u32 v18, $0x6  }
0x1ac: {  	v18 =	vand.u32 $0x7F80, v18;
	[tilespmem:v17+s26+$0x0] =	vst.idx.msk $0xffff, v19;
	v17 =	vand.u32 $0x40, v21  }
0x1ad: {  	v19 =	vld.idx.msk [tilespmem:v20+s25+$0x0], $0xffff;
	v17 =	vor.u32 v17, v18  }
0x1ae: {  	v18 =	vor.u32 v6, v17  }
0x1af: {  	v20 =	vor.u32 v12, v22;
	_ =	sdelay $0x3  }
0x1b0: {  	[tilespmem:v18+s26+$0x0] =	vst.idx.msk $0xffff, v19  }
0x1b1: {  	v18 =	vld.idx.msk [tilespmem:v20+s25+$0x0], $0xffff  }
0x1b2: {  	v19 =	vor.u32 v9, v17  }
0x1b3: {  	v20 =	vor.u32 v13, v22;
	_ =	sdelay $0x3  }
0x1b4: {  	[tilespmem:v19+s26+$0x0] =	vst.idx.msk $0xffff, v18  }
0x1b5: {  	v18 =	vld.idx.msk [tilespmem:v20+s25+$0x0], $0xffff  }
.Ltmp7:
0x1b6: {  	v20 =	vor.u32 v10, v17;
	(pc) =	sbr.rel @p1 .LBB2_9-.Ltmp7, $2  }
0x1b7: {  	v19 =	vor.u32 v15, v22;
	_ =	sdelay $0x2  }
0x1b8: {  	s14 =	sadd.s32 $0x4, s14;
	v21 =	vadd.s32 s13, v6  }
0x1b9: {  	_ =	sdelay $0x2  }
0x1ba: {  	v21 =	vand.u32 $0xF, v21  }
0x1bb: {  	[tilespmem:v20+s26+$0x0] =	vst.idx.msk $0xffff, v18;
	v59 =	vor.u32 v14, v21  }
0x1bc: {  	v17 =	vor.u32 v11, v17;
	v19 =	vld.idx.msk [tilespmem:v19+s25+$0x0], $0xffff;
	v60 =	vand.u32 $0x7F, v59  }
0x1bd: {  	v61 =	vor.u32 v16, v60;
	_ =	sdelay $0x2  }
0x1be: {  	v18 =	vshll.u32 v59, $0x6  }
0x1bf: {  	v62 =	vand.u32 $0x7F80, v18;
	[tilespmem:v17+s26+$0x0] =	vst.idx.msk $0xffff, v19  }
0x1c0: {  	v24 =	vor.u32 v1, v62;
	v63 =	vld.idx.msk [tilespmem:v61+s25+$0x0], $0xffff  }
0x1c1: {  	v25 =	vor.u32 v12, v60;
	_ =	sdelay $0x3  }
0x1c2: {  	[tilespmem:v24+s26+$0x0] =	vst.idx.msk $0xffff, v63  }
0x1c3: {  	v26 =	vor.u32 v2, v62;
	v18 =	vld.idx.msk [tilespmem:v25+s25+$0x0], $0xffff  }
0x1c4: {  	v27 =	vor.u32 v13, v60;
	_ =	sdelay $0x3  }
0x1c5: {  	[tilespmem:v26+s26+$0x0] =	vst.idx.msk $0xffff, v18  }
0x1c6: {  	v28 =	vor.u32 v7, v62;
	v18 =	vld.idx.msk [tilespmem:v27+s25+$0x0], $0xffff  }
0x1c7: {  	v20 =	vor.u32 v15, v60  }
0x1c8: {  	s14 =	sadd.s32 $0x1, s13  }
0x1c9: {  	v29 =	vadd.s32 s14, v6  }
0x1ca: {  	v22 =	vand.u32 $0xF, v29  }
0x1cb: {  	v30 =	vor.u32 v14, v22;
	[tilespmem:v28+s26+$0x0] =	vst.idx.msk $0xffff, v18  }
0x1cc: {  	v31 =	vand.u32 $0x7F, v30;
	v17 =	vor.u32 v8, v62;
	v19 =	vld.idx.msk [tilespmem:v20+s25+$0x0], $0xffff  }
0x1cd: {  	v32 =	vor.u32 v16, v31;
	_ =	sdelay $0x1  }
0x1ce: {  	v21 =	vshll.u32 v29, $0x6;
	v18 =	vshll.u32 v30, $0x6  }
0x1cf: {  	v21 =	vand.u32 $0x40, v21;
	v18 =	vand.u32 $0x7F80, v18  }
0x1d0: {  	v33 =	vor.u32 v21, v18;
	[tilespmem:v17+s26+$0x0] =	vst.idx.msk $0xffff, v19  }
0x1d1: {  	v35 =	vor.u32 v6, v33;
	v34 =	vld.idx.msk [tilespmem:v32+s25+$0x0], $0xffff  }
0x1d2: {  	v36 =	vor.u32 v12, v31;
	_ =	sdelay $0x3  }
0x1d3: {  	[tilespmem:v35+s26+$0x0] =	vst.idx.msk $0xffff, v34  }
0x1d4: {  	v37 =	vor.u32 v9, v33;
	v18 =	vld.idx.msk [tilespmem:v36+s25+$0x0], $0xffff  }
0x1d5: {  	v38 =	vor.u32 v13, v31;
	_ =	sdelay $0x3  }
0x1d6: {  	[tilespmem:v37+s26+$0x0] =	vst.idx.msk $0xffff, v18  }
0x1d7: {  	v39 =	vor.u32 v10, v33;
	v18 =	vld.idx.msk [tilespmem:v38+s25+$0x0], $0xffff  }
0x1d8: {  	v20 =	vor.u32 v15, v31  }
0x1d9: {  	s15 =	sadd.s32 $0x2, s13  }
0x1da: {  	v40 =	vadd.s32 s15, v6  }
0x1db: {  	v21 =	vand.u32 $0xF, v40  }
0x1dc: {  	v41 =	vor.u32 v14, v21;
	[tilespmem:v39+s26+$0x0] =	vst.idx.msk $0xffff, v18  }
0x1dd: {  	v42 =	vand.u32 $0x7F, v41;
	v17 =	vor.u32 v11, v33;
	v19 =	vld.idx.msk [tilespmem:v20+s25+$0x0], $0xffff  }
0x1de: {  	v43 =	vor.u32 v16, v42;
	_ =	sdelay $0x2  }
0x1df: {  	v18 =	vshll.u32 v41, $0x6  }
0x1e0: {  	v44 =	vand.u32 $0x7F80, v18;
	[tilespmem:v17+s26+$0x0] =	vst.idx.msk $0xffff, v19  }
0x1e1: {  	v46 =	vor.u32 v1, v44;
	v45 =	vld.idx.msk [tilespmem:v43+s25+$0x0], $0xffff  }
0x1e2: {  	v47 =	vor.u32 v12, v42;
	_ =	sdelay $0x3  }
0x1e3: {  	[tilespmem:v46+s26+$0x0] =	vst.idx.msk $0xffff, v45  }
0x1e4: {  	v48 =	vor.u32 v2, v44;
	v18 =	vld.idx.msk [tilespmem:v47+s25+$0x0], $0xffff  }
0x1e5: {  	v49 =	vor.u32 v13, v42;
	_ =	sdelay $0x3  }
0x1e6: {  	[tilespmem:v48+s26+$0x0] =	vst.idx.msk $0xffff, v18  }
0x1e7: {  	v50 =	vor.u32 v7, v44;
	v18 =	vld.idx.msk [tilespmem:v49+s25+$0x0], $0xffff  }
0x1e8: {  	v20 =	vor.u32 v15, v42  }
0x1e9: {  	s19 =	sadd.s32 $0x3, s13  }
0x1ea: {  	v51 =	vadd.s32 s19, v6  }
0x1eb: {  	v52 =	vand.u32 $0xF, v51  }
0x1ec: {  	v53 =	vor.u32 v14, v52;
	[tilespmem:v50+s26+$0x0] =	vst.idx.msk $0xffff, v18  }
0x1ed: {  	v54 =	vand.u32 $0x7F, v53;
	v17 =	vor.u32 v8, v44;
	v18 =	vld.idx.msk [tilespmem:v20+s25+$0x0], $0xffff  }
0x1ee: {  	v55 =	vor.u32 v16, v54;
	_ =	sdelay $0x1  }
0x1ef: {  	v56 =	vshll.u32 v51, $0x6;
	v14 =	vshll.u32 v53, $0x6  }
0x1f0: {  	v14 =	vand.u32 $0x7F80, v14;
	v20 =	vand.u32 $0x40, v56  }
0x1f1: {  	v14 =	vor.u32 v20, v14;
	[tilespmem:v17+s26+$0x0] =	vst.idx.msk $0xffff, v18  }
0x1f2: {  	v57 =	vor.u32 v6, v14;
	v16 =	vld.idx.msk [tilespmem:v55+s25+$0x0], $0xffff  }
0x1f3: {  	v58 =	vor.u32 v12, v54;
	_ =	sdelay $0x3  }
0x1f4: {  	[tilespmem:v57+s26+$0x0] =	vst.idx.msk $0xffff, v16  }
0x1f5: {  	v59 =	vor.u32 v9, v14;
	v12 =	vld.idx.msk [tilespmem:v58+s25+$0x0], $0xffff  }
0x1f6: {  	v60 =	vor.u32 v13, v54;
	_ =	sdelay $0x3  }
0x1f7: {  	[tilespmem:v59+s26+$0x0] =	vst.idx.msk $0xffff, v12  }
0x1f8: {  	v61 =	vor.u32 v10, v14;
	v12 =	vld.idx.msk [tilespmem:v60+s25+$0x0], $0xffff  }
0x1f9: {  	v62 =	vor.u32 v15, v54;
	_ =	sdelay $0x3  }
0x1fa: {  	s9 =	sadd.s32 $0x1, s9;
	[tilespmem:v61+s26+$0x0] =	vst.idx.msk $0xffff, v12  }
0x1fb: {  	p1 =	sne.s32 s9, $0x18;
	v63 =	vor.u32 v11, v14;
	v12 =	vld.idx.msk [tilespmem:v62+s25+$0x0], $0xffff  }
.Ltmp8:
0x1fc: {  	_ = 	snop;
	(pc) =	sbr.rel @p1 .LBB2_8-.Ltmp8, $2  }
0x1fd: {  	_ =	sdelay $0x2  }
0x1fe: {  	[tilespmem:v63+s26+$0x0] =	vst.idx.msk $0xffff, v12  }
.Ltmp9:
0x1ff: {  	(pc) =	sbr.rel .LBB2_12-.Ltmp9, $3  }
0x200: {  	s1 =	smul.u32 $0xC00, s1;
	_ =	sdelay $0x1  }
0x201: {  	s1 =	sadd.s32 s6, s1  }
0x202: {  	[hbm4b:s1+s3] =	stream.linear.scatter [tilespmem:s26], [sflag:$0x4], $0x6000, $0x38;
	[tilespmem:$0x18000] =	vst v63  }
.LBB2_13:
0x203: {  	_ =	swait.ge [sflag:s28], $0x6000  }
.Ltmp10:
0x204: {  	[sflag:s28] =	ssyncset.done $0x0;
	(pc) =	sbr.rel @p0 .LBB2_19-.Ltmp10, $4  }
0x205: {  	[sflag:s28] =	ssyncadd.s32 $0xFFFFA000  }
0x206: {  	_ =	swait.ge [sflag:s29], $0x6000  }
0x207: {  	[sflag:s29] =	ssyncset.done $0x0  }
0x208: {  	[sflag:s29] =	ssyncadd.s32 $0xFFFFA000  }
0x209: {  	s1 =	simm.s32 $0x0;
	s2 =	rddreg [dreg:$0x1]  }
0x20a: {  	[tilespmem:s1], [sflag:$0x5] =	stream.linear.gather [hbm4b:s2+s1], $0x400, $0x38;
	[tilespmem:$0x18000] =	vst v63  }
0x20b: {  	_ = 	snop  }
0x20c: {  	[tilespmem:s18], [sflag:$0x5] =	stream.linear.gather [hbm4b:s21+s1], $0x400, $0x38;
	[tilespmem:$0x18000] =	vst v63  }
0x20d: {  	s19 =	simm.s32 $0x1800  }
0x20e: {  	[tilespmem:s19], [sflag:$0x5] =	stream.linear.gather [hbm4b:s22+s1], $0x400, $0x38;
	[tilespmem:$0x18000] =	vst v63  }
0x20f: {  	s31 =	rddreg [dreg:$0x5];
	s9 =	simm.s32 $0x2400  }
0x210: {  	[tilespmem:s9], [sflag:$0x5] =	stream.linear.gather [hbm4b:s31+s1], $0x400, $0x38;
	[tilespmem:$0x18000] =	vst v63  }
0x211: {  	s13 =	simm.s32 $0x3000;
	s9 =	rddreg [dreg:$0x6]  }
0x212: {  	[tilespmem:s13], [sflag:$0x5] =	stream.linear.gather [hbm4b:s9+s1], $0x400, $0x38;
	[tilespmem:$0x18000] =	vst v63  }
0x213: {  	s14 =	rddreg [dreg:$0x7];
	s15 =	simm.s32 $0x3C00  }
0x214: {  	[tilespmem:s15], [sflag:$0x5] =	stream.linear.gather [hbm4b:s14+s1], $0x400, $0x38;
	[tilespmem:$0x18000] =	vst v63  }
0x215: {  	s19 =	simm.s32 $0x4800  }
0x216: {  	[tilespmem:s19], [sflag:$0x5] =	stream.linear.gather [hbm4b:s16+s1], $0x400, $0x38;
	[tilespmem:$0x18000] =	vst v63  }
0x217: {  	s31 =	simm.s32 $0x5400  }
0x218: {  	[tilespmem:s31], [sflag:$0x5] =	stream.linear.gather [hbm4b:s17+s1], $0x400, $0x38;
	[tilespmem:$0x18000] =	vst v63  }
0x219: {  	_ =	swait.ge [sflag:s4], $0x2000  }
0x21a: {  	[sflag:s4] =	ssyncset.done $0x0  }
0x21b: {  	s2 =	simm.s32 $0x0;
	[sflag:s4] =	ssyncadd.s32 $0xFFFFE000  }
.LBB2_15:
0x21c: {  	s9 =	sshll.u32 s2, $0x4;
	v13 =	vadd.s32 s1, v6  }
0x21d: {  	v12 =	vmov s9;
	v13 =	vand.u32 $0xF, v13  }
0x21e: {  	v13 =	vor.u32 v12, v13  }
0x21f: {  	v14 =	vor.u32 v0, v13;
	_ =	sdelay $0x2  }
0x220: {  	v15 =	vshll.u32 v13, $0x6  }
0x221: {  	v15 =	vand.u32 $0x1F80, v15  }
0x222: {  	v16 =	vor.u32 v1, v15;
	v14 =	vld.idx.msk [tilespmem:v14+s3+$0x0], $0xffff  }
0x223: {  	v17 =	vor.u32 v3, v13;
	_ =	sdelay $0x3  }
0x224: {  	[tilespmem:v16+s20+$0x0] =	vst.idx.msk $0xffff, v14  }
0x225: {  	v16 =	vor.u32 v2, v15;
	v14 =	vld.idx.msk [tilespmem:v17+s3+$0x0], $0xffff  }
0x226: {  	v17 =	vor.u32 v4, v13;
	_ =	sdelay $0x3  }
0x227: {  	[tilespmem:v16+s20+$0x0] =	vst.idx.msk $0xffff, v14  }
0x228: {  	v16 =	vor.u32 v7, v15;
	v14 =	vld.idx.msk [tilespmem:v17+s3+$0x0], $0xffff  }
0x229: {  	v13 =	vor.u32 v5, v13;
	_ =	sdelay $0x1  }
0x22a: {  	s15 =	simm.s32 $0x1  }
0x22b: {  	v17 =	vadd.s32 s15, v6  }
0x22c: {  	[tilespmem:v16+s20+$0x0] =	vst.idx.msk $0xffff, v14;
	v14 =	vand.u32 $0xF, v17  }
0x22d: {  	v15 =	vor.u32 v8, v15;
	v13 =	vld.idx.msk [tilespmem:v13+s3+$0x0], $0xffff;
	v14 =	vor.u32 v12, v14  }
0x22e: {  	v16 =	vor.u32 v0, v14;
	_ =	sdelay $0x1  }
0x22f: {  	v17 =	vshll.u32 v17, $0x6;
	v18 =	vshll.u32 v14, $0x6  }
0x230: {  	v17 =	vand.u32 $0x40, v17;
	v18 =	vand.u32 $0x1F80, v18  }
0x231: {  	[tilespmem:v15+s20+$0x0] =	vst.idx.msk $0xffff, v13;
	v13 =	vor.u32 v17, v18  }
0x232: {  	v15 =	vld.idx.msk [tilespmem:v16+s3+$0x0], $0xffff;
	v16 =	vor.u32 v6, v13  }
0x233: {  	v17 =	vor.u32 v3, v14;
	_ =	sdelay $0x3  }
0x234: {  	[tilespmem:v16+s20+$0x0] =	vst.idx.msk $0xffff, v15  }
0x235: {  	v16 =	vor.u32 v9, v13;
	v15 =	vld.idx.msk [tilespmem:v17+s3+$0x0], $0xffff  }
0x236: {  	v17 =	vor.u32 v4, v14;
	_ =	sdelay $0x3  }
0x237: {  	[tilespmem:v16+s20+$0x0] =	vst.idx.msk $0xffff, v15  }
0x238: {  	v16 =	vor.u32 v10, v13;
	v15 =	vld.idx.msk [tilespmem:v17+s3+$0x0], $0xffff  }
0x239: {  	v14 =	vor.u32 v5, v14;
	_ =	sdelay $0x1  }
0x23a: {  	s19 =	simm.s32 $0x2  }
0x23b: {  	v17 =	vadd.s32 s19, v6  }
0x23c: {  	[tilespmem:v16+s20+$0x0] =	vst.idx.msk $0xffff, v15;
	v15 =	vand.u32 $0xF, v17  }
0x23d: {  	v13 =	vor.u32 v11, v13;
	v14 =	vld.idx.msk [tilespmem:v14+s3+$0x0], $0xffff;
	v15 =	vor.u32 v12, v15  }
0x23e: {  	v16 =	vor.u32 v0, v15;
	_ =	sdelay $0x2  }
0x23f: {  	v17 =	vshll.u32 v15, $0x6  }
0x240: {  	[tilespmem:v13+s20+$0x0] =	vst.idx.msk $0xffff, v14;
	v13 =	vand.u32 $0x1F80, v17  }
0x241: {  	v14 =	vld.idx.msk [tilespmem:v16+s3+$0x0], $0xffff;
	v16 =	vor.u32 v1, v13  }
0x242: {  	v17 =	vor.u32 v3, v15;
	_ =	sdelay $0x3  }
0x243: {  	[tilespmem:v16+s20+$0x0] =	vst.idx.msk $0xffff, v14  }
0x244: {  	v16 =	vor.u32 v2, v13;
	v14 =	vld.idx.msk [tilespmem:v17+s3+$0x0], $0xffff  }
0x245: {  	v17 =	vor.u32 v4, v15;
	_ =	sdelay $0x3  }
0x246: {  	[tilespmem:v16+s20+$0x0] =	vst.idx.msk $0xffff, v14  }
0x247: {  	v16 =	vor.u32 v7, v13;
	v14 =	vld.idx.msk [tilespmem:v17+s3+$0x0], $0xffff  }
0x248: {  	v15 =	vor.u32 v5, v15;
	_ =	sdelay $0x1  }
0x249: {  	s31 =	simm.s32 $0x3  }
0x24a: {  	v17 =	vadd.s32 s31, v6  }
0x24b: {  	[tilespmem:v16+s20+$0x0] =	vst.idx.msk $0xffff, v14;
	v14 =	vand.u32 $0xF, v17  }
0x24c: {  	v13 =	vor.u32 v8, v13;
	v15 =	vld.idx.msk [tilespmem:v15+s3+$0x0], $0xffff;
	v14 =	vor.u32 v12, v14  }
0x24d: {  	v16 =	vor.u32 v0, v14;
	_ =	sdelay $0x1  }
0x24e: {  	v17 =	vshll.u32 v17, $0x6;
	v63 =	vshll.u32 v14, $0x6  }
0x24f: {  	v17 =	vand.u32 $0x40, v17;
	v18 =	vand.u32 $0x1F80, v63  }
0x250: {  	[tilespmem:v13+s20+$0x0] =	vst.idx.msk $0xffff, v15;
	v13 =	vor.u32 v17, v18  }
0x251: {  	v15 =	vld.idx.msk [tilespmem:v16+s3+$0x0], $0xffff;
	v16 =	vor.u32 v6, v13  }
0x252: {  	v17 =	vor.u32 v3, v14;
	_ =	sdelay $0x3  }
0x253: {  	[tilespmem:v16+s20+$0x0] =	vst.idx.msk $0xffff, v15  }
0x254: {  	v16 =	vor.u32 v9, v13;
	v15 =	vld.idx.msk [tilespmem:v17+s3+$0x0], $0xffff  }
0x255: {  	v17 =	vor.u32 v4, v14;
	_ =	sdelay $0x3  }
0x256: {  	[tilespmem:v16+s20+$0x0] =	vst.idx.msk $0xffff, v15  }
0x257: {  	v16 =	vld.idx.msk [tilespmem:v17+s3+$0x0], $0xffff;
	v17 =	vor.u32 v10, v13  }
0x258: {  	v14 =	vor.u32 v5, v14;
	_ =	sdelay $0x2  }
0x259: {  	s9 =	simm.s32 $0x4  }
0x25a: {  	s13 =	simm.s32 $0x8;
	v15 =	vadd.s32 s9, v6;
	[tilespmem:v17+s20+$0x0] =	vst.idx.msk $0xffff, v16  }
.LBB2_16:
0x25b: {  	p1 =	slt.u32 s13, $0xC;
	v15 =	vand.u32 $0xF, v15;
	v14 =	vld.idx.msk [tilespmem:v14+s3+$0x0], $0xffff  }
0x25c: {  	v13 =	vor.u32 v11, v13;
	v15 =	vor.u32 v12, v15  }
0x25d: {  	v16 =	vor.u32 v0, v15;
	_ =	sdelay $0x3  }
0x25e: {  	v17 =	vshll.u32 v15, $0x6;
	[tilespmem:v13+s20+$0x0] =	vst.idx.msk $0xffff, v14  }
0x25f: {  	v14 =	vand.u32 $0x1F80, v17;
	v13 =	vld.idx.msk [tilespmem:v16+s3+$0x0], $0xffff  }
0x260: {  	v16 =	vor.u32 v1, v14  }
0x261: {  	v17 =	vor.u32 v3, v15;
	_ =	sdelay $0x3  }
0x262: {  	[tilespmem:v16+s20+$0x0] =	vst.idx.msk $0xffff, v13  }
0x263: {  	v13 =	vld.idx.msk [tilespmem:v17+s3+$0x0], $0xffff  }
0x264: {  	v16 =	vor.u32 v2, v14  }
0x265: {  	v17 =	vor.u32 v4, v15;
	_ =	sdelay $0x3  }
0x266: {  	[tilespmem:v16+s20+$0x0] =	vst.idx.msk $0xffff, v13  }
0x267: {  	v13 =	vld.idx.msk [tilespmem:v17+s3+$0x0], $0xffff  }
0x268: {  	v16 =	vor.u32 v7, v14  }
0x269: {  	v15 =	vor.u32 v5, v15;
	_ =	sdelay $0x2  }
0x26a: {  	s14 =	sadd.s32 $0x1, s9  }
0x26b: {  	[tilespmem:v16+s20+$0x0] =	vst.idx.msk $0xffff, v13;
	v13 =	vadd.s32 s14, v6  }
0x26c: {  	v15 =	vld.idx.msk [tilespmem:v15+s3+$0x0], $0xffff;
	v16 =	vand.u32 $0xF, v13  }
0x26d: {  	v14 =	vor.u32 v8, v14;
	v16 =	vor.u32 v12, v16  }
0x26e: {  	v17 =	vor.u32 v0, v16;
	_ =	sdelay $0x2  }
0x26f: {  	v13 =	vshll.u32 v13, $0x6;
	v18 =	vshll.u32 v16, $0x6  }
0x270: {  	v13 =	vand.u32 $0x40, v13;
	[tilespmem:v14+s20+$0x0] =	vst.idx.msk $0xffff, v15;
	v14 =	vand.u32 $0x1F80, v18  }
0x271: {  	v15 =	vld.idx.msk [tilespmem:v17+s3+$0x0], $0xffff;
	v13 =	vor.u32 v13, v14  }
0x272: {  	v14 =	vor.u32 v6, v13  }
0x273: {  	v17 =	vor.u32 v3, v16;
	_ =	sdelay $0x3  }
0x274: {  	[tilespmem:v14+s20+$0x0] =	vst.idx.msk $0xffff, v15  }
0x275: {  	v14 =	vld.idx.msk [tilespmem:v17+s3+$0x0], $0xffff  }
0x276: {  	v15 =	vor.u32 v9, v13  }
0x277: {  	v17 =	vor.u32 v4, v16;
	_ =	sdelay $0x3  }
0x278: {  	[tilespmem:v15+s20+$0x0] =	vst.idx.msk $0xffff, v14  }
0x279: {  	v14 =	vld.idx.msk [tilespmem:v17+s3+$0x0], $0xffff  }
0x27a: {  	v15 =	vor.u32 v10, v13  }
0x27b: {  	v16 =	vor.u32 v5, v16;
	_ =	sdelay $0x2  }
0x27c: {  	s14 =	sadd.s32 $0x2, s9  }
0x27d: {  	[tilespmem:v15+s20+$0x0] =	vst.idx.msk $0xffff, v14;
	v14 =	vadd.s32 s14, v6  }
0x27e: {  	v15 =	vld.idx.msk [tilespmem:v16+s3+$0x0], $0xffff;
	v14 =	vand.u32 $0xF, v14  }
0x27f: {  	v13 =	vor.u32 v11, v13;
	v14 =	vor.u32 v12, v14  }
0x280: {  	v16 =	vor.u32 v0, v14;
	_ =	sdelay $0x3  }
0x281: {  	[tilespmem:v13+s20+$0x0] =	vst.idx.msk $0xffff, v15;
	v13 =	vshll.u32 v14, $0x6  }
0x282: {  	v15 =	vld.idx.msk [tilespmem:v16+s3+$0x0], $0xffff;
	v13 =	vand.u32 $0x1F80, v13  }
0x283: {  	v16 =	vor.u32 v1, v13  }
0x284: {  	v17 =	vor.u32 v3, v14;
	_ =	sdelay $0x3  }
0x285: {  	[tilespmem:v16+s20+$0x0] =	vst.idx.msk $0xffff, v15  }
0x286: {  	v15 =	vld.idx.msk [tilespmem:v17+s3+$0x0], $0xffff  }
0x287: {  	v16 =	vor.u32 v2, v13  }
0x288: {  	v17 =	vor.u32 v4, v14;
	_ =	sdelay $0x3  }
0x289: {  	[tilespmem:v16+s20+$0x0] =	vst.idx.msk $0xffff, v15  }
0x28a: {  	v15 =	vld.idx.msk [tilespmem:v17+s3+$0x0], $0xffff  }
0x28b: {  	v16 =	vor.u32 v7, v13  }
0x28c: {  	v14 =	vor.u32 v5, v14;
	_ =	sdelay $0x2  }
0x28d: {  	s14 =	sadd.s32 $0x3, s9;
	s9 =	smov.u32 s13  }
0x28e: {  	[tilespmem:v16+s20+$0x0] =	vst.idx.msk $0xffff, v15;
	v15 =	vadd.s32 s14, v6  }
0x28f: {  	v14 =	vld.idx.msk [tilespmem:v14+s3+$0x0], $0xffff;
	v16 =	vand.u32 $0xF, v15  }
0x290: {  	v13 =	vor.u32 v8, v13;
	v16 =	vor.u32 v12, v16  }
0x291: {  	v17 =	vor.u32 v0, v16;
	_ =	sdelay $0x2  }
0x292: {  	v15 =	vshll.u32 v15, $0x6;
	v18 =	vshll.u32 v16, $0x6  }
0x293: {  	[tilespmem:v13+s20+$0x0] =	vst.idx.msk $0xffff, v14;
	v13 =	vand.u32 $0x40, v15;
	v14 =	vand.u32 $0x1F80, v18  }
0x294: {  	v15 =	vld.idx.msk [tilespmem:v17+s3+$0x0], $0xffff;
	v13 =	vor.u32 v13, v14  }
0x295: {  	v14 =	vor.u32 v6, v13  }
0x296: {  	v17 =	vor.u32 v3, v16;
	_ =	sdelay $0x3  }
0x297: {  	[tilespmem:v14+s20+$0x0] =	vst.idx.msk $0xffff, v15  }
0x298: {  	v14 =	vld.idx.msk [tilespmem:v17+s3+$0x0], $0xffff  }
0x299: {  	v15 =	vor.u32 v9, v13  }
0x29a: {  	v17 =	vor.u32 v4, v16;
	_ =	sdelay $0x3  }
0x29b: {  	[tilespmem:v15+s20+$0x0] =	vst.idx.msk $0xffff, v14  }
0x29c: {  	v17 =	vld.idx.msk [tilespmem:v17+s3+$0x0], $0xffff  }
0x29d: {  	v18 =	vor.u32 v10, v13  }
.Ltmp11:
0x29e: {  	v14 =	vor.u32 v5, v16;
	(pc) =	sbr.rel @p1 .LBB2_16-.Ltmp11, $2  }
0x29f: {  	_ =	sdelay $0x2  }
0x2a0: {  	s13 =	sadd.s32 $0x4, s13;
	v15 =	vadd.s32 s9, v6;
	[tilespmem:v18+s20+$0x0] =	vst.idx.msk $0xffff, v17  }
0x2a1: {  	_ =	sdelay $0x2  }
0x2a2: {  	v15 =	vand.u32 $0xF, v15  }
0x2a3: {  	v14 =	vld.idx.msk [tilespmem:v14+s3+$0x0], $0xffff;
	v13 =	vor.u32 v11, v13;
	v15 =	vor.u32 v12, v15  }
0x2a4: {  	v16 =	vor.u32 v0, v15;
	_ =	sdelay $0x2  }
0x2a5: {  	v17 =	vshll.u32 v15, $0x6  }
0x2a6: {  	v28 =	vand.u32 $0x1F80, v17;
	[tilespmem:v13+s20+$0x0] =	vst.idx.msk $0xffff, v14  }
0x2a7: {  	v29 =	vor.u32 v1, v28;
	v14 =	vld.idx.msk [tilespmem:v16+s3+$0x0], $0xffff  }
0x2a8: {  	v30 =	vor.u32 v3, v15;
	_ =	sdelay $0x3  }
0x2a9: {  	[tilespmem:v29+s20+$0x0] =	vst.idx.msk $0xffff, v14  }
0x2aa: {  	v31 =	vor.u32 v2, v28;
	v14 =	vld.idx.msk [tilespmem:v30+s3+$0x0], $0xffff  }
0x2ab: {  	v32 =	vor.u32 v4, v15;
	_ =	sdelay $0x3  }
0x2ac: {  	[tilespmem:v31+s20+$0x0] =	vst.idx.msk $0xffff, v14  }
0x2ad: {  	v33 =	vor.u32 v7, v28;
	v14 =	vld.idx.msk [tilespmem:v32+s3+$0x0], $0xffff  }
0x2ae: {  	v15 =	vor.u32 v5, v15;
	_ =	sdelay $0x1  }
0x2af: {  	s13 =	sadd.s32 $0x1, s9  }
0x2b0: {  	v34 =	vadd.s32 s13, v6  }
0x2b1: {  	v35 =	vand.u32 $0xF, v34;
	[tilespmem:v33+s20+$0x0] =	vst.idx.msk $0xffff, v14  }
0x2b2: {  	v13 =	vor.u32 v8, v28;
	v14 =	vor.u32 v12, v35;
	v15 =	vld.idx.msk [tilespmem:v15+s3+$0x0], $0xffff  }
0x2b3: {  	v36 =	vor.u32 v0, v14;
	_ =	sdelay $0x1  }
0x2b4: {  	v17 =	vshll.u32 v34, $0x6;
	v18 =	vshll.u32 v14, $0x6  }
0x2b5: {  	v17 =	vand.u32 $0x40, v17;
	v18 =	vand.u32 $0x1F80, v18  }
0x2b6: {  	v37 =	vor.u32 v17, v18;
	[tilespmem:v13+s20+$0x0] =	vst.idx.msk $0xffff, v15  }
0x2b7: {  	v38 =	vor.u32 v6, v37;
	v15 =	vld.idx.msk [tilespmem:v36+s3+$0x0], $0xffff  }
0x2b8: {  	v39 =	vor.u32 v3, v14;
	_ =	sdelay $0x3  }
0x2b9: {  	[tilespmem:v38+s20+$0x0] =	vst.idx.msk $0xffff, v15  }
0x2ba: {  	v40 =	vor.u32 v9, v37;
	v15 =	vld.idx.msk [tilespmem:v39+s3+$0x0], $0xffff  }
0x2bb: {  	v41 =	vor.u32 v4, v14;
	_ =	sdelay $0x3  }
0x2bc: {  	[tilespmem:v40+s20+$0x0] =	vst.idx.msk $0xffff, v15  }
0x2bd: {  	v42 =	vor.u32 v10, v37;
	v15 =	vld.idx.msk [tilespmem:v41+s3+$0x0], $0xffff  }
0x2be: {  	v14 =	vor.u32 v5, v14;
	_ =	sdelay $0x1  }
0x2bf: {  	s19 =	sadd.s32 $0x2, s9  }
0x2c0: {  	v43 =	vadd.s32 s19, v6  }
0x2c1: {  	v44 =	vand.u32 $0xF, v43;
	[tilespmem:v42+s20+$0x0] =	vst.idx.msk $0xffff, v15  }
0x2c2: {  	v13 =	vor.u32 v11, v37;
	v15 =	vor.u32 v12, v44;
	v14 =	vld.idx.msk [tilespmem:v14+s3+$0x0], $0xffff  }
0x2c3: {  	v45 =	vor.u32 v0, v15;
	_ =	sdelay $0x2  }
0x2c4: {  	v46 =	vshll.u32 v15, $0x6  }
0x2c5: {  	v47 =	vand.u32 $0x1F80, v46;
	[tilespmem:v13+s20+$0x0] =	vst.idx.msk $0xffff, v14  }
0x2c6: {  	v48 =	vor.u32 v1, v47;
	v14 =	vld.idx.msk [tilespmem:v45+s3+$0x0], $0xffff  }
0x2c7: {  	v49 =	vor.u32 v3, v15;
	_ =	sdelay $0x3  }
0x2c8: {  	[tilespmem:v48+s20+$0x0] =	vst.idx.msk $0xffff, v14  }
0x2c9: {  	v50 =	vor.u32 v2, v47;
	v14 =	vld.idx.msk [tilespmem:v49+s3+$0x0], $0xffff  }
0x2ca: {  	v51 =	vor.u32 v4, v15;
	_ =	sdelay $0x3  }
0x2cb: {  	[tilespmem:v50+s20+$0x0] =	vst.idx.msk $0xffff, v14  }
0x2cc: {  	v52 =	vor.u32 v7, v47;
	v14 =	vld.idx.msk [tilespmem:v51+s3+$0x0], $0xffff  }
0x2cd: {  	v15 =	vor.u32 v5, v15;
	_ =	sdelay $0x1  }
0x2ce: {  	s31 =	sadd.s32 $0x3, s9  }
0x2cf: {  	v53 =	vadd.s32 s31, v6  }
0x2d0: {  	v54 =	vand.u32 $0xF, v53;
	[tilespmem:v52+s20+$0x0] =	vst.idx.msk $0xffff, v14  }
0x2d1: {  	v55 =	vor.u32 v12, v54;
	v13 =	vor.u32 v8, v47;
	v15 =	vld.idx.msk [tilespmem:v15+s3+$0x0], $0xffff  }
0x2d2: {  	v14 =	vor.u32 v0, v55;
	_ =	sdelay $0x1  }
0x2d3: {  	v56 =	vshll.u32 v53, $0x6;
	v57 =	vshll.u32 v55, $0x6  }
0x2d4: {  	v16 =	vand.u32 $0x40, v56;
	v17 =	vand.u32 $0x1F80, v57  }
0x2d5: {  	v58 =	vor.u32 v16, v17;
	[tilespmem:v13+s20+$0x0] =	vst.idx.msk $0xffff, v15  }
0x2d6: {  	v59 =	vor.u32 v6, v58;
	v14 =	vld.idx.msk [tilespmem:v14+s3+$0x0], $0xffff  }
0x2d7: {  	v60 =	vor.u32 v3, v55;
	_ =	sdelay $0x3  }
0x2d8: {  	[tilespmem:v59+s20+$0x0] =	vst.idx.msk $0xffff, v14  }
0x2d9: {  	v61 =	vor.u32 v9, v58;
	v14 =	vld.idx.msk [tilespmem:v60+s3+$0x0], $0xffff  }
0x2da: {  	v62 =	vor.u32 v4, v55;
	_ =	sdelay $0x3  }
0x2db: {  	[tilespmem:v61+s20+$0x0] =	vst.idx.msk $0xffff, v14  }
0x2dc: {  	v63 =	vor.u32 v10, v58;
	v14 =	vld.idx.msk [tilespmem:v62+s3+$0x0], $0xffff  }
0x2dd: {  	v12 =	vor.u32 v5, v55;
	_ =	sdelay $0x3  }
0x2de: {  	s2 =	sadd.s32 $0x1, s2;
	[tilespmem:v63+s20+$0x0] =	vst.idx.msk $0xffff, v14  }
0x2df: {  	p1 =	sne.s32 s2, $0x8;
	v13 =	vor.u32 v11, v58;
	v12 =	vld.idx.msk [tilespmem:v12+s3+$0x0], $0xffff  }
.Ltmp12:
0x2e0: {  	_ = 	snop;
	(pc) =	sbr.rel @p1 .LBB2_15-.Ltmp12, $2  }
0x2e1: {  	_ =	sdelay $0x2  }
0x2e2: {  	[tilespmem:v13+s20+$0x0] =	vst.idx.msk $0xffff, v12  }
.Ltmp13:
0x2e3: {  	s1 =	rddreg [dreg:$0x4];
	s2 =	simm.s32 $0xD000;
	(pc) =	sbr.rel .LBB2_19-.Ltmp13, $4  }
0x2e4: {  	[hbm4b:s1+s3] =	stream.linear.scatter [tilespmem:s2], [sflag:$0x5], $0x1000, $0x38;
	[tilespmem:$0x18000] =	vst v63  }
0x2e5: {  	_ =	swait.ge [sflag:s4], $0x1000  }
0x2e6: {  	[sflag:s4] =	ssyncset.done $0x0  }
0x2e7: {  	[sflag:s4] =	ssyncadd.s32 $0xFFFFF000  }
.LBB2_20:
0x2e8: {  	_ =	sfence.sel $0x180000  }
0x2e9: {  	[bflag:$0x0] =	sbarrier.arrive $0xFFFF  }
0x2ea: {  	_ =	strace $0x90000047  }
0x2eb: {  	s0 =	stileid.u32;
	[bflag:$0x2] =	sbarrier.arrive $0xFFFF  }
0x2ec: {  	p0 =	sne.s32 s0, $0x0;
	s0 =	rddreg [dreg:$0x3]  }
0x2ed: {  	s0 =	sadd.s32 @!p0 $0x100000, s0  }
0x2ee: {  	[sflag:s0] =	ssyncadd.tile.s32 @!p0 $0x1;
	_ =	shalt  }
.Lfunc_end2:
_tile_overlayer_lowered:
.L_overlay_start_2:
0x2ef: {  	(tag) =	ssettag $0x2  }
0x2f0: {  	s0 =	rddreg [dreg:$0x0];
	s2 =	stileid.u32  }
0x2f1: {  	s1 =	rddreg [dreg:$0x1];
	p0 =	sne.s32 s2, $0x0  }
0x2f2: {  	s3 =	rddreg [dreg:$0x2];
	[bflag:$0x3] =	sbarrier.arrive $0xFFFF;
	s2 =	simm.s32 @!p0 $0x1C05  }
0x2f3: {  	[timem:s3], [sflag:s2] =	dma.local @!p0 [hbm:s0], s1  }
0x2f4: {  	s0 =	simm.s32 @!p0 $0x5  }
0x2f5: {  	_ =	swait.ge @!p0 [sflag:s0], s1  }
0x2f6: {  	s1 =	ssub.s32 @!p0 $0x0, s1;
	[sflag:s0] =	ssyncset.done @!p0 $0x0  }
0x2f7: {  	[sflag:s0] =	ssyncadd.s32 @!p0 s1  }
0x2f8: {  	[bflag:$0x3] =	sbarrier.arrive $0xFFFF  }
0x2f9: {  	_ =	shalt  }

// kernel: kernel.7.cloned.1.call-start
scs
__scs_entry_jumppad:
0x0: {  	(pc) =	sbr.rel $0x88, $3  }
0x1: {  	(tag) =	ssettag $0x0;
	lr =	simm.s32 $0x1  }
0x2: {  	[smem:$0x3F9F] =	sst lr;
	_ =	strace $0xD0000000  }
0x3: {  	_ = 	snop  }
0x4: {  	_ = 	snop  }
0x5: {  	_ = 	snop  }
0x6: {  	_ = 	snop  }
0x7: {  	_ = 	snop  }
__scs_overlays_trampoline_lowered:
0x8: {  	[smem:$0x3FAE] =	sst s0  }
0x9: {  	[smem:$0x3FAF] =	sst s1  }
0xa: {  	[smem:$0x3FB0] =	sst s2  }
0xb: {  	[smem:$0x3FB1] =	sst s3  }
0xc: {  	[smem:$0x3FB2] =	sst s4  }
0xd: {  	[smem:$0x3FB3] =	sst s5  }
0xe: {  	[smem:$0x3FB4] =	sst s6  }
0xf: {  	[smem:$0x3FB5] =	sst s7  }
0x10: {  	[smem:$0x3FB6] =	sst s8  }
0x11: {  	[smem:$0x3FB7] =	sst s9;
	s0 =	simm.s32 @!p0 $0x0  }
0x12: {  	s1 =	sld [smem:$0x3F9D];
	s0 =	simm.s32 @p0 $0x1  }
0x13: {  	[smem:$0x3FB8] =	sst s0;
	s0 =	simm.s32 @!p1 $0x0  }
0x14: {  	s2 =	sld [smem:$0x3F9C];
	s0 =	simm.s32 @p1 $0x1  }
0x15: {  	[smem:$0x3FB9] =	sst s0;
	s0 =	simm.s32 @!p2 $0x0  }
0x16: {  	s3 =	sld [smem:$0x3FDB];
	s0 =	simm.s32 @p2 $0x1  }
0x17: {  	s4 =	simm.s32 $0x1BF5;
	[smem:$0x3FBB] =	sst s0  }
0x18: {  	s0 =	sld [smem:$0x3F9E];
	_ =	swait.ge [sflag:s4], $0x0  }
0x19: {  	s7 =	sld [smem:$0x3F9F]  }
0x1a: {  	s8 =	sadd.s32 $0xFFFFE003, lr  }
0x1b: {  	s9 =	sadd.s32 $0xFFFFFEF7, lr;
	s5 =	simm.s32 $0xFFFFFFFF;
	p2 =	slt.u32 s8, $0xFFFFF086  }
0x1c: {  	p1 =	slt.u32 s9, $0xF7A;
	s5 =	simm.s32 @!p2 $0x0  }
0x1d: {  	s5 =	simm.s32 @p1 $0x1;
	p0 =	seq.s32 s7, s2  }
0x1e: {  	s7 =	smul.u32 @!p0 $0xF7A, s2;
	p2 =	seq.s32 @!p0 s5, $0x0  }
0x1f: {  	s9 =	smul.u32 $0xF7A, s1;
	s8 =	simm.s32 @!p0 $0x1BF5;
	p2 =	por !p2, p0  }
0x20: {  	[sflag:s8] =	ssyncset.s32 @!p0 $0xFFFFF086;
	s6 =	sadd.s32 @!p0 s3, s7;
	s7 =	simm.s32 @!p0 $0x108  }
0x21: {  	s3 =	sadd.s32 s3, s9;
	s6 =	sadd.s32 @!p0 $0x88, s6;
	s7 =	simm.s32 @p2 $0x1082  }
0x22: {  	[simem:s7], [sflag:s8] =	dma.local @!p0 [hbm:s6], $0xF7A  }
0x23: {  	s9 =	sor.u32 $0xD0000000, s2;
	s6 =	simm.s32 $0x108;
	_ =	swait.ge @!p0 [sflag:s8], $0x0  }
0x24: {  	s3 =	sadd.s32 $0x88, s3;
	s6 =	simm.s32 @!p1 $0x1082;
	[sflag:s4] =	ssyncset.s32 $0xFFFFF086  }
0x25: {  	[simem:s6], [sflag:s4] =	dma.local [hbm:s3], $0xF7A  }
0x26: {  	[smem:$0x3F9F] =	sst s1;
	(tag) =	ssettag s2;
	_ =	strace s9  }
0x27: {  	s1 =	sld [smem:$0x3FAF]  }
0x28: {  	s2 =	sld [smem:$0x3FB0]  }
0x29: {  	s4 =	sld [smem:$0x3FB2]  }
0x2a: {  	p0 =	seq.s32 s5, $0x0;
	s5 =	sld [smem:$0x3FB3]  }
0x2b: {  	s6 =	sld [smem:$0x3FB4]  }
0x2c: {  	s7 =	sld [smem:$0x3FB5]  }
0x2d: {  	s3 =	simm.s32 $0x108;
	s8 =	sld [smem:$0x3FB6]  }
0x2e: {  	s3 =	simm.s32 @!p0 $0x1082;
	s9 =	sld [smem:$0x3FB7]  }
0x2f: {  	lr =	sadd.s32 s0, s3;
	s0 =	sld [smem:$0x3FAE]  }
0x30: {  	s3 =	sld [smem:$0x3FB1]  }
0x31: {  	[smem:$0x3FBA] =	sst s10  }
0x32: {  	s10 =	sld [smem:$0x3FB8];
	_ =	sdelay $0x3  }
0x33: {  	p0 =	seq.s32 s10, $0x1;
	s10 =	sld [smem:$0x3FBA];
	_ =	sdelay $0x3  }
0x34: {  	[smem:$0x3FBA] =	sst s10  }
0x35: {  	s10 =	sld [smem:$0x3FB9];
	_ =	sdelay $0x3  }
0x36: {  	p1 =	seq.s32 s10, $0x1;
	s10 =	sld [smem:$0x3FBA];
	_ =	sdelay $0x3  }
0x37: {  	[smem:$0x3FBA] =	sst s10  }
0x38: {  	s10 =	sld [smem:$0x3FBB]  }
0x39: {  	_ = 	snop;
	(pc) =	sbr.ind lr, $3  }
0x3a: {  	_ = 	snop  }
0x3b: {  	_ = 	snop  }
0x3c: {  	p2 =	seq.s32 s10, $0x1;
	s10 =	sld [smem:$0x3FBA]  }
0x3d: {  	_ =	shalt  }
0x3e: {  	_ =	shalt  }
0x3f: {  	_ =	shalt  }
0x40: {  	_ =	shalt  }
0x41: {  	_ =	shalt  }
0x42: {  	_ =	shalt  }
0x43: {  	_ =	shalt  }
0x44: {  	_ =	shalt  }
0x45: {  	_ =	shalt  }
0x46: {  	_ =	shalt  }
0x47: {  	_ =	shalt  }
0x48: {  	_ =	shalt  }
0x49: {  	_ =	shalt  }
0x4a: {  	_ =	shalt  }
0x4b: {  	_ =	shalt  }
0x4c: {  	_ =	shalt  }
0x4d: {  	_ =	shalt  }
0x4e: {  	_ =	shalt  }
0x4f: {  	_ =	shalt  }
0x50: {  	_ =	shalt  }
0x51: {  	_ =	shalt  }
0x52: {  	_ =	shalt  }
0x53: {  	_ =	shalt  }
0x54: {  	_ =	shalt  }
0x55: {  	_ =	shalt  }
0x56: {  	_ =	shalt  }
0x57: {  	_ =	shalt  }
0x58: {  	_ =	shalt  }
0x59: {  	_ =	shalt  }
0x5a: {  	_ =	shalt  }
0x5b: {  	_ =	shalt  }
0x5c: {  	_ =	shalt  }
0x5d: {  	_ =	shalt  }
0x5e: {  	_ =	shalt  }
0x5f: {  	_ =	shalt  }
0x60: {  	_ =	shalt  }
0x61: {  	_ =	shalt  }
0x62: {  	_ =	shalt  }
0x63: {  	_ =	shalt  }
0x64: {  	_ =	shalt  }
0x65: {  	_ =	shalt  }
0x66: {  	_ =	shalt  }
0x67: {  	_ =	shalt  }
0x68: {  	_ =	shalt  }
0x69: {  	_ =	shalt  }
0x6a: {  	_ =	shalt  }
0x6b: {  	_ =	shalt  }
0x6c: {  	_ =	shalt  }
0x6d: {  	_ =	shalt  }
0x6e: {  	_ =	shalt  }
0x6f: {  	_ =	shalt  }
0x70: {  	_ =	shalt  }
0x71: {  	_ =	shalt  }
0x72: {  	_ =	shalt  }
0x73: {  	_ =	shalt  }
0x74: {  	_ =	shalt  }
0x75: {  	_ =	shalt  }
0x76: {  	_ =	shalt  }
0x77: {  	_ =	shalt  }
0x78: {  	_ =	shalt  }
0x79: {  	_ =	shalt  }
0x7a: {  	_ =	shalt  }
0x7b: {  	_ =	shalt  }
0x7c: {  	_ =	shalt  }
0x7d: {  	_ =	shalt  }
0x7e: {  	_ =	shalt  }
0x7f: {  	_ =	shalt  }
0x80: {  	_ =	shalt  }
0x81: {  	_ =	shalt  }
0x82: {  	_ =	shalt  }
0x83: {  	_ =	shalt  }
0x84: {  	_ =	shalt  }
0x85: {  	_ =	shalt  }
0x86: {  	_ =	shalt  }
0x87: {  	_ =	shalt  }
.Lfunc_end0:
.L_simem_size_0:
called_computation.1_lowered:
.L_overlay_start_0:
0x88: {  	s2 =	sld [smem:$0x3FD9]  }
0x89: {  	s3 =	sld [smem:$0x3FFE];
	_ =	sdelay $0x1  }
0x8a: {  	s1 =	srdreg.scid  }
0x8b: {  	s0 =	sand.u32 $0x1, s1  }
0x8c: {  	s17 =	sshll.u32 s0, $0xA;
	s2 =	sadd.s32 s3, s2  }
0x8d: {  	s2 =	sadd.s32 s2, s17  }
0x8e: {  	[smem:$0x3FC6] =	sst s2  }
0x8f: {  	_ = 	snop  }
0x90: {  	s2 =	sld [smem:$0x3FC9]  }
0x91: {  	s18 =	sld [smem:$0x3FD0];
	(tm) =	ssettm $0x1  }
0x92: {  	s4 =	sld [smem:$0x3FFB];
	_ =	sdelay $0x3  }
0x93: {  	_ =	strace s4  }
0x94: {  	s4 =	sld [smem:$0x3FFC];
	_ =	sdelay $0x3  }
0x95: {  	_ =	strace s4  }
0x96: {  	s4 =	sld [smem:$0x3FFD];
	_ =	sdelay $0x3  }
0x97: {  	_ =	strace s4  }
0x98: {  	_ =	strace $0x8FFFFFFF  }
0x99: {  	s19 =	sld [smem:$0x3FDB];
	_ =	sdelay $0x1  }
0x9a: {  	s5 =	simm.s32 $_scs_section_size  }
0x9b: {  	s6 =	simm.s32 $_size__tile_overlayer_lowered;
	s7 =	simm.s32 $_tile_overlayer_lowered  }
0x9c: {  	s22 =	simm.s32 $0x1BFF;
	s21 =	sshll.u32 s7, $0x1;
	s4 =	sadd.s32 s5, s19  }
0x9d: {  	s8 =	simm.s32 $0x0;
	s20 =	sshll.u32 s6, $0x1;
	s6 =	sadd.s32 s21, s4  }
0x9e: {  	[timem:s8], [sflag:s22] =	dma.local [hbm:s6], s20  }
0x9f: {  	_ =	swait.ge [sflag:s22], s20  }
0xa0: {  	s5 =	ssub.s32 $0x0, s20;
	[sflag:s22] =	ssyncset.done $0x0  }
0xa1: {  	[sflag:s22] =	ssyncadd.s32 s5;
	_ =	sdelay $0x1  }
0xa2: {  	s23 =	simm.s32 $0x1B8B  }
0xa3: {  	_ =	swait.ge [sflag:s23], $0x1  }
0xa4: {  	[sflag:s23] =	ssyncset.done $0x0  }
0xa5: {  	s25 =	simm.s32 $0x1B8E;
	s24 =	sld [smem:$0x3FFE];
	[sflag:s23] =	ssyncadd.s32 $0xFFFFFFFF  }
0xa6: {  	s26 =	simm.s32 $execute0_lowered;
	[smem:$0x3FD2] =	sst s25  }
0xa7: {  	s6 =	sshll.u32 s26, $0x1;
	_ =	strace $0x80000049;
	[dreg:$0x1] =	wrdreg $0xFFFFFFFF  }
0xa8: {  	s28 =	simm.s32 $_size_execute0_lowered;
	s4 =	sadd.s32 s4, s6;
	[dreg:$0x0] =	wrdreg $0x0  }
0xa9: {  	s6 =	sshll.u32 s28, $0x1;
	[dreg:$0x2] =	wrdreg s4  }
0xaa: {  	[dreg:$0x3] =	wrdreg s6  }
0xab: {  	[dreg:$0x4] =	wrdreg $0xC0  }
0xac: {  	_ =	task [dreg:s8], $0x5FFFF  }
0xad: {  	[dreg:$0x1] =	wrdreg $0xFFFFFFFF  }
0xae: {  	[dreg:$0x0] =	wrdreg $0x60  }
0xaf: {  	[dreg:$0x2] =	wrdreg s2  }
0xb0: {  	[dreg:$0x3] =	wrdreg s24  }
0xb1: {  	[dreg:$0x4] =	wrdreg s18  }
0xb2: {  	[dreg:$0x5] =	wrdreg $0x9  }
0xb3: {  	_ =	task.clear_ibuf [dreg:s8], $0x6FFFF;
	_ =	strace $0x90000049  }
0xb4: {  	s29 =	simm.s32 $0x9;
	_ =	strace $0x8000004B  }
0xb5: {  	_ =	swait.ge [sflag:s29], $0x1  }
0xb6: {  	[sflag:s29] =	ssyncadd.s32 $0xFFFFFFFF  }
0xb7: {  	_ =	strace $0x9000004B  }
0xb8: {  	_ =	sfence  }
0xb9: {  	s30 =	sld [smem:$0x0];
	_ =	sdelay $0x2  }
0xba: {  	s31 =	sshll.u32 s1, $0xD;
	s1 =	sshrl.u32 s1, $0x2  }
0xbb: {  	s3 =	sand.u32 $0x4000, s31;
	s1 =	sadd.s32 s1, s30  }
0xbc: {  	s0 =	sor.u32 s3, s0;
	s1 =	sshll.u32 s1, $0x11  }
0xbd: {  	s0 =	sor.u32 s1, s0  }
0xbe: {  	s0 =	sadd.s32 $0x8F2B, s0  }
0xbf: {  	[sflag:s0] =	ssyncadd.remote.s32 $0x1  }
0xc0: {  	_ =	sfence.sel $0xFFFF  }
0xc1: {  	[dreg:$0x0] =	wrdreg $0xFFFFFFFF;
	(pc) =	sbr.abs _section_cstart, $3  }
0xc2: {  	[dreg:$0x1] =	wrdreg $0xFFFFFFFF  }
0xc3: {  	_ =	task.clear_ibuf [dreg:s8], $0x2FFFF;
	_ =	strace $0x9FFFFFFF  }
0xc4: {  	(tm) =	ssettm $0x7FFFFFFF  }
0xc5: {  	_ =	shalt  }
tec
execute0_lowered:
.L_overlay_start_1:
0x0: {  	(tag) =	ssettag $0x1  }
0x1: {  	s1 =	rddreg [dreg:$0x0]  }
0x2: {  	s4 =	rddreg [dreg:$0x1]  }
0x3: {  	s2 =	rddreg [dreg:$0x2]  }
0x4: {  	s0 =	rddreg [dreg:$0x3]  }
0x5: {  	s3 =	simm.s32 $0x0;
	s5 =	srdreg.scid;
	s11 =	simm.s32 $0x400  }
0x6: {  	s12 =	simm.s32 $0x800;
	s13 =	simm.s32 $0x1;
	s14 =	simm.s32 $0x4800  }
0x7: {  	s15 =	simm.s32 $0x8800;
	s16 =	simm.s32 $0x2;
	s17 =	simm.s32 $0x32000  }
0x8: {  	[smem:$0x7FF] =	sst s3;
	s6 =	sand.u32 $0x1, s5;
	s5 =	sadd.s32 $0x800, s4  }
0x9: {  	s4 =	stileid.u32;
	_ =	strace $0x8000004A;
	s7 =	ssub.s32 $0x2, s6  }
0xa: {  	s31 =	sshrl.u32 s4, $0x2;
	s9 =	sshll.u32 s4, $0xB;
	s10 =	sshll.u32 s6, $0xA  }
0xb: {  	s6 =	simm.s32 $0x7;
	s8 =	sshrl.u32 s7, $0x1;
	p0 =	seq.s32 s31, $0x0  }
0xc: {  	s9 =	sand.u32 $0x1800, s9;
	s8 =	ssub.s32 s7, s8;
	s7 =	sshll.u32 s31, $0xD  }
0xd: {  	s9 =	sor.u32 s10, s9;
	s6 =	simm.s32 @!p0 $0x6;
	s10 =	simm.s32 $0x80  }
0xe: {  	v0 =	vlaneseq.u32;
	s7 =	sor.u32 s9, s7;
	s8 =	smax.u32 s8, $0x1;
	s9 =	simm.s32 $0x3  }
.LBB2_1:
0xf: {  	s18 =	simm.s32 $0x0  }
.LBB2_2:
0x10: {  	s19 =	sshll.u32 s18, $0xF  }
0x11: {  	s19 =	sor.u32 s7, s19  }
0x12: {  	s19 =	sshrl.u32 s19, $0x3  }
0x13: {  	s20 =	simm.s32 $0x0;
	s21 =	sadd.s32 s1, s19  }
0x14: {  	[tilespmem:s20], [sflag:$0x3] =	stream.linear.gather [hbm4b:s21+s20], $0x400, $0x38;
	[tilespmem:$0x18800] =	vst v63  }
0x15: {  	_ =	swait.ge [sflag:s9], $0x400  }
0x16: {  	[sflag:s9] =	ssyncset.done $0x0  }
0x17: {  	[sflag:s9] =	ssyncadd.s32 $0xFFFFFC00  }
0x18: {  	v1 =	vld [tilespmem:$0x0]  }
0x19: {  	v2 =	vld [tilespmem:$0x10]  }
0x1a: {  	v3 =	vld [tilespmem:$0x20]  }
0x1b: {  	v4 =	vld [tilespmem:$0x30]  }
0x1c: {  	v5 =	vld [tilespmem:$0x40]  }
0x1d: {  	v6 =	vld [tilespmem:$0x50];
	v1 =	vshrl.u32 v1, $0x1  }
0x1e: {  	[tilespmem:$0x400] =	vst v1;
	v1 =	vshrl.u32 v2, $0x1;
	v2 =	vld [tilespmem:$0x60]  }
0x1f: {  	[tilespmem:$0x410] =	vst v1;
	v1 =	vshrl.u32 v3, $0x1;
	v3 =	vld [tilespmem:$0x70]  }
0x20: {  	v30 =	vld [tilespmem:$0x80];
	[tilespmem:$0x420] =	vst v1;
	v1 =	vshrl.u32 v4, $0x1  }
0x21: {  	v31 =	vld [tilespmem:$0x90];
	[tilespmem:$0x430] =	vst v1;
	v1 =	vshrl.u32 v5, $0x1  }
0x22: {  	v32 =	vld [tilespmem:$0xA0];
	[tilespmem:$0x440] =	vst v1;
	v1 =	vshrl.u32 v6, $0x1  }
0x23: {  	[tilespmem:$0x450] =	vst v1;
	v1 =	vshrl.u32 v2, $0x1;
	v2 =	vld [tilespmem:$0xB0]  }
0x24: {  	[tilespmem:$0x460] =	vst v1;
	v1 =	vshrl.u32 v3, $0x1;
	v3 =	vld [tilespmem:$0xC0]  }
0x25: {  	v33 =	vld [tilespmem:$0xD0];
	[tilespmem:$0x470] =	vst v1;
	v1 =	vshrl.u32 v30, $0x1  }
0x26: {  	v34 =	vld [tilespmem:$0xE0];
	[tilespmem:$0x480] =	vst v1;
	v1 =	vshrl.u32 v31, $0x1  }
0x27: {  	v35 =	vld [tilespmem:$0xF0];
	[tilespmem:$0x490] =	vst v1;
	v1 =	vshrl.u32 v32, $0x1  }
0x28: {  	[tilespmem:$0x4A0] =	vst v1;
	v1 =	vshrl.u32 v2, $0x1;
	v2 =	vld [tilespmem:$0x100]  }
0x29: {  	[tilespmem:$0x4B0] =	vst v1;
	v1 =	vshrl.u32 v3, $0x1;
	v3 =	vld [tilespmem:$0x110]  }
0x2a: {  	v36 =	vld [tilespmem:$0x120];
	[tilespmem:$0x4C0] =	vst v1;
	v1 =	vshrl.u32 v33, $0x1  }
0x2b: {  	v37 =	vld [tilespmem:$0x130];
	[tilespmem:$0x4D0] =	vst v1;
	v1 =	vshrl.u32 v34, $0x1  }
0x2c: {  	v38 =	vld [tilespmem:$0x140];
	[tilespmem:$0x4E0] =	vst v1;
	v1 =	vshrl.u32 v35, $0x1  }
0x2d: {  	[tilespmem:$0x4F0] =	vst v1;
	v1 =	vshrl.u32 v2, $0x1;
	v2 =	vld [tilespmem:$0x150]  }
0x2e: {  	[tilespmem:$0x500] =	vst v1;
	v1 =	vshrl.u32 v3, $0x1;
	v3 =	vld [tilespmem:$0x160]  }
0x2f: {  	v39 =	vld [tilespmem:$0x170];
	[tilespmem:$0x510] =	vst v1;
	v1 =	vshrl.u32 v36, $0x1  }
0x30: {  	v40 =	vld [tilespmem:$0x180];
	[tilespmem:$0x520] =	vst v1;
	v1 =	vshrl.u32 v37, $0x1  }
0x31: {  	v41 =	vld [tilespmem:$0x190];
	[tilespmem:$0x530] =	vst v1;
	v1 =	vshrl.u32 v38, $0x1  }
0x32: {  	[tilespmem:$0x540] =	vst v1;
	v1 =	vshrl.u32 v2, $0x1;
	v2 =	vld [tilespmem:$0x1A0]  }
0x33: {  	[tilespmem:$0x550] =	vst v1;
	v1 =	vshrl.u32 v3, $0x1;
	v3 =	vld [tilespmem:$0x1B0]  }
0x34: {  	v42 =	vld [tilespmem:$0x1C0];
	[tilespmem:$0x560] =	vst v1;
	v1 =	vshrl.u32 v39, $0x1  }
0x35: {  	v43 =	vld [tilespmem:$0x1D0];
	[tilespmem:$0x570] =	vst v1;
	v1 =	vshrl.u32 v40, $0x1  }
0x36: {  	v44 =	vld [tilespmem:$0x1E0];
	[tilespmem:$0x580] =	vst v1;
	v1 =	vshrl.u32 v41, $0x1  }
0x37: {  	[tilespmem:$0x590] =	vst v1;
	v1 =	vshrl.u32 v2, $0x1;
	v2 =	vld [tilespmem:$0x1F0]  }
0x38: {  	[tilespmem:$0x5A0] =	vst v1;
	v1 =	vshrl.u32 v3, $0x1;
	v3 =	vld [tilespmem:$0x200]  }
0x39: {  	v45 =	vld [tilespmem:$0x210];
	[tilespmem:$0x5B0] =	vst v1;
	v1 =	vshrl.u32 v42, $0x1  }
0x3a: {  	v46 =	vld [tilespmem:$0x220];
	[tilespmem:$0x5C0] =	vst v1;
	v1 =	vshrl.u32 v43, $0x1  }
0x3b: {  	v47 =	vld [tilespmem:$0x230];
	[tilespmem:$0x5D0] =	vst v1;
	v1 =	vshrl.u32 v44, $0x1  }
0x3c: {  	[tilespmem:$0x5E0] =	vst v1;
	v1 =	vshrl.u32 v2, $0x1;
	v2 =	vld [tilespmem:$0x240]  }
0x3d: {  	[tilespmem:$0x5F0] =	vst v1;
	v1 =	vshrl.u32 v3, $0x1;
	v3 =	vld [tilespmem:$0x250]  }
0x3e: {  	v48 =	vld [tilespmem:$0x260];
	[tilespmem:$0x600] =	vst v1;
	v1 =	vshrl.u32 v45, $0x1  }
0x3f: {  	v49 =	vld [tilespmem:$0x270];
	[tilespmem:$0x610] =	vst v1;
	v1 =	vshrl.u32 v46, $0x1  }
0x40: {  	v50 =	vld [tilespmem:$0x280];
	[tilespmem:$0x620] =	vst v1;
	v1 =	vshrl.u32 v47, $0x1  }
0x41: {  	[tilespmem:$0x630] =	vst v1;
	v1 =	vshrl.u32 v2, $0x1;
	v2 =	vld [tilespmem:$0x290]  }
0x42: {  	[tilespmem:$0x640] =	vst v1;
	v1 =	vshrl.u32 v3, $0x1;
	v3 =	vld [tilespmem:$0x2A0]  }
0x43: {  	v51 =	vld [tilespmem:$0x2B0];
	[tilespmem:$0x650] =	vst v1;
	v1 =	vshrl.u32 v48, $0x1  }
0x44: {  	v52 =	vld [tilespmem:$0x2C0];
	[tilespmem:$0x660] =	vst v1;
	v1 =	vshrl.u32 v49, $0x1  }
0x45: {  	v53 =	vld [tilespmem:$0x2D0];
	[tilespmem:$0x670] =	vst v1;
	v1 =	vshrl.u32 v50, $0x1  }
0x46: {  	[tilespmem:$0x680] =	vst v1;
	v1 =	vshrl.u32 v2, $0x1;
	v2 =	vld [tilespmem:$0x2E0]  }
0x47: {  	[tilespmem:$0x690] =	vst v1;
	v1 =	vshrl.u32 v3, $0x1;
	v3 =	vld [tilespmem:$0x2F0]  }
0x48: {  	v54 =	vld [tilespmem:$0x300];
	[tilespmem:$0x6A0] =	vst v1;
	v1 =	vshrl.u32 v51, $0x1  }
0x49: {  	v55 =	vld [tilespmem:$0x310];
	[tilespmem:$0x6B0] =	vst v1;
	v1 =	vshrl.u32 v52, $0x1  }
0x4a: {  	v56 =	vld [tilespmem:$0x320];
	[tilespmem:$0x6C0] =	vst v1;
	v1 =	vshrl.u32 v53, $0x1  }
0x4b: {  	[tilespmem:$0x6D0] =	vst v1;
	v1 =	vshrl.u32 v2, $0x1;
	v2 =	vld [tilespmem:$0x330]  }
0x4c: {  	[tilespmem:$0x6E0] =	vst v1;
	v1 =	vshrl.u32 v3, $0x1;
	v3 =	vld [tilespmem:$0x340]  }
0x4d: {  	v57 =	vld [tilespmem:$0x350];
	[tilespmem:$0x6F0] =	vst v1;
	v1 =	vshrl.u32 v54, $0x1  }
0x4e: {  	v58 =	vld [tilespmem:$0x360];
	[tilespmem:$0x700] =	vst v1;
	v1 =	vshrl.u32 v55, $0x1  }
0x4f: {  	v59 =	vld [tilespmem:$0x370];
	[tilespmem:$0x710] =	vst v1;
	v1 =	vshrl.u32 v56, $0x1  }
0x50: {  	[tilespmem:$0x720] =	vst v1;
	v1 =	vshrl.u32 v2, $0x1;
	v2 =	vld [tilespmem:$0x380]  }
0x51: {  	[tilespmem:$0x730] =	vst v1;
	v1 =	vshrl.u32 v3, $0x1;
	v3 =	vld [tilespmem:$0x390]  }
0x52: {  	v60 =	vld [tilespmem:$0x3A0];
	[tilespmem:$0x740] =	vst v1;
	v1 =	vshrl.u32 v57, $0x1  }
0x53: {  	v61 =	vld [tilespmem:$0x3B0];
	[tilespmem:$0x750] =	vst v1;
	v1 =	vshrl.u32 v58, $0x1  }
0x54: {  	v62 =	vld [tilespmem:$0x3C0];
	[tilespmem:$0x760] =	vst v1;
	v1 =	vshrl.u32 v59, $0x1  }
0x55: {  	[tilespmem:$0x770] =	vst v1;
	v1 =	vshrl.u32 v2, $0x1;
	v2 =	vld [tilespmem:$0x3D0]  }
0x56: {  	[tilespmem:$0x780] =	vst v1;
	v1 =	vshrl.u32 v3, $0x1;
	v3 =	vld [tilespmem:$0x3E0]  }
0x57: {  	v63 =	vld [tilespmem:$0x3F0];
	[tilespmem:$0x790] =	vst v1;
	v1 =	vshrl.u32 v60, $0x1  }
0x58: {  	[tilespmem:$0x7A0] =	vst v1;
	v1 =	vshrl.u32 v61, $0x1  }
0x59: {  	[tilespmem:$0x7B0] =	vst v1;
	v1 =	vshrl.u32 v62, $0x1  }
0x5a: {  	[tilespmem:$0x7C0] =	vst v1;
	v1 =	vshrl.u32 v2, $0x1  }
0x5b: {  	[tilespmem:$0x7D0] =	vst v1;
	v1 =	vshrl.u32 v3, $0x1  }
0x5c: {  	[tilespmem:$0x7E0] =	vst v1;
	v1 =	vshrl.u32 v63, $0x1  }
0x5d: {  	[tilespmem:$0x7F0] =	vst v1  }
0x5e: {  	[tilespmem:s12], [sflag:$0x1] =	stream.indirect.gather [hbm4b:s5+s10], $0x80, s11, s10, $0xb8;
	[tilespmem:$0x18800] =	vst v63  }
.LBB2_3:
0x5f: {  	_ =	swait.ge [sflag:s13], $0x4000;
	s21 =	sshllo.u32 s20, $0x1  }
0x60: {  	[sflag:s13] =	ssyncset.done $0x0;
	s21 =	sshll.u32 s21, $0x7  }
0x61: {  	s23 =	sshll.u32 s20, $0x8;
	[sflag:s13] =	ssyncadd.s32 $0xFFFFC000;
	s22 =	sadd.s32 $0x400, s21  }
0x62: {  	[tilespmem:s14], [sflag:$0x2] =	stream.indirect.gather [hbm4b:s5+s10], $0x80, s22, s10, $0xb8;
	[tilespmem:$0x18800] =	vst v63  }
0x63: {  	v1 =	vmov s23;
	s22 =	sshll.u32 s20, $0xA  }
0x64: {  	v2 =	vor.u32 $0x4000, v1;
	s31 =	sshrl.u32 s22, $0x2  }
0x65: {  	s23 =	simm.s32 $0x0;
	v3 =	vor.u32 $0x8000, v1;
	v4 =	vor.u32 $0xC000, v1;
	v5 =	vmov s31  }
.LBB2_4:
0x66: {  	_ =	sdelay $0x2  }
0x67: {  	s24 =	sshll.u32 s23, $0x4  }
0x68: {  	v6 =	vld.idx.msk [tilespmem:v5+s24+$0x0 ss:$0x1], $0xffff;
	_ =	sdelay $0x3  }
0x69: {  	s25 =	simm.s32 $0x0  }
0x6a: {  	v11 =	vadd.s32 s25, v0;
	v6 =	vshll.u32 v6, $0x6  }
0x6b: {  	v14 =	vor.u32 s24, v0;
	v9 =	vand.u32 $0xF, v11;
	v6 =	vand.u32 $0x40, v6  }
0x6c: {  	v8 =	vshll.u32 v14, $0x7;
	v15 =	vor.u32 v6, v9  }
0x6d: {  	v10 =	vor.u32 v8, v15;
	_ =	sdelay $0x3  }
0x6e: {  	v7 =	vor.u32 v1, v14;
	v16 =	vshll.u32 v9, $0xA  }
0x6f: {  	v13 =	vor.u32 v16, v7;
	v9 =	vor.u32 $0x10, v8;
	v12 =	vld.idx.msk [tilespmem:v10+s12+$0x0], $0xffff  }
0x70: {  	v17 =	vor.u32 v15, v9;
	_ =	sdelay $0x3  }
0x71: {  	v18 =	vshll.u32 v11, $0xA;
	v10 =	vor.u32 v2, v14;
	[tilespmem:v13+s15+$0x0] =	vst.idx.msk $0xffff, v12  }
0x72: {  	v11 =	vor.u32 $0x20, v8;
	v13 =	vld.idx.msk [tilespmem:v17+s12+$0x0], $0xffff;
	v17 =	vor.u32 v18, v10  }
0x73: {  	v19 =	vor.u32 v15, v11;
	_ =	sdelay $0x3  }
0x74: {  	v12 =	vor.u32 v3, v14;
	[tilespmem:v17+s15+$0x0] =	vst.idx.msk $0xffff, v13  }
0x75: {  	v16 =	vor.u32 v16, v12;
	v13 =	vor.u32 $0x30, v8;
	v17 =	vld.idx.msk [tilespmem:v19+s12+$0x0], $0xffff  }
0x76: {  	v15 =	vor.u32 v15, v13;
	_ =	sdelay $0x1  }
0x77: {  	s29 =	simm.s32 $0x1  }
0x78: {  	v19 =	vadd.s32 s29, v0  }
0x79: {  	v14 =	vor.u32 v4, v14;
	[tilespmem:v16+s15+$0x0] =	vst.idx.msk $0xffff, v17;
	v16 =	vand.u32 $0xF, v19  }
0x7a: {  	v17 =	vor.u32 v18, v14;
	v15 =	vld.idx.msk [tilespmem:v15+s12+$0x0], $0xffff;
	v18 =	vor.u32 v6, v16  }
0x7b: {  	v19 =	vor.u32 v8, v18;
	_ =	sdelay $0x3  }
0x7c: {  	[tilespmem:v17+s15+$0x0] =	vst.idx.msk $0xffff, v15;
	v15 =	vshll.u32 v16, $0xA  }
0x7d: {  	v16 =	vld.idx.msk [tilespmem:v19+s12+$0x0], $0xffff;
	v17 =	vor.u32 v15, v7  }
0x7e: {  	v19 =	vor.u32 v18, v9;
	_ =	sdelay $0x3  }
0x7f: {  	[tilespmem:v17+s15+$0x0] =	vst.idx.msk $0xffff, v16  }
0x80: {  	v17 =	vor.u32 v15, v10;
	v16 =	vld.idx.msk [tilespmem:v19+s12+$0x0], $0xffff  }
0x81: {  	v19 =	vor.u32 v18, v11;
	_ =	sdelay $0x3  }
0x82: {  	[tilespmem:v17+s15+$0x0] =	vst.idx.msk $0xffff, v16  }
0x83: {  	v17 =	vor.u32 v15, v12;
	v16 =	vld.idx.msk [tilespmem:v19+s12+$0x0], $0xffff  }
0x84: {  	v18 =	vor.u32 v18, v13;
	_ =	sdelay $0x1  }
0x85: {  	s30 =	simm.s32 $0x2  }
0x86: {  	v19 =	vadd.s32 s30, v0  }
0x87: {  	[tilespmem:v17+s15+$0x0] =	vst.idx.msk $0xffff, v16;
	v16 =	vand.u32 $0xF, v19  }
0x88: {  	v15 =	vor.u32 v15, v14;
	v17 =	vld.idx.msk [tilespmem:v18+s12+$0x0], $0xffff;
	v18 =	vor.u32 v6, v16  }
0x89: {  	v19 =	vor.u32 v8, v18;
	_ =	sdelay $0x3  }
0x8a: {  	[tilespmem:v15+s15+$0x0] =	vst.idx.msk $0xffff, v17;
	v15 =	vshll.u32 v16, $0xA  }
0x8b: {  	v16 =	vld.idx.msk [tilespmem:v19+s12+$0x0], $0xffff;
	v17 =	vor.u32 v15, v7  }
0x8c: {  	v19 =	vor.u32 v18, v9;
	_ =	sdelay $0x3  }
0x8d: {  	[tilespmem:v17+s15+$0x0] =	vst.idx.msk $0xffff, v16  }
0x8e: {  	v17 =	vor.u32 v15, v10;
	v16 =	vld.idx.msk [tilespmem:v19+s12+$0x0], $0xffff  }
0x8f: {  	v19 =	vor.u32 v18, v11;
	_ =	sdelay $0x3  }
0x90: {  	[tilespmem:v17+s15+$0x0] =	vst.idx.msk $0xffff, v16  }
0x91: {  	v17 =	vor.u32 v15, v12;
	v16 =	vld.idx.msk [tilespmem:v19+s12+$0x0], $0xffff  }
0x92: {  	v18 =	vor.u32 v18, v13;
	_ =	sdelay $0x1  }
0x93: {  	s31 =	simm.s32 $0x3  }
0x94: {  	v19 =	vadd.s32 s31, v0  }
0x95: {  	[tilespmem:v17+s15+$0x0] =	vst.idx.msk $0xffff, v16;
	v16 =	vand.u32 $0xF, v19  }
0x96: {  	v15 =	vor.u32 v15, v14;
	v17 =	vld.idx.msk [tilespmem:v18+s12+$0x0], $0xffff;
	v18 =	vor.u32 v6, v16  }
0x97: {  	v19 =	vor.u32 v8, v18;
	_ =	sdelay $0x3  }
0x98: {  	[tilespmem:v15+s15+$0x0] =	vst.idx.msk $0xffff, v17;
	v15 =	vshll.u32 v16, $0xA  }
0x99: {  	v16 =	vld.idx.msk [tilespmem:v19+s12+$0x0], $0xffff;
	v17 =	vor.u32 v15, v7  }
0x9a: {  	v19 =	vor.u32 v18, v9;
	_ =	sdelay $0x3  }
0x9b: {  	[tilespmem:v17+s15+$0x0] =	vst.idx.msk $0xffff, v16  }
0x9c: {  	v17 =	vor.u32 v15, v10;
	v16 =	vld.idx.msk [tilespmem:v19+s12+$0x0], $0xffff  }
0x9d: {  	v19 =	vor.u32 v18, v11;
	_ =	sdelay $0x3  }
0x9e: {  	[tilespmem:v17+s15+$0x0] =	vst.idx.msk $0xffff, v16  }
0x9f: {  	v20 =	vor.u32 v15, v12;
	v19 =	vld.idx.msk [tilespmem:v19+s12+$0x0], $0xffff  }
0xa0: {  	v17 =	vor.u32 v18, v13;
	_ =	sdelay $0x2  }
0xa1: {  	s24 =	simm.s32 $0x4  }
0xa2: {  	s25 =	simm.s32 $0x8;
	v16 =	vadd.s32 s24, v0;
	[tilespmem:v20+s15+$0x0] =	vst.idx.msk $0xffff, v19  }
.LBB2_5:
0xa3: {  	p0 =	slt.u32 s25, $0xC;
	v18 =	vand.u32 $0xF, v16;
	v17 =	vld.idx.msk [tilespmem:v17+s12+$0x0], $0xffff  }
0xa4: {  	v15 =	vor.u32 v15, v14;
	v19 =	vor.u32 v6, v18  }
0xa5: {  	v20 =	vor.u32 v8, v19;
	_ =	sdelay $0x3  }
0xa6: {  	[tilespmem:v15+s15+$0x0] =	vst.idx.msk $0xffff, v17  }
0xa7: {  	v17 =	vshll.u32 v18, $0xA;
	v15 =	vld.idx.msk [tilespmem:v20+s12+$0x0], $0xffff  }
0xa8: {  	v18 =	vor.u32 v17, v7  }
0xa9: {  	v20 =	vor.u32 v19, v9;
	_ =	sdelay $0x3  }
0xaa: {  	[tilespmem:v18+s15+$0x0] =	vst.idx.msk $0xffff, v15  }
0xab: {  	v16 =	vshll.u32 v16, $0xA;
	v15 =	vld.idx.msk [tilespmem:v20+s12+$0x0], $0xffff  }
0xac: {  	v18 =	vor.u32 v16, v10  }
0xad: {  	v20 =	vor.u32 v19, v11;
	_ =	sdelay $0x3  }
0xae: {  	[tilespmem:v18+s15+$0x0] =	vst.idx.msk $0xffff, v15  }
0xaf: {  	v15 =	vld.idx.msk [tilespmem:v20+s12+$0x0], $0xffff  }
0xb0: {  	v17 =	vor.u32 v17, v12  }
0xb1: {  	v18 =	vor.u32 v19, v13;
	_ =	sdelay $0x2  }
0xb2: {  	s26 =	sadd.s32 $0x1, s24  }
0xb3: {  	[tilespmem:v17+s15+$0x0] =	vst.idx.msk $0xffff, v15;
	v15 =	vadd.s32 s26, v0  }
0xb4: {  	v17 =	vld.idx.msk [tilespmem:v18+s12+$0x0], $0xffff;
	v15 =	vand.u32 $0xF, v15  }
0xb5: {  	v16 =	vor.u32 v16, v14;
	v18 =	vor.u32 v6, v15  }
0xb6: {  	v19 =	vor.u32 v8, v18;
	_ =	sdelay $0x3  }
0xb7: {  	[tilespmem:v16+s15+$0x0] =	vst.idx.msk $0xffff, v17  }
0xb8: {  	v15 =	vshll.u32 v15, $0xA;
	v16 =	vld.idx.msk [tilespmem:v19+s12+$0x0], $0xffff  }
0xb9: {  	v17 =	vor.u32 v15, v7  }
0xba: {  	v19 =	vor.u32 v18, v9;
	_ =	sdelay $0x3  }
0xbb: {  	[tilespmem:v17+s15+$0x0] =	vst.idx.msk $0xffff, v16  }
0xbc: {  	v16 =	vld.idx.msk [tilespmem:v19+s12+$0x0], $0xffff  }
0xbd: {  	v17 =	vor.u32 v15, v10  }
0xbe: {  	v19 =	vor.u32 v18, v11;
	_ =	sdelay $0x3  }
0xbf: {  	[tilespmem:v17+s15+$0x0] =	vst.idx.msk $0xffff, v16  }
0xc0: {  	v16 =	vld.idx.msk [tilespmem:v19+s12+$0x0], $0xffff  }
0xc1: {  	v17 =	vor.u32 v15, v12  }
0xc2: {  	v18 =	vor.u32 v18, v13;
	_ =	sdelay $0x2  }
0xc3: {  	s26 =	sadd.s32 $0x2, s24  }
0xc4: {  	[tilespmem:v17+s15+$0x0] =	vst.idx.msk $0xffff, v16;
	v16 =	vadd.s32 s26, v0  }
0xc5: {  	v17 =	vld.idx.msk [tilespmem:v18+s12+$0x0], $0xffff;
	v16 =	vand.u32 $0xF, v16  }
0xc6: {  	v15 =	vor.u32 v15, v14;
	v18 =	vor.u32 v6, v16  }
0xc7: {  	v19 =	vor.u32 v8, v18;
	_ =	sdelay $0x3  }
0xc8: {  	[tilespmem:v15+s15+$0x0] =	vst.idx.msk $0xffff, v17  }
0xc9: {  	v16 =	vshll.u32 v16, $0xA;
	v15 =	vld.idx.msk [tilespmem:v19+s12+$0x0], $0xffff  }
0xca: {  	v17 =	vor.u32 v16, v7  }
0xcb: {  	v19 =	vor.u32 v18, v9;
	_ =	sdelay $0x3  }
0xcc: {  	[tilespmem:v17+s15+$0x0] =	vst.idx.msk $0xffff, v15  }
0xcd: {  	v15 =	vld.idx.msk [tilespmem:v19+s12+$0x0], $0xffff  }
0xce: {  	v17 =	vor.u32 v16, v10  }
0xcf: {  	v19 =	vor.u32 v18, v11;
	_ =	sdelay $0x3  }
0xd0: {  	[tilespmem:v17+s15+$0x0] =	vst.idx.msk $0xffff, v15  }
0xd1: {  	v15 =	vld.idx.msk [tilespmem:v19+s12+$0x0], $0xffff  }
0xd2: {  	v17 =	vor.u32 v16, v12  }
0xd3: {  	v18 =	vor.u32 v18, v13;
	_ =	sdelay $0x2  }
0xd4: {  	s26 =	sadd.s32 $0x3, s24;
	s24 =	smov.u32 s25  }
0xd5: {  	[tilespmem:v17+s15+$0x0] =	vst.idx.msk $0xffff, v15;
	v15 =	vadd.s32 s26, v0  }
0xd6: {  	v17 =	vld.idx.msk [tilespmem:v18+s12+$0x0], $0xffff;
	v15 =	vand.u32 $0xF, v15  }
0xd7: {  	v16 =	vor.u32 v16, v14;
	v18 =	vor.u32 v6, v15  }
0xd8: {  	v19 =	vor.u32 v8, v18;
	_ =	sdelay $0x3  }
0xd9: {  	[tilespmem:v16+s15+$0x0] =	vst.idx.msk $0xffff, v17  }
0xda: {  	v15 =	vshll.u32 v15, $0xA;
	v16 =	vld.idx.msk [tilespmem:v19+s12+$0x0], $0xffff  }
0xdb: {  	v17 =	vor.u32 v15, v7  }
0xdc: {  	v19 =	vor.u32 v18, v9;
	_ =	sdelay $0x3  }
0xdd: {  	[tilespmem:v17+s15+$0x0] =	vst.idx.msk $0xffff, v16  }
0xde: {  	v16 =	vld.idx.msk [tilespmem:v19+s12+$0x0], $0xffff  }
0xdf: {  	v17 =	vor.u32 v15, v10  }
0xe0: {  	v19 =	vor.u32 v18, v11;
	_ =	sdelay $0x3  }
0xe1: {  	[tilespmem:v17+s15+$0x0] =	vst.idx.msk $0xffff, v16  }
0xe2: {  	v19 =	vld.idx.msk [tilespmem:v19+s12+$0x0], $0xffff  }
0xe3: {  	v20 =	vor.u32 v15, v12  }
.Ltmp0:
0xe4: {  	v17 =	vor.u32 v18, v13;
	(pc) =	sbr.rel @p0 .LBB2_5-.Ltmp0, $2  }
0xe5: {  	_ =	sdelay $0x2  }
0xe6: {  	s25 =	sadd.s32 $0x4, s25;
	v16 =	vadd.s32 s24, v0;
	[tilespmem:v20+s15+$0x0] =	vst.idx.msk $0xffff, v19  }
0xe7: {  	_ =	sdelay $0x2  }
0xe8: {  	v18 =	vand.u32 $0xF, v16  }
0xe9: {  	v17 =	vld.idx.msk [tilespmem:v17+s12+$0x0], $0xffff;
	v15 =	vor.u32 v15, v14;
	v19 =	vor.u32 v6, v18  }
0xea: {  	v20 =	vor.u32 v8, v19;
	_ =	sdelay $0x3  }
0xeb: {  	v30 =	vshll.u32 v18, $0xA;
	[tilespmem:v15+s15+$0x0] =	vst.idx.msk $0xffff, v17  }
0xec: {  	v18 =	vor.u32 v30, v7;
	v17 =	vld.idx.msk [tilespmem:v20+s12+$0x0], $0xffff  }
0xed: {  	v31 =	vor.u32 v19, v9;
	_ =	sdelay $0x3  }
0xee: {  	v32 =	vshll.u32 v16, $0xA;
	[tilespmem:v18+s15+$0x0] =	vst.idx.msk $0xffff, v17  }
0xef: {  	v33 =	vor.u32 v32, v10;
	v17 =	vld.idx.msk [tilespmem:v31+s12+$0x0], $0xffff  }
0xf0: {  	v34 =	vor.u32 v19, v11;
	_ =	sdelay $0x3  }
0xf1: {  	[tilespmem:v33+s15+$0x0] =	vst.idx.msk $0xffff, v17  }
0xf2: {  	v15 =	vor.u32 v30, v12;
	v17 =	vld.idx.msk [tilespmem:v34+s12+$0x0], $0xffff  }
0xf3: {  	v35 =	vor.u32 v19, v13;
	_ =	sdelay $0x1  }
0xf4: {  	s25 =	sadd.s32 $0x1, s24  }
0xf5: {  	v36 =	vadd.s32 s25, v0  }
0xf6: {  	v37 =	vand.u32 $0xF, v36;
	[tilespmem:v15+s15+$0x0] =	vst.idx.msk $0xffff, v17  }
0xf7: {  	v16 =	vor.u32 v32, v14;
	v38 =	vor.u32 v6, v37;
	v17 =	vld.idx.msk [tilespmem:v35+s12+$0x0], $0xffff  }
0xf8: {  	v39 =	vor.u32 v8, v38;
	_ =	sdelay $0x3  }
0xf9: {  	v15 =	vshll.u32 v37, $0xA;
	[tilespmem:v16+s15+$0x0] =	vst.idx.msk $0xffff, v17  }
0xfa: {  	v40 =	vor.u32 v15, v7;
	v16 =	vld.idx.msk [tilespmem:v39+s12+$0x0], $0xffff  }
0xfb: {  	v41 =	vor.u32 v38, v9;
	_ =	sdelay $0x3  }
0xfc: {  	[tilespmem:v40+s15+$0x0] =	vst.idx.msk $0xffff, v16  }
0xfd: {  	v42 =	vor.u32 v15, v10;
	v16 =	vld.idx.msk [tilespmem:v41+s12+$0x0], $0xffff  }
0xfe: {  	v43 =	vor.u32 v38, v11;
	_ =	sdelay $0x3  }
0xff: {  	[tilespmem:v42+s15+$0x0] =	vst.idx.msk $0xffff, v16  }
0x100: {  	v44 =	vor.u32 v15, v12;
	v16 =	vld.idx.msk [tilespmem:v43+s12+$0x0], $0xffff  }
0x101: {  	v18 =	vor.u32 v38, v13;
	_ =	sdelay $0x1  }
0x102: {  	s30 =	sadd.s32 $0x2, s24  }
0x103: {  	v45 =	vadd.s32 s30, v0  }
0x104: {  	v46 =	vand.u32 $0xF, v45;
	[tilespmem:v44+s15+$0x0] =	vst.idx.msk $0xffff, v16  }
0x105: {  	v47 =	vor.u32 v6, v46;
	v15 =	vor.u32 v15, v14;
	v17 =	vld.idx.msk [tilespmem:v18+s12+$0x0], $0xffff  }
0x106: {  	v48 =	vor.u32 v8, v47;
	_ =	sdelay $0x3  }
0x107: {  	v49 =	vshll.u32 v46, $0xA;
	[tilespmem:v15+s15+$0x0] =	vst.idx.msk $0xffff, v17  }
0x108: {  	v51 =	vor.u32 v49, v7;
	v50 =	vld.idx.msk [tilespmem:v48+s12+$0x0], $0xffff  }
0x109: {  	v52 =	vor.u32 v47, v9;
	_ =	sdelay $0x3  }
0x10a: {  	[tilespmem:v51+s15+$0x0] =	vst.idx.msk $0xffff, v50  }
0x10b: {  	v53 =	vor.u32 v49, v10;
	v16 =	vld.idx.msk [tilespmem:v52+s12+$0x0], $0xffff  }
0x10c: {  	v54 =	vor.u32 v47, v11;
	_ =	sdelay $0x3  }
0x10d: {  	[tilespmem:v53+s15+$0x0] =	vst.idx.msk $0xffff, v16  }
0x10e: {  	v55 =	vor.u32 v49, v12;
	v16 =	vld.idx.msk [tilespmem:v54+s12+$0x0], $0xffff  }
0x10f: {  	v18 =	vor.u32 v47, v13;
	_ =	sdelay $0x1  }
0x110: {  	s31 =	sadd.s32 $0x3, s24  }
0x111: {  	v56 =	vadd.s32 s31, v0  }
0x112: {  	v57 =	vand.u32 $0xF, v56;
	[tilespmem:v55+s15+$0x0] =	vst.idx.msk $0xffff, v16  }
0x113: {  	v6 =	vor.u32 v6, v57;
	v15 =	vor.u32 v49, v14;
	v17 =	vld.idx.msk [tilespmem:v18+s12+$0x0], $0xffff  }
0x114: {  	v58 =	vor.u32 v8, v6;
	_ =	sdelay $0x3  }
0x115: {  	v59 =	vshll.u32 v57, $0xA;
	[tilespmem:v15+s15+$0x0] =	vst.idx.msk $0xffff, v17  }
0x116: {  	v7 =	vor.u32 v59, v7;
	v8 =	vld.idx.msk [tilespmem:v58+s12+$0x0], $0xffff  }
0x117: {  	v60 =	vor.u32 v6, v9;
	_ =	sdelay $0x3  }
0x118: {  	[tilespmem:v7+s15+$0x0] =	vst.idx.msk $0xffff, v8  }
0x119: {  	v61 =	vor.u32 v59, v10;
	v7 =	vld.idx.msk [tilespmem:v60+s12+$0x0], $0xffff  }
0x11a: {  	v62 =	vor.u32 v6, v11;
	_ =	sdelay $0x3  }
0x11b: {  	[tilespmem:v61+s15+$0x0] =	vst.idx.msk $0xffff, v7  }
0x11c: {  	v63 =	vor.u32 v59, v12;
	v7 =	vld.idx.msk [tilespmem:v62+s12+$0x0], $0xffff  }
0x11d: {  	v6 =	vor.u32 v6, v13;
	_ =	sdelay $0x3  }
0x11e: {  	s23 =	sadd.s32 $0x1, s23;
	[tilespmem:v63+s15+$0x0] =	vst.idx.msk $0xffff, v7  }
0x11f: {  	p0 =	sne.s32 s23, $0x8;
	v7 =	vor.u32 v59, v14;
	v6 =	vld.idx.msk [tilespmem:v6+s12+$0x0], $0xffff  }
.Ltmp1:
0x120: {  	_ = 	snop;
	(pc) =	sbr.rel @p0 .LBB2_4-.Ltmp1, $2  }
0x121: {  	_ =	sdelay $0x2  }
0x122: {  	[tilespmem:v7+s15+$0x0] =	vst.idx.msk $0xffff, v6  }
0x123: {  	p0 =	seq.s32 s20, $0x3  }
0x124: {  	s22 =	sshrl.u32 @!p0 s22, $0x2  }
0x125: {  	s23 =	simm.s32 @!p0 $0x80;
	s24 =	simm.s32 @!p0 $0x800;
	s22 =	sadd.s32 @!p0 $0x500, s22  }
0x126: {  	[tilespmem:s24], [sflag:$0x1] =	stream.indirect.gather @!p0 [hbm4b:s5+s23], $0x80, s22, s23, $0xb8;
	[tilespmem:$0x18800] =	vst v63  }
0x127: {  	_ =	swait.ge [sflag:s16], $0x4000  }
0x128: {  	v1 =	vmov s21;
	[sflag:s16] =	ssyncset.done $0x0  }
0x129: {  	s21 =	simm.s32 $0x0;
	v2 =	vor.u32 $0x4000, v1;
	v3 =	vor.u32 $0x8000, v1;
	v4 =	vor.u32 $0xC000, v1;
	s22 =	simm.s32 $0x0;
	[sflag:s16] =	ssyncadd.s32 $0xFFFFC000  }
.LBB2_8:
0x12a: {  	_ =	sdelay $0x2  }
0x12b: {  	s23 =	sshll.u32 s22, $0x4  }
0x12c: {  	v5 =	vld.idx.msk [tilespmem:v1+s23+$0x0 ss:$0x1], $0xffff;
	_ =	sdelay $0x4  }
0x12d: {  	v10 =	vadd.s32 s21, v0;
	v5 =	vshll.u32 v5, $0x6  }
0x12e: {  	v13 =	vor.u32 s23, v0;
	v8 =	vand.u32 $0xF, v10;
	v5 =	vand.u32 $0x40, v5  }
0x12f: {  	v7 =	vshll.u32 v13, $0x7;
	v14 =	vor.u32 v5, v8  }
0x130: {  	v9 =	vor.u32 v7, v14;
	_ =	sdelay $0x3  }
0x131: {  	v6 =	vor.u32 v1, v13;
	v15 =	vshll.u32 v8, $0xA  }
0x132: {  	v12 =	vor.u32 v15, v6;
	v8 =	vor.u32 $0x10, v7;
	v11 =	vld.idx.msk [tilespmem:v9+s14+$0x0], $0xffff  }
0x133: {  	v16 =	vor.u32 v14, v8;
	_ =	sdelay $0x3  }
0x134: {  	v17 =	vshll.u32 v10, $0xA;
	v9 =	vor.u32 v2, v13;
	[tilespmem:v12+s15+$0x0] =	vst.idx.msk $0xffff, v11  }
0x135: {  	v10 =	vor.u32 $0x20, v7;
	v12 =	vld.idx.msk [tilespmem:v16+s14+$0x0], $0xffff;
	v16 =	vor.u32 v17, v9  }
0x136: {  	v18 =	vor.u32 v14, v10;
	_ =	sdelay $0x3  }
0x137: {  	v11 =	vor.u32 v3, v13;
	[tilespmem:v16+s15+$0x0] =	vst.idx.msk $0xffff, v12  }
0x138: {  	v15 =	vor.u32 v15, v11;
	v12 =	vor.u32 $0x30, v7;
	v16 =	vld.idx.msk [tilespmem:v18+s14+$0x0], $0xffff  }
0x139: {  	v14 =	vor.u32 v14, v12;
	_ =	sdelay $0x1  }
0x13a: {  	s29 =	simm.s32 $0x1  }
0x13b: {  	v18 =	vadd.s32 s29, v0  }
0x13c: {  	v13 =	vor.u32 v4, v13;
	[tilespmem:v15+s15+$0x0] =	vst.idx.msk $0xffff, v16;
	v15 =	vand.u32 $0xF, v18  }
0x13d: {  	v16 =	vor.u32 v17, v13;
	v14 =	vld.idx.msk [tilespmem:v14+s14+$0x0], $0xffff;
	v17 =	vor.u32 v5, v15  }
0x13e: {  	v18 =	vor.u32 v7, v17;
	_ =	sdelay $0x3  }
0x13f: {  	[tilespmem:v16+s15+$0x0] =	vst.idx.msk $0xffff, v14;
	v14 =	vshll.u32 v15, $0xA  }
0x140: {  	v15 =	vld.idx.msk [tilespmem:v18+s14+$0x0], $0xffff;
	v16 =	vor.u32 v14, v6  }
0x141: {  	v18 =	vor.u32 v17, v8;
	_ =	sdelay $0x3  }
0x142: {  	[tilespmem:v16+s15+$0x0] =	vst.idx.msk $0xffff, v15  }
0x143: {  	v16 =	vor.u32 v14, v9;
	v15 =	vld.idx.msk [tilespmem:v18+s14+$0x0], $0xffff  }
0x144: {  	v18 =	vor.u32 v17, v10;
	_ =	sdelay $0x3  }
0x145: {  	[tilespmem:v16+s15+$0x0] =	vst.idx.msk $0xffff, v15  }
0x146: {  	v16 =	vor.u32 v14, v11;
	v15 =	vld.idx.msk [tilespmem:v18+s14+$0x0], $0xffff  }
0x147: {  	v17 =	vor.u32 v17, v12;
	_ =	sdelay $0x1  }
0x148: {  	s30 =	simm.s32 $0x2  }
0x149: {  	v18 =	vadd.s32 s30, v0  }
0x14a: {  	[tilespmem:v16+s15+$0x0] =	vst.idx.msk $0xffff, v15;
	v15 =	vand.u32 $0xF, v18  }
0x14b: {  	v14 =	vor.u32 v14, v13;
	v16 =	vld.idx.msk [tilespmem:v17+s14+$0x0], $0xffff;
	v17 =	vor.u32 v5, v15  }
0x14c: {  	v18 =	vor.u32 v7, v17;
	_ =	sdelay $0x3  }
0x14d: {  	[tilespmem:v14+s15+$0x0] =	vst.idx.msk $0xffff, v16;
	v14 =	vshll.u32 v15, $0xA  }
0x14e: {  	v15 =	vld.idx.msk [tilespmem:v18+s14+$0x0], $0xffff;
	v16 =	vor.u32 v14, v6  }
0x14f: {  	v18 =	vor.u32 v17, v8;
	_ =	sdelay $0x3  }
0x150: {  	[tilespmem:v16+s15+$0x0] =	vst.idx.msk $0xffff, v15  }
0x151: {  	v16 =	vor.u32 v14, v9;
	v15 =	vld.idx.msk [tilespmem:v18+s14+$0x0], $0xffff  }
0x152: {  	v18 =	vor.u32 v17, v10;
	_ =	sdelay $0x3  }
0x153: {  	[tilespmem:v16+s15+$0x0] =	vst.idx.msk $0xffff, v15  }
0x154: {  	v16 =	vor.u32 v14, v11;
	v15 =	vld.idx.msk [tilespmem:v18+s14+$0x0], $0xffff  }
0x155: {  	v17 =	vor.u32 v17, v12;
	_ =	sdelay $0x1  }
0x156: {  	s31 =	simm.s32 $0x3  }
0x157: {  	v18 =	vadd.s32 s31, v0  }
0x158: {  	[tilespmem:v16+s15+$0x0] =	vst.idx.msk $0xffff, v15;
	v15 =	vand.u32 $0xF, v18  }
0x159: {  	v14 =	vor.u32 v14, v13;
	v16 =	vld.idx.msk [tilespmem:v17+s14+$0x0], $0xffff;
	v17 =	vor.u32 v5, v15  }
0x15a: {  	v18 =	vor.u32 v7, v17;
	_ =	sdelay $0x3  }
0x15b: {  	[tilespmem:v14+s15+$0x0] =	vst.idx.msk $0xffff, v16;
	v14 =	vshll.u32 v15, $0xA  }
0x15c: {  	v15 =	vld.idx.msk [tilespmem:v18+s14+$0x0], $0xffff;
	v16 =	vor.u32 v14, v6  }
0x15d: {  	v18 =	vor.u32 v17, v8;
	_ =	sdelay $0x3  }
0x15e: {  	[tilespmem:v16+s15+$0x0] =	vst.idx.msk $0xffff, v15  }
0x15f: {  	v16 =	vor.u32 v14, v9;
	v15 =	vld.idx.msk [tilespmem:v18+s14+$0x0], $0xffff  }
0x160: {  	v18 =	vor.u32 v17, v10;
	_ =	sdelay $0x3  }
0x161: {  	[tilespmem:v16+s15+$0x0] =	vst.idx.msk $0xffff, v15  }
0x162: {  	v19 =	vor.u32 v14, v11;
	v18 =	vld.idx.msk [tilespmem:v18+s14+$0x0], $0xffff  }
0x163: {  	v16 =	vor.u32 v17, v12;
	_ =	sdelay $0x2  }
0x164: {  	s23 =	simm.s32 $0x4  }
0x165: {  	s24 =	simm.s32 $0x8;
	v15 =	vadd.s32 s23, v0;
	[tilespmem:v19+s15+$0x0] =	vst.idx.msk $0xffff, v18  }
.LBB2_9:
0x166: {  	p0 =	slt.u32 s24, $0xC;
	v17 =	vand.u32 $0xF, v15;
	v16 =	vld.idx.msk [tilespmem:v16+s14+$0x0], $0xffff  }
0x167: {  	v14 =	vor.u32 v14, v13;
	v18 =	vor.u32 v5, v17  }
0x168: {  	v19 =	vor.u32 v7, v18;
	_ =	sdelay $0x3  }
0x169: {  	[tilespmem:v14+s15+$0x0] =	vst.idx.msk $0xffff, v16  }
0x16a: {  	v16 =	vshll.u32 v17, $0xA;
	v14 =	vld.idx.msk [tilespmem:v19+s14+$0x0], $0xffff  }
0x16b: {  	v17 =	vor.u32 v16, v6  }
0x16c: {  	v19 =	vor.u32 v18, v8;
	_ =	sdelay $0x3  }
0x16d: {  	[tilespmem:v17+s15+$0x0] =	vst.idx.msk $0xffff, v14  }
0x16e: {  	v15 =	vshll.u32 v15, $0xA;
	v14 =	vld.idx.msk [tilespmem:v19+s14+$0x0], $0xffff  }
0x16f: {  	v17 =	vor.u32 v15, v9  }
0x170: {  	v19 =	vor.u32 v18, v10;
	_ =	sdelay $0x3  }
0x171: {  	[tilespmem:v17+s15+$0x0] =	vst.idx.msk $0xffff, v14  }
0x172: {  	v14 =	vld.idx.msk [tilespmem:v19+s14+$0x0], $0xffff  }
0x173: {  	v16 =	vor.u32 v16, v11  }
0x174: {  	v17 =	vor.u32 v18, v12;
	_ =	sdelay $0x2  }
0x175: {  	s25 =	sadd.s32 $0x1, s23  }
0x176: {  	[tilespmem:v16+s15+$0x0] =	vst.idx.msk $0xffff, v14;
	v14 =	vadd.s32 s25, v0  }
0x177: {  	v16 =	vld.idx.msk [tilespmem:v17+s14+$0x0], $0xffff;
	v14 =	vand.u32 $0xF, v14  }
0x178: {  	v15 =	vor.u32 v15, v13;
	v17 =	vor.u32 v5, v14  }
0x179: {  	v18 =	vor.u32 v7, v17;
	_ =	sdelay $0x3  }
0x17a: {  	[tilespmem:v15+s15+$0x0] =	vst.idx.msk $0xffff, v16  }
0x17b: {  	v14 =	vshll.u32 v14, $0xA;
	v15 =	vld.idx.msk [tilespmem:v18+s14+$0x0], $0xffff  }
0x17c: {  	v16 =	vor.u32 v14, v6  }
0x17d: {  	v18 =	vor.u32 v17, v8;
	_ =	sdelay $0x3  }
0x17e: {  	[tilespmem:v16+s15+$0x0] =	vst.idx.msk $0xffff, v15  }
0x17f: {  	v15 =	vld.idx.msk [tilespmem:v18+s14+$0x0], $0xffff  }
0x180: {  	v16 =	vor.u32 v14, v9  }
0x181: {  	v18 =	vor.u32 v17, v10;
	_ =	sdelay $0x3  }
0x182: {  	[tilespmem:v16+s15+$0x0] =	vst.idx.msk $0xffff, v15  }
0x183: {  	v15 =	vld.idx.msk [tilespmem:v18+s14+$0x0], $0xffff  }
0x184: {  	v16 =	vor.u32 v14, v11  }
0x185: {  	v17 =	vor.u32 v17, v12;
	_ =	sdelay $0x2  }
0x186: {  	s25 =	sadd.s32 $0x2, s23  }
0x187: {  	[tilespmem:v16+s15+$0x0] =	vst.idx.msk $0xffff, v15;
	v15 =	vadd.s32 s25, v0  }
0x188: {  	v16 =	vld.idx.msk [tilespmem:v17+s14+$0x0], $0xffff;
	v15 =	vand.u32 $0xF, v15  }
0x189: {  	v14 =	vor.u32 v14, v13;
	v17 =	vor.u32 v5, v15  }
0x18a: {  	v18 =	vor.u32 v7, v17;
	_ =	sdelay $0x3  }
0x18b: {  	[tilespmem:v14+s15+$0x0] =	vst.idx.msk $0xffff, v16  }
0x18c: {  	v15 =	vshll.u32 v15, $0xA;
	v14 =	vld.idx.msk [tilespmem:v18+s14+$0x0], $0xffff  }
0x18d: {  	v16 =	vor.u32 v15, v6  }
0x18e: {  	v18 =	vor.u32 v17, v8;
	_ =	sdelay $0x3  }
0x18f: {  	[tilespmem:v16+s15+$0x0] =	vst.idx.msk $0xffff, v14  }
0x190: {  	v14 =	vld.idx.msk [tilespmem:v18+s14+$0x0], $0xffff  }
0x191: {  	v16 =	vor.u32 v15, v9  }
0x192: {  	v18 =	vor.u32 v17, v10;
	_ =	sdelay $0x3  }
0x193: {  	[tilespmem:v16+s15+$0x0] =	vst.idx.msk $0xffff, v14  }
0x194: {  	v14 =	vld.idx.msk [tilespmem:v18+s14+$0x0], $0xffff  }
0x195: {  	v16 =	vor.u32 v15, v11  }
0x196: {  	v17 =	vor.u32 v17, v12;
	_ =	sdelay $0x2  }
0x197: {  	s25 =	sadd.s32 $0x3, s23;
	s23 =	smov.u32 s24  }
0x198: {  	[tilespmem:v16+s15+$0x0] =	vst.idx.msk $0xffff, v14;
	v14 =	vadd.s32 s25, v0  }
0x199: {  	v16 =	vld.idx.msk [tilespmem:v17+s14+$0x0], $0xffff;
	v14 =	vand.u32 $0xF, v14  }
0x19a: {  	v15 =	vor.u32 v15, v13;
	v17 =	vor.u32 v5, v14  }
0x19b: {  	v18 =	vor.u32 v7, v17;
	_ =	sdelay $0x3  }
0x19c: {  	[tilespmem:v15+s15+$0x0] =	vst.idx.msk $0xffff, v16  }
0x19d: {  	v14 =	vshll.u32 v14, $0xA;
	v15 =	vld.idx.msk [tilespmem:v18+s14+$0x0], $0xffff  }
0x19e: {  	v16 =	vor.u32 v14, v6  }
0x19f: {  	v18 =	vor.u32 v17, v8;
	_ =	sdelay $0x3  }
0x1a0: {  	[tilespmem:v16+s15+$0x0] =	vst.idx.msk $0xffff, v15  }
0x1a1: {  	v15 =	vld.idx.msk [tilespmem:v18+s14+$0x0], $0xffff  }
0x1a2: {  	v16 =	vor.u32 v14, v9  }
0x1a3: {  	v18 =	vor.u32 v17, v10;
	_ =	sdelay $0x3  }
0x1a4: {  	[tilespmem:v16+s15+$0x0] =	vst.idx.msk $0xffff, v15  }
0x1a5: {  	v18 =	vld.idx.msk [tilespmem:v18+s14+$0x0], $0xffff  }
0x1a6: {  	v19 =	vor.u32 v14, v11  }
.Ltmp2:
0x1a7: {  	v16 =	vor.u32 v17, v12;
	(pc) =	sbr.rel @p0 .LBB2_9-.Ltmp2, $2  }
0x1a8: {  	_ =	sdelay $0x2  }
0x1a9: {  	s24 =	sadd.s32 $0x4, s24;
	v15 =	vadd.s32 s23, v0;
	[tilespmem:v19+s15+$0x0] =	vst.idx.msk $0xffff, v18  }
0x1aa: {  	_ =	sdelay $0x2  }
0x1ab: {  	v17 =	vand.u32 $0xF, v15  }
0x1ac: {  	v16 =	vld.idx.msk [tilespmem:v16+s14+$0x0], $0xffff;
	v14 =	vor.u32 v14, v13;
	v18 =	vor.u32 v5, v17  }
0x1ad: {  	v19 =	vor.u32 v7, v18;
	_ =	sdelay $0x3  }
0x1ae: {  	v33 =	vshll.u32 v17, $0xA;
	[tilespmem:v14+s15+$0x0] =	vst.idx.msk $0xffff, v16  }
0x1af: {  	v17 =	vor.u32 v33, v6;
	v16 =	vld.idx.msk [tilespmem:v19+s14+$0x0], $0xffff  }
0x1b0: {  	v34 =	vor.u32 v18, v8;
	_ =	sdelay $0x3  }
0x1b1: {  	v35 =	vshll.u32 v15, $0xA;
	[tilespmem:v17+s15+$0x0] =	vst.idx.msk $0xffff, v16  }
0x1b2: {  	v36 =	vor.u32 v35, v9;
	v16 =	vld.idx.msk [tilespmem:v34+s14+$0x0], $0xffff  }
0x1b3: {  	v37 =	vor.u32 v18, v10;
	_ =	sdelay $0x3  }
0x1b4: {  	[tilespmem:v36+s15+$0x0] =	vst.idx.msk $0xffff, v16  }
0x1b5: {  	v14 =	vor.u32 v33, v11;
	v16 =	vld.idx.msk [tilespmem:v37+s14+$0x0], $0xffff  }
0x1b6: {  	v38 =	vor.u32 v18, v12;
	_ =	sdelay $0x1  }
0x1b7: {  	s24 =	sadd.s32 $0x1, s23  }
0x1b8: {  	v39 =	vadd.s32 s24, v0  }
0x1b9: {  	v40 =	vand.u32 $0xF, v39;
	[tilespmem:v14+s15+$0x0] =	vst.idx.msk $0xffff, v16  }
0x1ba: {  	v15 =	vor.u32 v35, v13;
	v41 =	vor.u32 v5, v40;
	v16 =	vld.idx.msk [tilespmem:v38+s14+$0x0], $0xffff  }
0x1bb: {  	v42 =	vor.u32 v7, v41;
	_ =	sdelay $0x3  }
0x1bc: {  	v14 =	vshll.u32 v40, $0xA;
	[tilespmem:v15+s15+$0x0] =	vst.idx.msk $0xffff, v16  }
0x1bd: {  	v43 =	vor.u32 v14, v6;
	v15 =	vld.idx.msk [tilespmem:v42+s14+$0x0], $0xffff  }
0x1be: {  	v44 =	vor.u32 v41, v8;
	_ =	sdelay $0x3  }
0x1bf: {  	[tilespmem:v43+s15+$0x0] =	vst.idx.msk $0xffff, v15  }
0x1c0: {  	v45 =	vor.u32 v14, v9;
	v15 =	vld.idx.msk [tilespmem:v44+s14+$0x0], $0xffff  }
0x1c1: {  	v46 =	vor.u32 v41, v10;
	_ =	sdelay $0x3  }
0x1c2: {  	[tilespmem:v45+s15+$0x0] =	vst.idx.msk $0xffff, v15  }
0x1c3: {  	v47 =	vor.u32 v14, v11;
	v15 =	vld.idx.msk [tilespmem:v46+s14+$0x0], $0xffff  }
0x1c4: {  	v17 =	vor.u32 v41, v12;
	_ =	sdelay $0x1  }
0x1c5: {  	s30 =	sadd.s32 $0x2, s23  }
0x1c6: {  	v48 =	vadd.s32 s30, v0  }
0x1c7: {  	v49 =	vand.u32 $0xF, v48;
	[tilespmem:v47+s15+$0x0] =	vst.idx.msk $0xffff, v15  }
0x1c8: {  	v50 =	vor.u32 v5, v49;
	v14 =	vor.u32 v14, v13;
	v16 =	vld.idx.msk [tilespmem:v17+s14+$0x0], $0xffff  }
0x1c9: {  	v51 =	vor.u32 v7, v50;
	_ =	sdelay $0x3  }
0x1ca: {  	v52 =	vshll.u32 v49, $0xA;
	[tilespmem:v14+s15+$0x0] =	vst.idx.msk $0xffff, v16  }
0x1cb: {  	v54 =	vor.u32 v52, v6;
	v53 =	vld.idx.msk [tilespmem:v51+s14+$0x0], $0xffff  }
0x1cc: {  	v55 =	vor.u32 v50, v8;
	_ =	sdelay $0x3  }
0x1cd: {  	[tilespmem:v54+s15+$0x0] =	vst.idx.msk $0xffff, v53  }
0x1ce: {  	v56 =	vor.u32 v52, v9;
	v15 =	vld.idx.msk [tilespmem:v55+s14+$0x0], $0xffff  }
0x1cf: {  	v57 =	vor.u32 v50, v10;
	_ =	sdelay $0x3  }
0x1d0: {  	[tilespmem:v56+s15+$0x0] =	vst.idx.msk $0xffff, v15  }
0x1d1: {  	v58 =	vor.u32 v52, v11;
	v15 =	vld.idx.msk [tilespmem:v57+s14+$0x0], $0xffff  }
0x1d2: {  	v17 =	vor.u32 v50, v12;
	_ =	sdelay $0x1  }
0x1d3: {  	s31 =	sadd.s32 $0x3, s23  }
0x1d4: {  	v59 =	vadd.s32 s31, v0  }
0x1d5: {  	v60 =	vand.u32 $0xF, v59;
	[tilespmem:v58+s15+$0x0] =	vst.idx.msk $0xffff, v15  }
0x1d6: {  	v5 =	vor.u32 v5, v60;
	v14 =	vor.u32 v52, v13;
	v16 =	vld.idx.msk [tilespmem:v17+s14+$0x0], $0xffff  }
0x1d7: {  	v7 =	vor.u32 v7, v5;
	_ =	sdelay $0x3  }
0x1d8: {  	v61 =	vshll.u32 v60, $0xA;
	[tilespmem:v14+s15+$0x0] =	vst.idx.msk $0xffff, v16  }
0x1d9: {  	v6 =	vor.u32 v61, v6;
	v7 =	vld.idx.msk [tilespmem:v7+s14+$0x0], $0xffff  }
0x1da: {  	v62 =	vor.u32 v5, v8;
	_ =	sdelay $0x3  }
0x1db: {  	[tilespmem:v6+s15+$0x0] =	vst.idx.msk $0xffff, v7  }
0x1dc: {  	v7 =	vor.u32 v61, v9;
	v6 =	vld.idx.msk [tilespmem:v62+s14+$0x0], $0xffff  }
0x1dd: {  	v63 =	vor.u32 v5, v10;
	_ =	sdelay $0x3  }
0x1de: {  	[tilespmem:v7+s15+$0x0] =	vst.idx.msk $0xffff, v6  }
0x1df: {  	v7 =	vor.u32 v61, v11;
	v6 =	vld.idx.msk [tilespmem:v63+s14+$0x0], $0xffff  }
0x1e0: {  	v5 =	vor.u32 v5, v12;
	_ =	sdelay $0x3  }
0x1e1: {  	s22 =	sadd.s32 $0x1, s22;
	[tilespmem:v7+s15+$0x0] =	vst.idx.msk $0xffff, v6  }
0x1e2: {  	p0 =	sne.s32 s22, $0x8;
	v6 =	vor.u32 v61, v13;
	v5 =	vld.idx.msk [tilespmem:v5+s14+$0x0], $0xffff  }
.Ltmp3:
0x1e3: {  	_ = 	snop;
	(pc) =	sbr.rel @p0 .LBB2_8-.Ltmp3, $2  }
0x1e4: {  	_ =	sdelay $0x2  }
0x1e5: {  	[tilespmem:v6+s15+$0x0] =	vst.idx.msk $0xffff, v5  }
0x1e6: {  	s20 =	sadd.s32 $0x1, s20  }
0x1e7: {  	p0 =	sne.s32 s20, $0x4  }
.Ltmp4:
0x1e8: {  	_ = 	snop;
	(pc) =	sbr.rel @p0 .LBB2_3-.Ltmp4, $1  }
0x1e9: {  	_ =	sdelay $0x3  }
0x1ea: {  	s18 =	sadd.s32 $0x1, s18  }
0x1eb: {  	p0 =	sne.s32 s18, s6  }
.Ltmp5:
0x1ec: {  	s19 =	sadd.s32 s2, s19;
	(pc) =	sbr.rel @p0 .LBB2_2-.Ltmp5, $4  }
0x1ed: {  	[hbm4b:s19+s11] =	stream.strided.scatter [tilespmem:s15], [sflag:$0x3], $0x10000, s17, s11, $0x38;
	[tilespmem:$0x18800] =	vst v63  }
0x1ee: {  	_ =	swait.ge [sflag:s9], $0x10000  }
0x1ef: {  	[sflag:s9] =	ssyncset.done $0x0  }
0x1f0: {  	[sflag:s9] =	ssyncadd.s32 $0xFFFF0000  }
0x1f1: {  	s3 =	sadd.s32 $0x1, s3  }
0x1f2: {  	p0 =	sne.s32 s3, s8  }
.Ltmp6:
0x1f3: {  	_ = 	snop;
	(pc) =	sbr.rel @p0 .LBB2_1-.Ltmp6, $1  }
0x1f4: {  	_ =	sdelay $0x3  }
0x1f5: {  	_ =	sfence.sel $0x180000  }
0x1f6: {  	[bflag:$0x0] =	sbarrier.arrive $0xFFFF  }
0x1f7: {  	p0 =	sne.s32 s4, $0x0;
	_ =	strace $0x9000004A  }
0x1f8: {  	s0 =	sadd.s32 @!p0 $0x100000, s0;
	[bflag:$0x2] =	sbarrier.arrive $0xFFFF  }
0x1f9: {  	[sflag:s0] =	ssyncadd.tile.s32 @!p0 $0x1;
	_ =	shalt  }
.Lfunc_end2:
_tile_overlayer_lowered:
.L_overlay_start_2:
0x1fa: {  	(tag) =	ssettag $0x2  }
0x1fb: {  	s0 =	rddreg [dreg:$0x0];
	s2 =	stileid.u32  }
0x1fc: {  	s1 =	rddreg [dreg:$0x1];
	p0 =	sne.s32 s2, $0x0  }
0x1fd: {  	s3 =	rddreg [dreg:$0x2];
	[bflag:$0x3] =	sbarrier.arrive $0xFFFF;
	s2 =	simm.s32 @!p0 $0x1C03  }
0x1fe: {  	[timem:s3], [sflag:s2] =	dma.local @!p0 [hbm:s0], s1  }
0x1ff: {  	s0 =	simm.s32 @!p0 $0x3  }
0x200: {  	_ =	swait.ge @!p0 [sflag:s0], s1  }
0x201: {  	s1 =	ssub.s32 @!p0 $0x0, s1;
	[sflag:s0] =	ssyncset.done @!p0 $0x0  }
0x202: {  	[sflag:s0] =	ssyncadd.s32 @!p0 s1  }
0x203: {  	[bflag:$0x3] =	sbarrier.arrive $0xFFFF  }
0x204: {  	_ =	shalt  }

</sc_bundles>
